<compile_context>
chip_gen: v7x
topology: tpu7x:2x2x1
jax: 0.10.2.dev20260603
libtpu: 0.0.44.dev20260713+nightly
codegen_flags: <defaults>
</compile_context>

<pallas_src>
import jax
import jax.numpy as jnp
from jax import lax
from jax.experimental import pallas as pl
from jax.experimental.pallas import tpu as pltpu
from jax.experimental.pallas import tpu_sc as plsc

N = 10000
M = 32
AD = 128
BD = 16
C = 2 * AD
NM = N * M
EPS = 1e-5
LOG2E = 1.4426950408889634

HALVES = 2
N_H = N // HALVES
NM_H = NM // HALVES

A_TILE = 200
R_TILE = A_TILE * M
GRID_H = N_H // A_TILE

SC_CORES = 2
SC_SUBCORES = 16
NW = SC_CORES * SC_SUBCORES
ROWS_PER_W = NM_H // NW
CHUNK = 40
CHUNKS = ROWS_PER_W // CHUNK


def _pack_bf16_pair(lo, hi):
    ul = lax.bitcast_convert_type(lo, jnp.uint32)
    uh = lax.bitcast_convert_type(hi, jnp.uint32)
    bl = (ul + jnp.uint32(0x7FFF) + ((ul >> 16) & jnp.uint32(1))) >> 16
    bh = (uh + jnp.uint32(0x7FFF) + ((uh >> 16) & jnp.uint32(1))) >> 16
    return lax.bitcast_convert_type(bl | (bh << 16), jnp.int32)


def _unpack_bf16_pair(w):
    u = lax.bitcast_convert_type(w, jnp.uint32)
    lo = lax.bitcast_convert_type(u << 16, jnp.float32)
    hi = lax.bitcast_convert_type(u, jnp.float32)
    return lo, hi


def _proj_body(atom_ref, w1t_ref, w2t_ref, b_ref, p1_ref, p2_ref):
    x = atom_ref[...]
    p1_ref[...] = (
        jnp.dot(x, w1t_ref[...], preferred_element_type=jnp.float32) + b_ref[...]
    )
    p2 = jnp.dot(x, w2t_ref[...], preferred_element_type=jnp.float32)
    p2_ref[...] = _pack_bf16_pair(p2[:, :AD], p2[:, AD:])


def _project(atom, w1t, w2t, b2):
    rows = 1000
    return pl.pallas_call(
        _proj_body,
        grid=(N // rows,),
        in_specs=[
            pl.BlockSpec((rows, AD), lambda i: (i, 0)),
            pl.BlockSpec((AD, C), lambda i: (0, 0)),
            pl.BlockSpec((AD, C), lambda i: (0, 0)),
            pl.BlockSpec((1, C), lambda i: (0, 0)),
        ],
        out_specs=[
            pl.BlockSpec((rows, C), lambda i: (i, 0)),
            pl.BlockSpec((rows, AD), lambda i: (i, 0)),
        ],
        out_shape=[
            jax.ShapeDtypeStruct((N, C), jnp.float32),
            jax.ShapeDtypeStruct((N, AD), jnp.int32),
        ],
    )(atom, w1t, w2t, b2)


def _gather_body(idx_hbm, p2_hbm, out_hbm, idx_v,
                 b0, b1, b2, b3, g0, g1, g2, g3, w0, w1, w2, w3):
    wid = lax.axis_index("s") * SC_CORES + lax.axis_index("c")
    base = wid * ROWS_PER_W
    bufs = (b0, b1, b2, b3)
    gsem = (g0, g1, g2, g3)
    wsem = (w0, w1, w2, w3)
    pltpu.sync_copy(idx_hbm.at[pl.ds(base, ROWS_PER_W)], idx_v)

    def gd(c, k):
        off = pl.multiple_of(c * CHUNK, 8)
        return pltpu.make_async_copy(
            p2_hbm.at[idx_v.at[pl.ds(off, CHUNK)]], bufs[k], gsem[k]
        )

    def wd(c, k):
        return pltpu.make_async_copy(
            bufs[k], out_hbm.at[pl.ds(base + c * CHUNK, CHUNK)], wsem[k]
        )

    def chunk(c, k, wait_prev, start_next):
        gd(c, k).wait()
        wd(c, k).start()
        if wait_prev:
            wd(c - 2, (k - 2) % 4).wait()
        if start_next:
            gd(c + 2, (k + 2) % 4).start()

    gd(0, 0).start()
    gd(1, 1).start()
    chunk(0, 0, False, True)
    chunk(1, 1, False, True)
    chunk(2, 2, True, True)
    chunk(3, 3, True, True)

    def step(t, carry):
        c0 = 4 + 4 * t
        chunk(c0, 0, True, True)
        chunk(c0 + 1, 1, True, True)
        chunk(c0 + 2, 2, True, True)
        chunk(c0 + 3, 3, True, True)
        return carry

    lax.fori_loop(0, (CHUNKS - 9) // 4, step, 0)
    c0 = CHUNKS - 5
    chunk(c0, 0, True, True)
    chunk(c0 + 1, 1, True, True)
    chunk(c0 + 2, 2, True, True)
    chunk(c0 + 3, 3, True, False)
    chunk(c0 + 4, 0, True, False)
    wd(c0 + 3, 3).wait()
    wd(c0 + 4, 0).wait()


def _sc_gather(flat_idx_half, p2):
    mesh = plsc.VectorSubcoreMesh(core_axis_name="c", subcore_axis_name="s")
    f = pl.kernel(
        _gather_body,
        out_type=jax.ShapeDtypeStruct((NM_H, AD), jnp.int32),
        mesh=mesh,
        scratch_types=(
            [pltpu.VMEM((ROWS_PER_W,), jnp.int32)]
            + [pltpu.VMEM((CHUNK, AD), jnp.int32) for _ in range(4)]
            + [pltpu.SemaphoreType.DMA for _ in range(8)]
        ),
    )
    return f(flat_idx_half, p2)


def _pre_activation(g2_ref, p1_ref, bond_ref, w3t_ref):
    p1 = p1_ref[...]
    p1rep = jnp.broadcast_to(p1[:, None, :], (A_TILE, M, C)).reshape(R_TILE, C)
    bw = jnp.dot(
        bond_ref[...].astype(jnp.float32),
        w3t_ref[...],
        preferred_element_type=jnp.float32,
    )
    base = p1rep + bw
    lo, hi = _unpack_bf16_pair(g2_ref[...])
    return lo + base[:, :AD], hi + base[:, AD:]


def _stats_body(g2_ref, p1_ref, bond_ref, w3t_ref, sums_ref):
    gl, gh = _pre_activation(g2_ref, p1_ref, bond_ref, w3t_ref)

    @pl.when(pl.program_id(0) == 0)
    def _():
        sums_ref[...] = jnp.zeros((8, C), jnp.float32)

    sums_ref[0:1, :AD] += jnp.sum(gl, axis=0, keepdims=True)
    sums_ref[0:1, AD:] += jnp.sum(gh, axis=0, keepdims=True)
    sums_ref[1:2, :AD] += jnp.sum(gl * gl, axis=0, keepdims=True)
    sums_ref[1:2, AD:] += jnp.sum(gh * gh, axis=0, keepdims=True)


def _stats(g2h, p1, bond2, w3t, half):
    a0 = half * GRID_H
    return pl.pallas_call(
        _stats_body,
        grid=(GRID_H,),
        in_specs=[
            pl.BlockSpec((R_TILE, AD), lambda i: (i, 0)),
            pl.BlockSpec((A_TILE, C), lambda i: (i + a0, 0)),
            pl.BlockSpec((R_TILE, BD), lambda i: (i + a0, 0)),
            pl.BlockSpec((BD, C), lambda i: (0, 0)),
        ],
        out_specs=pl.BlockSpec((8, C), lambda i: (0, 0)),
        out_shape=jax.ShapeDtypeStruct((8, C), jnp.float32),
    )(g2h, p1, bond2, w3t)


def _apply_body(g2_ref, p1_ref, bond_ref, w3t_ref, sa_ref, sb_ref, s_ref, sums2_ref):
    gl, gh = _pre_activation(g2_ref, p1_ref, bond_ref, w3t_ref)
    sums = sa_ref[...] + sb_ref[...]
    mean = sums[0:1, :] * (1.0 / NM)
    var = sums[1:2, :] * (1.0 / NM) - mean * mean
    rstd = lax.rsqrt(var + EPS)
    rl = rstd[:, :AD]
    af = rl * (-LOG2E)
    cf = mean[:, :AD] * rl * LOG2E
    filt = 1.0 / (1.0 + jnp.exp2(gl * af + cf))
    rh = rstd[:, AD:]
    y = gh * rh - mean[:, AD:] * rh
    t = jnp.exp2(jnp.abs(y) * (-LOG2E))
    core = jnp.maximum(y, 0.0) + jnp.log(1.0 + t)
    prod = filt * core
    s = jnp.sum(prod.reshape(A_TILE, M, AD), axis=1)
    s_ref[...] = s

    @pl.when(pl.program_id(0) == 0)
    def _():
        sums2_ref[...] = jnp.zeros((8, AD), jnp.float32)

    sums2_ref[0:1, :] += jnp.sum(s, axis=0, keepdims=True)
    sums2_ref[1:2, :] += jnp.sum(s * s, axis=0, keepdims=True)


def _apply(g2h, p1, bond2, w3t, sums_a, sums_b, half):
    a0 = half * GRID_H
    return pl.pallas_call(
        _apply_body,
        grid=(GRID_H,),
        in_specs=[
            pl.BlockSpec((R_TILE, AD), lambda i: (i, 0)),
            pl.BlockSpec((A_TILE, C), lambda i: (i + a0, 0)),
            pl.BlockSpec((R_TILE, BD), lambda i: (i + a0, 0)),
            pl.BlockSpec((BD, C), lambda i: (0, 0)),
            pl.BlockSpec((8, C), lambda i: (0, 0)),
            pl.BlockSpec((8, C), lambda i: (0, 0)),
        ],
        out_specs=[
            pl.BlockSpec((A_TILE, AD), lambda i: (i, 0)),
            pl.BlockSpec((8, AD), lambda i: (0, 0)),
        ],
        out_shape=[
            jax.ShapeDtypeStruct((N_H, AD), jnp.float32),
            jax.ShapeDtypeStruct((8, AD), jnp.float32),
        ],
    )(g2h, p1, bond2, w3t, sums_a, sums_b)


def _final_body(atom_ref, s_ref, s2a_ref, s2b_ref, out_ref):
    sums2 = s2a_ref[...] + s2b_ref[...]
    mean = sums2[0:1, :] * (1.0 / N)
    var = sums2[1:2, :] * (1.0 / N) - mean * mean
    rstd = lax.rsqrt(var + EPS)
    sn = (s_ref[...] - mean) * rstd
    x = atom_ref[...] + sn
    out_ref[...] = jnp.maximum(x, 0.0) + jnp.log1p(jnp.exp2(jnp.abs(x) * (-LOG2E)))


def _final(atom, s_h, sums2_a, sums2_b, half):
    rows = 1000
    a0 = half * (N_H // rows)
    return pl.pallas_call(
        _final_body,
        grid=(N_H // rows,),
        in_specs=[
            pl.BlockSpec((rows, AD), lambda i: (i + a0, 0)),
            pl.BlockSpec((rows, AD), lambda i: (i, 0)),
            pl.BlockSpec((8, AD), lambda i: (0, 0)),
            pl.BlockSpec((8, AD), lambda i: (0, 0)),
        ],
        out_specs=pl.BlockSpec((rows, AD), lambda i: (i, 0)),
        out_shape=jax.ShapeDtypeStruct((N_H, AD), jnp.float32),
    )(atom, s_h, sums2_a, sums2_b)


def kernel(atom, bond, bond_idx, W, b):
    w1t = W[:, :AD].T.astype(jnp.float32)
    w2t = W[:, AD:2 * AD].T.astype(jnp.float32)
    w3t = W[:, 2 * AD:].T.astype(jnp.float32)
    b2 = b.reshape(1, C)

    p1, p2 = _project(atom, w1t, w2t, b2)
    bond2 = bond.reshape(NM, BD).astype(jnp.bfloat16)
    idx2 = bond_idx.reshape(HALVES, NM_H)
    g2a = _sc_gather(idx2[0], p2)
    g2b = _sc_gather(idx2[1], p2)
    sums_a = _stats(g2a, p1, bond2, w3t, 0)
    sums_b = _stats(g2b, p1, bond2, w3t, 1)
    s_a, sums2_a = _apply(g2a, p1, bond2, w3t, sums_a, sums_b, 0)
    s_b, sums2_b = _apply(g2b, p1, bond2, w3t, sums_a, sums_b, 1)
    out_a = _final(atom, s_a, sums2_a, sums2_b, 0)
    out_b = _final(atom, s_b, sums2_a, sums2_b, 1)
    return jnp.concatenate([out_a, out_b], axis=0)

# --- scband reference (transcript-rebuilt; emitter-appended) ---
"""Pipeline reference for scband-graph-conv-21818433864287 (READ-ONLY COPY).

The authoritative reference and input builder live on the scoring server;
editing this copy changes nothing except your own understanding.
"""

import jax, jax.numpy as jnp
import numpy as np

ATOM_DIM = 128
BOND_DIM = 16
N = 10000
M = 32


def setup_inputs(seed: int = 0) -> dict:
    key = jax.random.key(seed)
    k1, k2, k3, k4, k5 = jax.random.split(key, 5)
    atom = jax.random.normal(k1, (N, ATOM_DIM), dtype=jnp.float32)
    bond = jax.random.normal(k2, (N, M, BOND_DIM), dtype=jnp.float32)
    bond_idx = jax.random.randint(k3, (N, M), 0, N, dtype=jnp.int32)
    fan_in = 2 * ATOM_DIM + BOND_DIM
    bound = 1.0 / np.sqrt(fan_in)
    W = jax.random.uniform(k4, (2 * ATOM_DIM, fan_in), minval=-bound, maxval=bound, dtype=jnp.float32)
    b = jax.random.uniform(k5, (2 * ATOM_DIM,), minval=-bound, maxval=bound, dtype=jnp.float32)
    return {"atom": atom, "bond": bond, "bond_idx": bond_idx, "W": W, "b": b}


def _batchnorm(x, axes, eps=1e-5):
    # PyTorch BatchNorm (training mode, affine=False): biased variance over batch dims
    mean = jnp.mean(x, axis=axes, keepdims=True)
    var = jnp.var(x, axis=axes, keepdims=True)
    return (x - mean) / jnp.sqrt(var + eps)


def reference(atom, bond, bond_idx, W, b):
    n, m = bond_idx.shape
    # gather neighbor atom features: atom[bond_idx, :] -> [N, M, atom_dim]
    atom_bond = jnp.take(atom, bond_idx, axis=0)
    # concat [center_atom, neighbor_atom, bond] -> [N, M, 2*atom_dim + bond_dim]
    center = jnp.broadcast_to(atom[:, None, :], (n, m, ATOM_DIM))
    total_bond = jnp.concatenate([center, atom_bond, bond], axis=2)
    # FC_full
    total_gated = total_bond @ W.T + b  # [N, M, 2*atom_dim]
    # BatchNorm1d over (N, C, M) layout == normalize over dims (0, 1) per channel
    total_gated = _batchnorm(total_gated, (0, 1))
    gated_filter, gated_core = jnp.split(total_gated, 2, axis=2)
    gated_filter = jax.nn.sigmoid(gated_filter)
    gated_core = jax.nn.softplus(gated_core)
    sumed_bond = jnp.sum(gated_filter * gated_core, axis=1)  # [N, atom_dim]
    sumed_bond = _batchnorm(sumed_bond, (0,))
    out = jax.nn.softplus(atom + sumed_bond)
    return out

if __name__ == "__main__":
    import jax
    _d = setup_inputs()
    print(jax.jit(kernel)(*tuple(_d.values())))

</pallas_src>

<mosaic_0001>
#map = affine_map<(d0, d1) -> (0)>
#map1 = affine_map<(d0, d1) -> (0, 0)>
module attributes {stable_mosaic.version = 14 : i64} {
  func.func @_gather_body(%arg0: i32, %arg1: i32, %arg2: memref<160000xi32, #tpu.memory_space<hbm>>, %arg3: memref<10000x128xi32, #tpu.memory_space<hbm>>, %arg4: memref<160000x128xi32, #tpu.memory_space<hbm>>, %arg5: memref<5000xi32, #tpu.memory_space<vmem>>, %arg6: memref<40x128xi32, #tpu.memory_space<vmem>>, %arg7: memref<40x128xi32, #tpu.memory_space<vmem>>, %arg8: memref<40x128xi32, #tpu.memory_space<vmem>>, %arg9: memref<40x128xi32, #tpu.memory_space<vmem>>, %arg10: memref<!tpu.dma_semaphore, #tpu.memory_space<semaphore_mem>>, %arg11: memref<!tpu.dma_semaphore, #tpu.memory_space<semaphore_mem>>, %arg12: memref<!tpu.dma_semaphore, #tpu.memory_space<semaphore_mem>>, %arg13: memref<!tpu.dma_semaphore, #tpu.memory_space<semaphore_mem>>, %arg14: memref<!tpu.dma_semaphore, #tpu.memory_space<semaphore_mem>>, %arg15: memref<!tpu.dma_semaphore, #tpu.memory_space<semaphore_mem>>, %arg16: memref<!tpu.dma_semaphore, #tpu.memory_space<semaphore_mem>>, %arg17: memref<!tpu.dma_semaphore, #tpu.memory_space<semaphore_mem>>) attributes {dimension_semantics = [#tpu.dimension_semantics<core_parallel>, #tpu.dimension_semantics<subcore_parallel>], iteration_bounds = array<i64: 2, 16>, scalar_prefetch = 0 : i64, scratch_operands = 13 : i64, tpu.core_type = #tpu.core_type<sc_vector_subcore>, window_params = [{transform_indices = #map}, {transform_indices = #map1}, {transform_indices = #map1}]} {
    %mul3A = arith.constant 2 : i32
    %mul3A_0 = arith.muli %arg1, %mul3A : i32
    %add3A = arith.addi %mul3A_0, %arg0 : i32
    %mul3A_1 = arith.constant 5000 : i32
    %mul3A_2 = arith.muli %add3A, %mul3A_1 : i32
    "tpu.region"() ({
      %run_scoped3A = tpu.sem_alloc : memref<!tpu.dma_semaphore, #tpu.memory_space<semaphore_mem>>
      %dma_start3A_221 = tpu.memref_slice %arg2[%mul3A_2] : memref<160000xi32, #tpu.memory_space<hbm>> -> memref<5000xi32, #tpu.memory_space<hbm>>
      %dma_start3A_222 = tpu.memref_slice %arg2[%mul3A_2] : memref<160000xi32, #tpu.memory_space<hbm>> -> memref<5000xi32, #tpu.memory_space<hbm>>
      tpu.enqueue_dma source(%dma_start3A_222 : memref<5000xi32, #tpu.memory_space<hbm>>) target(%arg5 : memref<5000xi32, #tpu.memory_space<vmem>>) target_semaphore(%run_scoped3A : memref<!tpu.dma_semaphore, #tpu.memory_space<semaphore_mem>>)
      %dma_wait3A_223 = tpu.memref_slice %arg2[%mul3A_2] : memref<160000xi32, #tpu.memory_space<hbm>> -> memref<5000xi32, #tpu.memory_space<hbm>>
      %dma_wait3A_224 = tpu.memref_slice %arg2[%mul3A_2] : memref<160000xi32, #tpu.memory_space<hbm>> -> memref<5000xi32, #tpu.memory_space<hbm>>
      tpu.wait_dma2 semaphore(%run_scoped3A : memref<!tpu.dma_semaphore, #tpu.memory_space<semaphore_mem>>) src(%dma_wait3A_224 : memref<5000xi32, #tpu.memory_space<hbm>>) dst(%arg5 : memref<5000xi32, #tpu.memory_space<vmem>>)
      tpu.yield
    }) : () -> ()
    %multiple_of3A = arith.constant 0 : i32
    %multiple_of3A_3 = tpu.assume_multiple %multiple_of3A, 8 : i32
    %dma_start3A = tpu.memref_slice %arg5[%multiple_of3A_3] : memref<5000xi32, #tpu.memory_space<vmem>> -> memref<40xi32, #tpu.memory_space<vmem>>
    %dma_start3A_4 = arith.constant 0 : i32
    %dma_start3A_5 = arith.constant 0 : i32
    %dma_start3A_6 = tpu.memref_slice %arg3[%dma_start3A_4, %dma_start3A_5] : memref<10000x128xi32, #tpu.memory_space<hbm>> -> memref<10000x128xi32, #tpu.memory_space<hbm>>
    tpu.enqueue_indirect_dma source(%dma_start3A_6 : memref<10000x128xi32, #tpu.memory_space<hbm>>) target(%arg6 : memref<40x128xi32, #tpu.memory_space<vmem>>) offsets(%dma_start3A : memref<40xi32, #tpu.memory_space<vmem>>) semaphore(%arg10 : memref<!tpu.dma_semaphore, #tpu.memory_space<semaphore_mem>>)
    %multiple_of3A_7 = arith.constant 40 : i32
    %multiple_of3A_8 = tpu.assume_multiple %multiple_of3A_7, 8 : i32
    %dma_start3A_9 = tpu.memref_slice %arg5[%multiple_of3A_8] : memref<5000xi32, #tpu.memory_space<vmem>> -> memref<40xi32, #tpu.memory_space<vmem>>
    %dma_start3A_10 = arith.constant 0 : i32
    %dma_start3A_11 = arith.constant 0 : i32
    %dma_start3A_12 = tpu.memref_slice %arg3[%dma_start3A_10, %dma_start3A_11] : memref<10000x128xi32, #tpu.memory_space<hbm>> -> memref<10000x128xi32, #tpu.memory_space<hbm>>
    tpu.enqueue_indirect_dma source(%dma_start3A_12 : memref<10000x128xi32, #tpu.memory_space<hbm>>) target(%arg7 : memref<40x128xi32, #tpu.memory_space<vmem>>) offsets(%dma_start3A_9 : memref<40xi32, #tpu.memory_space<vmem>>) semaphore(%arg11 : memref<!tpu.dma_semaphore, #tpu.memory_space<semaphore_mem>>)
    %multiple_of3A_13 = arith.constant 0 : i32
    %multiple_of3A_14 = tpu.assume_multiple %multiple_of3A_13, 8 : i32
    %dma_wait3A = tpu.memref_slice %arg5[%multiple_of3A_14] : memref<5000xi32, #tpu.memory_space<vmem>> -> memref<40xi32, #tpu.memory_space<vmem>>
    %dma_wait3A_15 = arith.constant 0 : i32
    %dma_wait3A_16 = arith.constant 0 : i32
    %dma_wait3A_17 = tpu.memref_slice %arg3[%dma_wait3A_15, %dma_wait3A_16] : memref<10000x128xi32, #tpu.memory_space<hbm>> -> memref<10000x128xi32, #tpu.memory_space<hbm>>
    tpu.wait_indirect_dma semaphore(%arg10 : memref<!tpu.dma_semaphore, #tpu.memory_space<semaphore_mem>>) src(%dma_wait3A_17 : memref<10000x128xi32, #tpu.memory_space<hbm>>) dst(%arg6 : memref<40x128xi32, #tpu.memory_space<vmem>>)
    %add3A_18 = arith.constant 0 : i32
    %add3A_19 = arith.addi %mul3A_2, %add3A_18 : i32
    %dma_start3A_20 = arith.constant 0 : i32
    %dma_start3A_21 = tpu.memref_slice %arg4[%add3A_19, %dma_start3A_20] : memref<160000x128xi32, #tpu.memory_space<hbm>> -> memref<40x128xi32, #tpu.memory_space<hbm>>
    %dma_start3A_22 = arith.constant 0 : i32
    %dma_start3A_23 = tpu.memref_slice %arg4[%add3A_19, %dma_start3A_22] : memref<160000x128xi32, #tpu.memory_space<hbm>> -> memref<40x128xi32, #tpu.memory_space<hbm>>
    tpu.enqueue_dma source(%arg6 : memref<40x128xi32, #tpu.memory_space<vmem>>) target(%dma_start3A_23 : memref<40x128xi32, #tpu.memory_space<hbm>>) target_semaphore(%arg14 : memref<!tpu.dma_semaphore, #tpu.memory_space<semaphore_mem>>)
    %multiple_of3A_24 = arith.constant 80 : i32
    %multiple_of3A_25 = tpu.assume_multiple %multiple_of3A_24, 8 : i32
    %dma_start3A_26 = tpu.memref_slice %arg5[%multiple_of3A_25] : memref<5000xi32, #tpu.memory_space<vmem>> -> memref<40xi32, #tpu.memory_space<vmem>>
    %dma_start3A_27 = arith.constant 0 : i32
    %dma_start3A_28 = arith.constant 0 : i32
    %dma_start3A_29 = tpu.memref_slice %arg3[%dma_start3A_27, %dma_start3A_28] : memref<10000x128xi32, #tpu.memory_space<hbm>> -> memref<10000x128xi32, #tpu.memory_space<hbm>>
    tpu.enqueue_indirect_dma source(%dma_start3A_29 : memref<10000x128xi32, #tpu.memory_space<hbm>>) target(%arg8 : memref<40x128xi32, #tpu.memory_space<vmem>>) offsets(%dma_start3A_26 : memref<40xi32, #tpu.memory_space<vmem>>) semaphore(%arg12 : memref<!tpu.dma_semaphore, #tpu.memory_space<semaphore_mem>>)
    %multiple_of3A_30 = arith.constant 40 : i32
    %multiple_of3A_31 = tpu.assume_multiple %multiple_of3A_30, 8 : i32
    %dma_wait3A_32 = tpu.memref_slice %arg5[%multiple_of3A_31] : memref<5000xi32, #tpu.memory_space<vmem>> -> memref<40xi32, #tpu.memory_space<vmem>>
    %dma_wait3A_33 = arith.constant 0 : i32
    %dma_wait3A_34 = arith.constant 0 : i32
    %dma_wait3A_35 = tpu.memref_slice %arg3[%dma_wait3A_33, %dma_wait3A_34] : memref<10000x128xi32, #tpu.memory_space<hbm>> -> memref<10000x128xi32, #tpu.memory_space<hbm>>
    tpu.wait_indirect_dma semaphore(%arg11 : memref<!tpu.dma_semaphore, #tpu.memory_space<semaphore_mem>>) src(%dma_wait3A_35 : memref<10000x128xi32, #tpu.memory_space<hbm>>) dst(%arg7 : memref<40x128xi32, #tpu.memory_space<vmem>>)
    %add3A_36 = arith.constant 40 : i32
    %add3A_37 = arith.addi %mul3A_2, %add3A_36 : i32
    %dma_start3A_38 = arith.constant 0 : i32
    %dma_start3A_39 = tpu.memref_slice %arg4[%add3A_37, %dma_start3A_38] : memref<160000x128xi32, #tpu.memory_space<hbm>> -> memref<40x128xi32, #tpu.memory_space<hbm>>
    %dma_start3A_40 = arith.constant 0 : i32
    %dma_start3A_41 = tpu.memref_slice %arg4[%add3A_37, %dma_start3A_40] : memref<160000x128xi32, #tpu.memory_space<hbm>> -> memref<40x128xi32, #tpu.memory_space<hbm>>
    tpu.enqueue_dma source(%arg7 : memref<40x128xi32, #tpu.memory_space<vmem>>) target(%dma_start3A_41 : memref<40x128xi32, #tpu.memory_space<hbm>>) target_semaphore(%arg15 : memref<!tpu.dma_semaphore, #tpu.memory_space<semaphore_mem>>)
    %multiple_of3A_42 = arith.constant 120 : i32
    %multiple_of3A_43 = tpu.assume_multiple %multiple_of3A_42, 8 : i32
    %dma_start3A_44 = tpu.memref_slice %arg5[%multiple_of3A_43] : memref<5000xi32, #tpu.memory_space<vmem>> -> memref<40xi32, #tpu.memory_space<vmem>>
    %dma_start3A_45 = arith.constant 0 : i32
    %dma_start3A_46 = arith.constant 0 : i32
    %dma_start3A_47 = tpu.memref_slice %arg3[%dma_start3A_45, %dma_start3A_46] : memref<10000x128xi32, #tpu.memory_space<hbm>> -> memref<10000x128xi32, #tpu.memory_space<hbm>>
    tpu.enqueue_indirect_dma source(%dma_start3A_47 : memref<10000x128xi32, #tpu.memory_space<hbm>>) target(%arg9 : memref<40x128xi32, #tpu.memory_space<vmem>>) offsets(%dma_start3A_44 : memref<40xi32, #tpu.memory_space<vmem>>) semaphore(%arg13 : memref<!tpu.dma_semaphore, #tpu.memory_space<semaphore_mem>>)
    %multiple_of3A_48 = arith.constant 80 : i32
    %multiple_of3A_49 = tpu.assume_multiple %multiple_of3A_48, 8 : i32
    %dma_wait3A_50 = tpu.memref_slice %arg5[%multiple_of3A_49] : memref<5000xi32, #tpu.memory_space<vmem>> -> memref<40xi32, #tpu.memory_space<vmem>>
    %dma_wait3A_51 = arith.constant 0 : i32
    %dma_wait3A_52 = arith.constant 0 : i32
    %dma_wait3A_53 = tpu.memref_slice %arg3[%dma_wait3A_51, %dma_wait3A_52] : memref<10000x128xi32, #tpu.memory_space<hbm>> -> memref<10000x128xi32, #tpu.memory_space<hbm>>
    tpu.wait_indirect_dma semaphore(%arg12 : memref<!tpu.dma_semaphore, #tpu.memory_space<semaphore_mem>>) src(%dma_wait3A_53 : memref<10000x128xi32, #tpu.memory_space<hbm>>) dst(%arg8 : memref<40x128xi32, #tpu.memory_space<vmem>>)
    %add3A_54 = arith.constant 80 : i32
    %add3A_55 = arith.addi %mul3A_2, %add3A_54 : i32
    %dma_start3A_56 = arith.constant 0 : i32
    %dma_start3A_57 = tpu.memref_slice %arg4[%add3A_55, %dma_start3A_56] : memref<160000x128xi32, #tpu.memory_space<hbm>> -> memref<40x128xi32, #tpu.memory_space<hbm>>
    %dma_start3A_58 = arith.constant 0 : i32
    %dma_start3A_59 = tpu.memref_slice %arg4[%add3A_55, %dma_start3A_58] : memref<160000x128xi32, #tpu.memory_space<hbm>> -> memref<40x128xi32, #tpu.memory_space<hbm>>
    tpu.enqueue_dma source(%arg8 : memref<40x128xi32, #tpu.memory_space<vmem>>) target(%dma_start3A_59 : memref<40x128xi32, #tpu.memory_space<hbm>>) target_semaphore(%arg16 : memref<!tpu.dma_semaphore, #tpu.memory_space<semaphore_mem>>)
    %add3A_60 = arith.constant 0 : i32
    %add3A_61 = arith.addi %mul3A_2, %add3A_60 : i32
    %dma_wait3A_62 = arith.constant 0 : i32
    %dma_wait3A_63 = tpu.memref_slice %arg4[%add3A_61, %dma_wait3A_62] : memref<160000x128xi32, #tpu.memory_space<hbm>> -> memref<40x128xi32, #tpu.memory_space<hbm>>
    %dma_wait3A_64 = arith.constant 0 : i32
    %dma_wait3A_65 = tpu.memref_slice %arg4[%add3A_61, %dma_wait3A_64] : memref<160000x128xi32, #tpu.memory_space<hbm>> -> memref<40x128xi32, #tpu.memory_space<hbm>>
    tpu.wait_dma2 semaphore(%arg14 : memref<!tpu.dma_semaphore, #tpu.memory_space<semaphore_mem>>) src(%arg6 : memref<40x128xi32, #tpu.memory_space<vmem>>) dst(%dma_wait3A_65 : memref<40x128xi32, #tpu.memory_space<hbm>>)
    %multiple_of3A_66 = arith.constant 160 : i32
    %multiple_of3A_67 = tpu.assume_multiple %multiple_of3A_66, 8 : i32
    %dma_start3A_68 = tpu.memref_slice %arg5[%multiple_of3A_67] : memref<5000xi32, #tpu.memory_space<vmem>> -> memref<40xi32, #tpu.memory_space<vmem>>
    %dma_start3A_69 = arith.constant 0 : i32
    %dma_start3A_70 = arith.constant 0 : i32
    %dma_start3A_71 = tpu.memref_slice %arg3[%dma_start3A_69, %dma_start3A_70] : memref<10000x128xi32, #tpu.memory_space<hbm>> -> memref<10000x128xi32, #tpu.memory_space<hbm>>
    tpu.enqueue_indirect_dma source(%dma_start3A_71 : memref<10000x128xi32, #tpu.memory_space<hbm>>) target(%arg6 : memref<40x128xi32, #tpu.memory_space<vmem>>) offsets(%dma_start3A_68 : memref<40xi32, #tpu.memory_space<vmem>>) semaphore(%arg10 : memref<!tpu.dma_semaphore, #tpu.memory_space<semaphore_mem>>)
    %multiple_of3A_72 = arith.constant 120 : i32
    %multiple_of3A_73 = tpu.assume_multiple %multiple_of3A_72, 8 : i32
    %dma_wait3A_74 = tpu.memref_slice %arg5[%multiple_of3A_73] : memref<5000xi32, #tpu.memory_space<vmem>> -> memref<40xi32, #tpu.memory_space<vmem>>
    %dma_wait3A_75 = arith.constant 0 : i32
    %dma_wait3A_76 = arith.constant 0 : i32
    %dma_wait3A_77 = tpu.memref_slice %arg3[%dma_wait3A_75, %dma_wait3A_76] : memref<10000x128xi32, #tpu.memory_space<hbm>> -> memref<10000x128xi32, #tpu.memory_space<hbm>>
    tpu.wait_indirect_dma semaphore(%arg13 : memref<!tpu.dma_semaphore, #tpu.memory_space<semaphore_mem>>) src(%dma_wait3A_77 : memref<10000x128xi32, #tpu.memory_space<hbm>>) dst(%arg9 : memref<40x128xi32, #tpu.memory_space<vmem>>)
    %add3A_78 = arith.constant 120 : i32
    %add3A_79 = arith.addi %mul3A_2, %add3A_78 : i32
    %dma_start3A_80 = arith.constant 0 : i32
    %dma_start3A_81 = tpu.memref_slice %arg4[%add3A_79, %dma_start3A_80] : memref<160000x128xi32, #tpu.memory_space<hbm>> -> memref<40x128xi32, #tpu.memory_space<hbm>>
    %dma_start3A_82 = arith.constant 0 : i32
    %dma_start3A_83 = tpu.memref_slice %arg4[%add3A_79, %dma_start3A_82] : memref<160000x128xi32, #tpu.memory_space<hbm>> -> memref<40x128xi32, #tpu.memory_space<hbm>>
    tpu.enqueue_dma source(%arg9 : memref<40x128xi32, #tpu.memory_space<vmem>>) target(%dma_start3A_83 : memref<40x128xi32, #tpu.memory_space<hbm>>) target_semaphore(%arg17 : memref<!tpu.dma_semaphore, #tpu.memory_space<semaphore_mem>>)
    %add3A_84 = arith.constant 40 : i32
    %add3A_85 = arith.addi %mul3A_2, %add3A_84 : i32
    %dma_wait3A_86 = arith.constant 0 : i32
    %dma_wait3A_87 = tpu.memref_slice %arg4[%add3A_85, %dma_wait3A_86] : memref<160000x128xi32, #tpu.memory_space<hbm>> -> memref<40x128xi32, #tpu.memory_space<hbm>>
    %dma_wait3A_88 = arith.constant 0 : i32
    %dma_wait3A_89 = tpu.memref_slice %arg4[%add3A_85, %dma_wait3A_88] : memref<160000x128xi32, #tpu.memory_space<hbm>> -> memref<40x128xi32, #tpu.memory_space<hbm>>
    tpu.wait_dma2 semaphore(%arg15 : memref<!tpu.dma_semaphore, #tpu.memory_space<semaphore_mem>>) src(%arg7 : memref<40x128xi32, #tpu.memory_space<vmem>>) dst(%dma_wait3A_89 : memref<40x128xi32, #tpu.memory_space<hbm>>)
    %multiple_of3A_90 = arith.constant 200 : i32
    %multiple_of3A_91 = tpu.assume_multiple %multiple_of3A_90, 8 : i32
    %dma_start3A_92 = tpu.memref_slice %arg5[%multiple_of3A_91] : memref<5000xi32, #tpu.memory_space<vmem>> -> memref<40xi32, #tpu.memory_space<vmem>>
    %dma_start3A_93 = arith.constant 0 : i32
    %dma_start3A_94 = arith.constant 0 : i32
    %dma_start3A_95 = tpu.memref_slice %arg3[%dma_start3A_93, %dma_start3A_94] : memref<10000x128xi32, #tpu.memory_space<hbm>> -> memref<10000x128xi32, #tpu.memory_space<hbm>>
    tpu.enqueue_indirect_dma source(%dma_start3A_95 : memref<10000x128xi32, #tpu.memory_space<hbm>>) target(%arg7 : memref<40x128xi32, #tpu.memory_space<vmem>>) offsets(%dma_start3A_92 : memref<40xi32, #tpu.memory_space<vmem>>) semaphore(%arg11 : memref<!tpu.dma_semaphore, #tpu.memory_space<semaphore_mem>>)
    %scan3A = arith.constant 0 : i32
    %scan3A_96 = arith.constant 0 : i32
    %scan3A_97 = arith.constant 29 : i32
    %scan3A_98 = arith.addi %scan3A_96, %scan3A_97 : i32
    %scan3A_99 = arith.constant 1 : i32
    scf.for %scan3A_221 = %scan3A_96 to %scan3A_98 step %scan3A_99  : i32 {
      %mul3A_222 = arith.constant 4 : i32
      %mul3A_223 = arith.muli %mul3A_222, %scan3A_221 : i32
      %add3A_224 = arith.constant 4 : i32
      %add3A_225 = arith.addi %add3A_224, %mul3A_223 : i32
      %mul3A_226 = arith.constant 40 : i32
      %mul3A_227 = arith.muli %add3A_225, %mul3A_226 : i32
      %multiple_of3A_228 = tpu.assume_multiple %mul3A_227, 8 : i32
      %dma_wait3A_229 = tpu.memref_slice %arg5[%multiple_of3A_228] : memref<5000xi32, #tpu.memory_space<vmem>> -> memref<40xi32, #tpu.memory_space<vmem>>
      %dma_wait3A_230 = arith.constant 0 : i32
      %dma_wait3A_231 = arith.constant 0 : i32
      %dma_wait3A_232 = tpu.memref_slice %arg3[%dma_wait3A_230, %dma_wait3A_231] : memref<10000x128xi32, #tpu.memory_space<hbm>> -> memref<10000x128xi32, #tpu.memory_space<hbm>>
      tpu.wait_indirect_dma semaphore(%arg10 : memref<!tpu.dma_semaphore, #tpu.memory_space<semaphore_mem>>) src(%dma_wait3A_232 : memref<10000x128xi32, #tpu.memory_space<hbm>>) dst(%arg6 : memref<40x128xi32, #tpu.memory_space<vmem>>)
      %mul3A_233 = arith.constant 40 : i32
      %mul3A_234 = arith.muli %add3A_225, %mul3A_233 : i32
      %add3A_235 = arith.addi %mul3A_2, %mul3A_234 : i32
      %dma_start3A_236 = arith.constant 0 : i32
      %dma_start3A_237 = tpu.memref_slice %arg4[%add3A_235, %dma_start3A_236] : memref<160000x128xi32, #tpu.memory_space<hbm>> -> memref<40x128xi32, #tpu.memory_space<hbm>>
      %dma_start3A_238 = arith.constant 0 : i32
      %dma_start3A_239 = tpu.memref_slice %arg4[%add3A_235, %dma_start3A_238] : memref<160000x128xi32, #tpu.memory_space<hbm>> -> memref<40x128xi32, #tpu.memory_space<hbm>>
      tpu.enqueue_dma source(%arg6 : memref<40x128xi32, #tpu.memory_space<vmem>>) target(%dma_start3A_239 : memref<40x128xi32, #tpu.memory_space<hbm>>) target_semaphore(%arg14 : memref<!tpu.dma_semaphore, #tpu.memory_space<semaphore_mem>>)
      %sub3A = arith.constant 2 : i32
      %sub3A_240 = arith.subi %add3A_225, %sub3A : i32
      %mul3A_241 = arith.constant 40 : i32
      %mul3A_242 = arith.muli %sub3A_240, %mul3A_241 : i32
      %add3A_243 = arith.addi %mul3A_2, %mul3A_242 : i32
      %dma_wait3A_244 = arith.constant 0 : i32
      %dma_wait3A_245 = tpu.memref_slice %arg4[%add3A_243, %dma_wait3A_244] : memref<160000x128xi32, #tpu.memory_space<hbm>> -> memref<40x128xi32, #tpu.memory_space<hbm>>
      %dma_wait3A_246 = arith.constant 0 : i32
      %dma_wait3A_247 = tpu.memref_slice %arg4[%add3A_243, %dma_wait3A_246] : memref<160000x128xi32, #tpu.memory_space<hbm>> -> memref<40x128xi32, #tpu.memory_space<hbm>>
      tpu.wait_dma2 semaphore(%arg16 : memref<!tpu.dma_semaphore, #tpu.memory_space<semaphore_mem>>) src(%arg8 : memref<40x128xi32, #tpu.memory_space<vmem>>) dst(%dma_wait3A_247 : memref<40x128xi32, #tpu.memory_space<hbm>>)
      %add3A_248 = arith.constant 2 : i32
      %add3A_249 = arith.addi %add3A_225, %add3A_248 : i32
      %mul3A_250 = arith.constant 40 : i32
      %mul3A_251 = arith.muli %add3A_249, %mul3A_250 : i32
      %multiple_of3A_252 = tpu.assume_multiple %mul3A_251, 8 : i32
      %dma_start3A_253 = tpu.memref_slice %arg5[%multiple_of3A_252] : memref<5000xi32, #tpu.memory_space<vmem>> -> memref<40xi32, #tpu.memory_space<vmem>>
      %dma_start3A_254 = arith.constant 0 : i32
      %dma_start3A_255 = arith.constant 0 : i32
      %dma_start3A_256 = tpu.memref_slice %arg3[%dma_start3A_254, %dma_start3A_255] : memref<10000x128xi32, #tpu.memory_space<hbm>> -> memref<10000x128xi32, #tpu.memory_space<hbm>>
      tpu.enqueue_indirect_dma source(%dma_start3A_256 : memref<10000x128xi32, #tpu.memory_space<hbm>>) target(%arg8 : memref<40x128xi32, #tpu.memory_space<vmem>>) offsets(%dma_start3A_253 : memref<40xi32, #tpu.memory_space<vmem>>) semaphore(%arg12 : memref<!tpu.dma_semaphore, #tpu.memory_space<semaphore_mem>>)
      %add3A_257 = arith.constant 1 : i32
      %add3A_258 = arith.addi %add3A_225, %add3A_257 : i32
      %mul3A_259 = arith.constant 40 : i32
      %mul3A_260 = arith.muli %add3A_258, %mul3A_259 : i32
      %multiple_of3A_261 = tpu.assume_multiple %mul3A_260, 8 : i32
      %dma_wait3A_262 = tpu.memref_slice %arg5[%multiple_of3A_261] : memref<5000xi32, #tpu.memory_space<vmem>> -> memref<40xi32, #tpu.memory_space<vmem>>
      %dma_wait3A_263 = arith.constant 0 : i32
      %dma_wait3A_264 = arith.constant 0 : i32
      %dma_wait3A_265 = tpu.memref_slice %arg3[%dma_wait3A_263, %dma_wait3A_264] : memref<10000x128xi32, #tpu.memory_space<hbm>> -> memref<10000x128xi32, #tpu.memory_space<hbm>>
      tpu.wait_indirect_dma semaphore(%arg11 : memref<!tpu.dma_semaphore, #tpu.memory_space<semaphore_mem>>) src(%dma_wait3A_265 : memref<10000x128xi32, #tpu.memory_space<hbm>>) dst(%arg7 : memref<40x128xi32, #tpu.memory_space<vmem>>)
      %mul3A_266 = arith.constant 40 : i32
      %mul3A_267 = arith.muli %add3A_258, %mul3A_266 : i32
      %add3A_268 = arith.addi %mul3A_2, %mul3A_267 : i32
      %dma_start3A_269 = arith.constant 0 : i32
      %dma_start3A_270 = tpu.memref_slice %arg4[%add3A_268, %dma_start3A_269] : memref<160000x128xi32, #tpu.memory_space<hbm>> -> memref<40x128xi32, #tpu.memory_space<hbm>>
      %dma_start3A_271 = arith.constant 0 : i32
      %dma_start3A_272 = tpu.memref_slice %arg4[%add3A_268, %dma_start3A_271] : memref<160000x128xi32, #tpu.memory_space<hbm>> -> memref<40x128xi32, #tpu.memory_space<hbm>>
      tpu.enqueue_dma source(%arg7 : memref<40x128xi32, #tpu.memory_space<vmem>>) target(%dma_start3A_272 : memref<40x128xi32, #tpu.memory_space<hbm>>) target_semaphore(%arg15 : memref<!tpu.dma_semaphore, #tpu.memory_space<semaphore_mem>>)
      %sub3A_273 = arith.constant 2 : i32
      %sub3A_274 = arith.subi %add3A_258, %sub3A_273 : i32
      %mul3A_275 = arith.constant 40 : i32
      %mul3A_276 = arith.muli %sub3A_274, %mul3A_275 : i32
      %add3A_277 = arith.addi %mul3A_2, %mul3A_276 : i32
      %dma_wait3A_278 = arith.constant 0 : i32
      %dma_wait3A_279 = tpu.memref_slice %arg4[%add3A_277, %dma_wait3A_278] : memref<160000x128xi32, #tpu.memory_space<hbm>> -> memref<40x128xi32, #tpu.memory_space<hbm>>
      %dma_wait3A_280 = arith.constant 0 : i32
      %dma_wait3A_281 = tpu.memref_slice %arg4[%add3A_277, %dma_wait3A_280] : memref<160000x128xi32, #tpu.memory_space<hbm>> -> memref<40x128xi32, #tpu.memory_space<hbm>>
      tpu.wait_dma2 semaphore(%arg17 : memref<!tpu.dma_semaphore, #tpu.memory_space<semaphore_mem>>) src(%arg9 : memref<40x128xi32, #tpu.memory_space<vmem>>) dst(%dma_wait3A_281 : memref<40x128xi32, #tpu.memory_space<hbm>>)
      %add3A_282 = arith.constant 2 : i32
      %add3A_283 = arith.addi %add3A_258, %add3A_282 : i32
      %mul3A_284 = arith.constant 40 : i32
      %mul3A_285 = arith.muli %add3A_283, %mul3A_284 : i32
      %multiple_of3A_286 = tpu.assume_multiple %mul3A_285, 8 : i32
      %dma_start3A_287 = tpu.memref_slice %arg5[%multiple_of3A_286] : memref<5000xi32, #tpu.memory_space<vmem>> -> memref<40xi32, #tpu.memory_space<vmem>>
      %dma_start3A_288 = arith.constant 0 : i32
      %dma_start3A_289 = arith.constant 0 : i32
      %dma_start3A_290 = tpu.memref_slice %arg3[%dma_start3A_288, %dma_start3A_289] : memref<10000x128xi32, #tpu.memory_space<hbm>> -> memref<10000x128xi32, #tpu.memory_space<hbm>>
      tpu.enqueue_indirect_dma source(%dma_start3A_290 : memref<10000x128xi32, #tpu.memory_space<hbm>>) target(%arg9 : memref<40x128xi32, #tpu.memory_space<vmem>>) offsets(%dma_start3A_287 : memref<40xi32, #tpu.memory_space<vmem>>) semaphore(%arg13 : memref<!tpu.dma_semaphore, #tpu.memory_space<semaphore_mem>>)
      %add3A_291 = arith.constant 2 : i32
      %add3A_292 = arith.addi %add3A_225, %add3A_291 : i32
      %mul3A_293 = arith.constant 40 : i32
      %mul3A_294 = arith.muli %add3A_292, %mul3A_293 : i32
      %multiple_of3A_295 = tpu.assume_multiple %mul3A_294, 8 : i32
      %dma_wait3A_296 = tpu.memref_slice %arg5[%multiple_of3A_295] : memref<5000xi32, #tpu.memory_space<vmem>> -> memref<40xi32, #tpu.memory_space<vmem>>
      %dma_wait3A_297 = arith.constant 0 : i32
      %dma_wait3A_298 = arith.constant 0 : i32
      %dma_wait3A_299 = tpu.memref_slice %arg3[%dma_wait3A_297, %dma_wait3A_298] : memref<10000x128xi32, #tpu.memory_space<hbm>> -> memref<10000x128xi32, #tpu.memory_space<hbm>>
      tpu.wait_indirect_dma semaphore(%arg12 : memref<!tpu.dma_semaphore, #tpu.memory_space<semaphore_mem>>) src(%dma_wait3A_299 : memref<10000x128xi32, #tpu.memory_space<hbm>>) dst(%arg8 : memref<40x128xi32, #tpu.memory_space<vmem>>)
      %mul3A_300 = arith.constant 40 : i32
      %mul3A_301 = arith.muli %add3A_292, %mul3A_300 : i32
      %add3A_302 = arith.addi %mul3A_2, %mul3A_301 : i32
      %dma_start3A_303 = arith.constant 0 : i32
      %dma_start3A_304 = tpu.memref_slice %arg4[%add3A_302, %dma_start3A_303] : memref<160000x128xi32, #tpu.memory_space<hbm>> -> memref<40x128xi32, #tpu.memory_space<hbm>>
      %dma_start3A_305 = arith.constant 0 : i32
      %dma_start3A_306 = tpu.memref_slice %arg4[%add3A_302, %dma_start3A_305] : memref<160000x128xi32, #tpu.memory_space<hbm>> -> memref<40x128xi32, #tpu.memory_space<hbm>>
      tpu.enqueue_dma source(%arg8 : memref<40x128xi32, #tpu.memory_space<vmem>>) target(%dma_start3A_306 : memref<40x128xi32, #tpu.memory_space<hbm>>) target_semaphore(%arg16 : memref<!tpu.dma_semaphore, #tpu.memory_space<semaphore_mem>>)
      %sub3A_307 = arith.constant 2 : i32
      %sub3A_308 = arith.subi %add3A_292, %sub3A_307 : i32
      %mul3A_309 = arith.constant 40 : i32
      %mul3A_310 = arith.muli %sub3A_308, %mul3A_309 : i32
      %add3A_311 = arith.addi %mul3A_2, %mul3A_310 : i32
      %dma_wait3A_312 = arith.constant 0 : i32
      %dma_wait3A_313 = tpu.memref_slice %arg4[%add3A_311, %dma_wait3A_312] : memref<160000x128xi32, #tpu.memory_space<hbm>> -> memref<40x128xi32, #tpu.memory_space<hbm>>
      %dma_wait3A_314 = arith.constant 0 : i32
      %dma_wait3A_315 = tpu.memref_slice %arg4[%add3A_311, %dma_wait3A_314] : memref<160000x128xi32, #tpu.memory_space<hbm>> -> memref<40x128xi32, #tpu.memory_space<hbm>>
      tpu.wait_dma2 semaphore(%arg14 : memref<!tpu.dma_semaphore, #tpu.memory_space<semaphore_mem>>) src(%arg6 : memref<40x128xi32, #tpu.memory_space<vmem>>) dst(%dma_wait3A_315 : memref<40x128xi32, #tpu.memory_space<hbm>>)
      %add3A_316 = arith.constant 2 : i32
      %add3A_317 = arith.addi %add3A_292, %add3A_316 : i32
      %mul3A_318 = arith.constant 40 : i32
      %mul3A_319 = arith.muli %add3A_317, %mul3A_318 : i32
      %multiple_of3A_320 = tpu.assume_multiple %mul3A_319, 8 : i32
      %dma_start3A_321 = tpu.memref_slice %arg5[%multiple_of3A_320] : memref<5000xi32, #tpu.memory_space<vmem>> -> memref<40xi32, #tpu.memory_space<vmem>>
      %dma_start3A_322 = arith.constant 0 : i32
      %dma_start3A_323 = arith.constant 0 : i32
      %dma_start3A_324 = tpu.memref_slice %arg3[%dma_start3A_322, %dma_start3A_323] : memref<10000x128xi32, #tpu.memory_space<hbm>> -> memref<10000x128xi32, #tpu.memory_space<hbm>>
      tpu.enqueue_indirect_dma source(%dma_start3A_324 : memref<10000x128xi32, #tpu.memory_space<hbm>>) target(%arg6 : memref<40x128xi32, #tpu.memory_space<vmem>>) offsets(%dma_start3A_321 : memref<40xi32, #tpu.memory_space<vmem>>) semaphore(%arg10 : memref<!tpu.dma_semaphore, #tpu.memory_space<semaphore_mem>>)
      %add3A_325 = arith.constant 3 : i32
      %add3A_326 = arith.addi %add3A_225, %add3A_325 : i32
      %mul3A_327 = arith.constant 40 : i32
      %mul3A_328 = arith.muli %add3A_326, %mul3A_327 : i32
      %multiple_of3A_329 = tpu.assume_multiple %mul3A_328, 8 : i32
      %dma_wait3A_330 = tpu.memref_slice %arg5[%multiple_of3A_329] : memref<5000xi32, #tpu.memory_space<vmem>> -> memref<40xi32, #tpu.memory_space<vmem>>
      %dma_wait3A_331 = arith.constant 0 : i32
      %dma_wait3A_332 = arith.constant 0 : i32
      %dma_wait3A_333 = tpu.memref_slice %arg3[%dma_wait3A_331, %dma_wait3A_332] : memref<10000x128xi32, #tpu.memory_space<hbm>> -> memref<10000x128xi32, #tpu.memory_space<hbm>>
      tpu.wait_indirect_dma semaphore(%arg13 : memref<!tpu.dma_semaphore, #tpu.memory_space<semaphore_mem>>) src(%dma_wait3A_333 : memref<10000x128xi32, #tpu.memory_space<hbm>>) dst(%arg9 : memref<40x128xi32, #tpu.memory_space<vmem>>)
      %mul3A_334 = arith.constant 40 : i32
      %mul3A_335 = arith.muli %add3A_326, %mul3A_334 : i32
      %add3A_336 = arith.addi %mul3A_2, %mul3A_335 : i32
      %dma_start3A_337 = arith.constant 0 : i32
      %dma_start3A_338 = tpu.memref_slice %arg4[%add3A_336, %dma_start3A_337] : memref<160000x128xi32, #tpu.memory_space<hbm>> -> memref<40x128xi32, #tpu.memory_space<hbm>>
      %dma_start3A_339 = arith.constant 0 : i32
      %dma_start3A_340 = tpu.memref_slice %arg4[%add3A_336, %dma_start3A_339] : memref<160000x128xi32, #tpu.memory_space<hbm>> -> memref<40x128xi32, #tpu.memory_space<hbm>>
      tpu.enqueue_dma source(%arg9 : memref<40x128xi32, #tpu.memory_space<vmem>>) target(%dma_start3A_340 : memref<40x128xi32, #tpu.memory_space<hbm>>) target_semaphore(%arg17 : memref<!tpu.dma_semaphore, #tpu.memory_space<semaphore_mem>>)
      %sub3A_341 = arith.constant 2 : i32
      %sub3A_342 = arith.subi %add3A_326, %sub3A_341 : i32
      %mul3A_343 = arith.constant 40 : i32
      %mul3A_344 = arith.muli %sub3A_342, %mul3A_343 : i32
      %add3A_345 = arith.addi %mul3A_2, %mul3A_344 : i32
      %dma_wait3A_346 = arith.constant 0 : i32
      %dma_wait3A_347 = tpu.memref_slice %arg4[%add3A_345, %dma_wait3A_346] : memref<160000x128xi32, #tpu.memory_space<hbm>> -> memref<40x128xi32, #tpu.memory_space<hbm>>
      %dma_wait3A_348 = arith.constant 0 : i32
      %dma_wait3A_349 = tpu.memref_slice %arg4[%add3A_345, %dma_wait3A_348] : memref<160000x128xi32, #tpu.memory_space<hbm>> -> memref<40x128xi32, #tpu.memory_space<hbm>>
      tpu.wait_dma2 semaphore(%arg15 : memref<!tpu.dma_semaphore, #tpu.memory_space<semaphore_mem>>) src(%arg7 : memref<40x128xi32, #tpu.memory_space<vmem>>) dst(%dma_wait3A_349 : memref<40x128xi32, #tpu.memory_space<hbm>>)
      %add3A_350 = arith.constant 2 : i32
      %add3A_351 = arith.addi %add3A_326, %add3A_350 : i32
      %mul3A_352 = arith.constant 40 : i32
      %mul3A_353 = arith.muli %add3A_351, %mul3A_352 : i32
      %multiple_of3A_354 = tpu.assume_multiple %mul3A_353, 8 : i32
      %dma_start3A_355 = tpu.memref_slice %arg5[%multiple_of3A_354] : memref<5000xi32, #tpu.memory_space<vmem>> -> memref<40xi32, #tpu.memory_space<vmem>>
      %dma_start3A_356 = arith.constant 0 : i32
      %dma_start3A_357 = arith.constant 0 : i32
      %dma_start3A_358 = tpu.memref_slice %arg3[%dma_start3A_356, %dma_start3A_357] : memref<10000x128xi32, #tpu.memory_space<hbm>> -> memref<10000x128xi32, #tpu.memory_space<hbm>>
      tpu.enqueue_indirect_dma source(%dma_start3A_358 : memref<10000x128xi32, #tpu.memory_space<hbm>>) target(%arg7 : memref<40x128xi32, #tpu.memory_space<vmem>>) offsets(%dma_start3A_355 : memref<40xi32, #tpu.memory_space<vmem>>) semaphore(%arg11 : memref<!tpu.dma_semaphore, #tpu.memory_space<semaphore_mem>>)
    }
    %scan3A_100 = arith.constant 29 : i32
    %multiple_of3A_101 = arith.constant 4800 : i32
    %multiple_of3A_102 = tpu.assume_multiple %multiple_of3A_101, 8 : i32
    %dma_wait3A_103 = tpu.memref_slice %arg5[%multiple_of3A_102] : memref<5000xi32, #tpu.memory_space<vmem>> -> memref<40xi32, #tpu.memory_space<vmem>>
    %dma_wait3A_104 = arith.constant 0 : i32
    %dma_wait3A_105 = arith.constant 0 : i32
    %dma_wait3A_106 = tpu.memref_slice %arg3[%dma_wait3A_104, %dma_wait3A_105] : memref<10000x128xi32, #tpu.memory_space<hbm>> -> memref<10000x128xi32, #tpu.memory_space<hbm>>
    tpu.wait_indirect_dma semaphore(%arg10 : memref<!tpu.dma_semaphore, #tpu.memory_space<semaphore_mem>>) src(%dma_wait3A_106 : memref<10000x128xi32, #tpu.memory_space<hbm>>) dst(%arg6 : memref<40x128xi32, #tpu.memory_space<vmem>>)
    %add3A_107 = arith.constant 4800 : i32
    %add3A_108 = arith.addi %mul3A_2, %add3A_107 : i32
    %dma_start3A_109 = arith.constant 0 : i32
    %dma_start3A_110 = tpu.memref_slice %arg4[%add3A_108, %dma_start3A_109] : memref<160000x128xi32, #tpu.memory_space<hbm>> -> memref<40x128xi32, #tpu.memory_space<hbm>>
    %dma_start3A_111 = arith.constant 0 : i32
    %dma_start3A_112 = tpu.memref_slice %arg4[%add3A_108, %dma_start3A_111] : memref<160000x128xi32, #tpu.memory_space<hbm>> -> memref<40x128xi32, #tpu.memory_space<hbm>>
    tpu.enqueue_dma source(%arg6 : memref<40x128xi32, #tpu.memory_space<vmem>>) target(%dma_start3A_112 : memref<40x128xi32, #tpu.memory_space<hbm>>) target_semaphore(%arg14 : memref<!tpu.dma_semaphore, #tpu.memory_space<semaphore_mem>>)
    %add3A_113 = arith.constant 4720 : i32
    %add3A_114 = arith.addi %mul3A_2, %add3A_113 : i32
    %dma_wait3A_115 = arith.constant 0 : i32
    %dma_wait3A_116 = tpu.memref_slice %arg4[%add3A_114, %dma_wait3A_115] : memref<160000x128xi32, #tpu.memory_space<hbm>> -> memref<40x128xi32, #tpu.memory_space<hbm>>
    %dma_wait3A_117 = arith.constant 0 : i32
    %dma_wait3A_118 = tpu.memref_slice %arg4[%add3A_114, %dma_wait3A_117] : memref<160000x128xi32, #tpu.memory_space<hbm>> -> memref<40x128xi32, #tpu.memory_space<hbm>>
    tpu.wait_dma2 semaphore(%arg16 : memref<!tpu.dma_semaphore, #tpu.memory_space<semaphore_mem>>) src(%arg8 : memref<40x128xi32, #tpu.memory_space<vmem>>) dst(%dma_wait3A_118 : memref<40x128xi32, #tpu.memory_space<hbm>>)
    %multiple_of3A_119 = arith.constant 4880 : i32
    %multiple_of3A_120 = tpu.assume_multiple %multiple_of3A_119, 8 : i32
    %dma_start3A_121 = tpu.memref_slice %arg5[%multiple_of3A_120] : memref<5000xi32, #tpu.memory_space<vmem>> -> memref<40xi32, #tpu.memory_space<vmem>>
    %dma_start3A_122 = arith.constant 0 : i32
    %dma_start3A_123 = arith.constant 0 : i32
    %dma_start3A_124 = tpu.memref_slice %arg3[%dma_start3A_122, %dma_start3A_123] : memref<10000x128xi32, #tpu.memory_space<hbm>> -> memref<10000x128xi32, #tpu.memory_space<hbm>>
    tpu.enqueue_indirect_dma source(%dma_start3A_124 : memref<10000x128xi32, #tpu.memory_space<hbm>>) target(%arg8 : memref<40x128xi32, #tpu.memory_space<vmem>>) offsets(%dma_start3A_121 : memref<40xi32, #tpu.memory_space<vmem>>) semaphore(%arg12 : memref<!tpu.dma_semaphore, #tpu.memory_space<semaphore_mem>>)
    %multiple_of3A_125 = arith.constant 4840 : i32
    %multiple_of3A_126 = tpu.assume_multiple %multiple_of3A_125, 8 : i32
    %dma_wait3A_127 = tpu.memref_slice %arg5[%multiple_of3A_126] : memref<5000xi32, #tpu.memory_space<vmem>> -> memref<40xi32, #tpu.memory_space<vmem>>
    %dma_wait3A_128 = arith.constant 0 : i32
    %dma_wait3A_129 = arith.constant 0 : i32
    %dma_wait3A_130 = tpu.memref_slice %arg3[%dma_wait3A_128, %dma_wait3A_129] : memref<10000x128xi32, #tpu.memory_space<hbm>> -> memref<10000x128xi32, #tpu.memory_space<hbm>>
    tpu.wait_indirect_dma semaphore(%arg11 : memref<!tpu.dma_semaphore, #tpu.memory_space<semaphore_mem>>) src(%dma_wait3A_130 : memref<10000x128xi32, #tpu.memory_space<hbm>>) dst(%arg7 : memref<40x128xi32, #tpu.memory_space<vmem>>)
    %add3A_131 = arith.constant 4840 : i32
    %add3A_132 = arith.addi %mul3A_2, %add3A_131 : i32
    %dma_start3A_133 = arith.constant 0 : i32
    %dma_start3A_134 = tpu.memref_slice %arg4[%add3A_132, %dma_start3A_133] : memref<160000x128xi32, #tpu.memory_space<hbm>> -> memref<40x128xi32, #tpu.memory_space<hbm>>
    %dma_start3A_135 = arith.constant 0 : i32
    %dma_start3A_136 = tpu.memref_slice %arg4[%add3A_132, %dma_start3A_135] : memref<160000x128xi32, #tpu.memory_space<hbm>> -> memref<40x128xi32, #tpu.memory_space<hbm>>
    tpu.enqueue_dma source(%arg7 : memref<40x128xi32, #tpu.memory_space<vmem>>) target(%dma_start3A_136 : memref<40x128xi32, #tpu.memory_space<hbm>>) target_semaphore(%arg15 : memref<!tpu.dma_semaphore, #tpu.memory_space<semaphore_mem>>)
    %add3A_137 = arith.constant 4760 : i32
    %add3A_138 = arith.addi %mul3A_2, %add3A_137 : i32
    %dma_wait3A_139 = arith.constant 0 : i32
    %dma_wait3A_140 = tpu.memref_slice %arg4[%add3A_138, %dma_wait3A_139] : memref<160000x128xi32, #tpu.memory_space<hbm>> -> memref<40x128xi32, #tpu.memory_space<hbm>>
    %dma_wait3A_141 = arith.constant 0 : i32
    %dma_wait3A_142 = tpu.memref_slice %arg4[%add3A_138, %dma_wait3A_141] : memref<160000x128xi32, #tpu.memory_space<hbm>> -> memref<40x128xi32, #tpu.memory_space<hbm>>
    tpu.wait_dma2 semaphore(%arg17 : memref<!tpu.dma_semaphore, #tpu.memory_space<semaphore_mem>>) src(%arg9 : memref<40x128xi32, #tpu.memory_space<vmem>>) dst(%dma_wait3A_142 : memref<40x128xi32, #tpu.memory_space<hbm>>)
    %multiple_of3A_143 = arith.constant 4920 : i32
    %multiple_of3A_144 = tpu.assume_multiple %multiple_of3A_143, 8 : i32
    %dma_start3A_145 = tpu.memref_slice %arg5[%multiple_of3A_144] : memref<5000xi32, #tpu.memory_space<vmem>> -> memref<40xi32, #tpu.memory_space<vmem>>
    %dma_start3A_146 = arith.constant 0 : i32
    %dma_start3A_147 = arith.constant 0 : i32
    %dma_start3A_148 = tpu.memref_slice %arg3[%dma_start3A_146, %dma_start3A_147] : memref<10000x128xi32, #tpu.memory_space<hbm>> -> memref<10000x128xi32, #tpu.memory_space<hbm>>
    tpu.enqueue_indirect_dma source(%dma_start3A_148 : memref<10000x128xi32, #tpu.memory_space<hbm>>) target(%arg9 : memref<40x128xi32, #tpu.memory_space<vmem>>) offsets(%dma_start3A_145 : memref<40xi32, #tpu.memory_space<vmem>>) semaphore(%arg13 : memref<!tpu.dma_semaphore, #tpu.memory_space<semaphore_mem>>)
    %multiple_of3A_149 = arith.constant 4880 : i32
    %multiple_of3A_150 = tpu.assume_multiple %multiple_of3A_149, 8 : i32
    %dma_wait3A_151 = tpu.memref_slice %arg5[%multiple_of3A_150] : memref<5000xi32, #tpu.memory_space<vmem>> -> memref<40xi32, #tpu.memory_space<vmem>>
    %dma_wait3A_152 = arith.constant 0 : i32
    %dma_wait3A_153 = arith.constant 0 : i32
    %dma_wait3A_154 = tpu.memref_slice %arg3[%dma_wait3A_152, %dma_wait3A_153] : memref<10000x128xi32, #tpu.memory_space<hbm>> -> memref<10000x128xi32, #tpu.memory_space<hbm>>
    tpu.wait_indirect_dma semaphore(%arg12 : memref<!tpu.dma_semaphore, #tpu.memory_space<semaphore_mem>>) src(%dma_wait3A_154 : memref<10000x128xi32, #tpu.memory_space<hbm>>) dst(%arg8 : memref<40x128xi32, #tpu.memory_space<vmem>>)
    %add3A_155 = arith.constant 4880 : i32
    %add3A_156 = arith.addi %mul3A_2, %add3A_155 : i32
    %dma_start3A_157 = arith.constant 0 : i32
    %dma_start3A_158 = tpu.memref_slice %arg4[%add3A_156, %dma_start3A_157] : memref<160000x128xi32, #tpu.memory_space<hbm>> -> memref<40x128xi32, #tpu.memory_space<hbm>>
    %dma_start3A_159 = arith.constant 0 : i32
    %dma_start3A_160 = tpu.memref_slice %arg4[%add3A_156, %dma_start3A_159] : memref<160000x128xi32, #tpu.memory_space<hbm>> -> memref<40x128xi32, #tpu.memory_space<hbm>>
    tpu.enqueue_dma source(%arg8 : memref<40x128xi32, #tpu.memory_space<vmem>>) target(%dma_start3A_160 : memref<40x128xi32, #tpu.memory_space<hbm>>) target_semaphore(%arg16 : memref<!tpu.dma_semaphore, #tpu.memory_space<semaphore_mem>>)
    %add3A_161 = arith.constant 4800 : i32
    %add3A_162 = arith.addi %mul3A_2, %add3A_161 : i32
    %dma_wait3A_163 = arith.constant 0 : i32
    %dma_wait3A_164 = tpu.memref_slice %arg4[%add3A_162, %dma_wait3A_163] : memref<160000x128xi32, #tpu.memory_space<hbm>> -> memref<40x128xi32, #tpu.memory_space<hbm>>
    %dma_wait3A_165 = arith.constant 0 : i32
    %dma_wait3A_166 = tpu.memref_slice %arg4[%add3A_162, %dma_wait3A_165] : memref<160000x128xi32, #tpu.memory_space<hbm>> -> memref<40x128xi32, #tpu.memory_space<hbm>>
    tpu.wait_dma2 semaphore(%arg14 : memref<!tpu.dma_semaphore, #tpu.memory_space<semaphore_mem>>) src(%arg6 : memref<40x128xi32, #tpu.memory_space<vmem>>) dst(%dma_wait3A_166 : memref<40x128xi32, #tpu.memory_space<hbm>>)
    %multiple_of3A_167 = arith.constant 4960 : i32
    %multiple_of3A_168 = tpu.assume_multiple %multiple_of3A_167, 8 : i32
    %dma_start3A_169 = tpu.memref_slice %arg5[%multiple_of3A_168] : memref<5000xi32, #tpu.memory_space<vmem>> -> memref<40xi32, #tpu.memory_space<vmem>>
    %dma_start3A_170 = arith.constant 0 : i32
    %dma_start3A_171 = arith.constant 0 : i32
    %dma_start3A_172 = tpu.memref_slice %arg3[%dma_start3A_170, %dma_start3A_171] : memref<10000x128xi32, #tpu.memory_space<hbm>> -> memref<10000x128xi32, #tpu.memory_space<hbm>>
    tpu.enqueue_indirect_dma source(%dma_start3A_172 : memref<10000x128xi32, #tpu.memory_space<hbm>>) target(%arg6 : memref<40x128xi32, #tpu.memory_space<vmem>>) offsets(%dma_start3A_169 : memref<40xi32, #tpu.memory_space<vmem>>) semaphore(%arg10 : memref<!tpu.dma_semaphore, #tpu.memory_space<semaphore_mem>>)
    %multiple_of3A_173 = arith.constant 4920 : i32
    %multiple_of3A_174 = tpu.assume_multiple %multiple_of3A_173, 8 : i32
    %dma_wait3A_175 = tpu.memref_slice %arg5[%multiple_of3A_174] : memref<5000xi32, #tpu.memory_space<vmem>> -> memref<40xi32, #tpu.memory_space<vmem>>
    %dma_wait3A_176 = arith.constant 0 : i32
    %dma_wait3A_177 = arith.constant 0 : i32
    %dma_wait3A_178 = tpu.memref_slice %arg3[%dma_wait3A_176, %dma_wait3A_177] : memref<10000x128xi32, #tpu.memory_space<hbm>> -> memref<10000x128xi32, #tpu.memory_space<hbm>>
    tpu.wait_indirect_dma semaphore(%arg13 : memref<!tpu.dma_semaphore, #tpu.memory_space<semaphore_mem>>) src(%dma_wait3A_178 : memref<10000x128xi32, #tpu.memory_space<hbm>>) dst(%arg9 : memref<40x128xi32, #tpu.memory_space<vmem>>)
    %add3A_179 = arith.constant 4920 : i32
    %add3A_180 = arith.addi %mul3A_2, %add3A_179 : i32
    %dma_start3A_181 = arith.constant 0 : i32
    %dma_start3A_182 = tpu.memref_slice %arg4[%add3A_180, %dma_start3A_181] : memref<160000x128xi32, #tpu.memory_space<hbm>> -> memref<40x128xi32, #tpu.memory_space<hbm>>
    %dma_start3A_183 = arith.constant 0 : i32
    %dma_start3A_184 = tpu.memref_slice %arg4[%add3A_180, %dma_start3A_183] : memref<160000x128xi32, #tpu.memory_space<hbm>> -> memref<40x128xi32, #tpu.memory_space<hbm>>
    tpu.enqueue_dma source(%arg9 : memref<40x128xi32, #tpu.memory_space<vmem>>) target(%dma_start3A_184 : memref<40x128xi32, #tpu.memory_space<hbm>>) target_semaphore(%arg17 : memref<!tpu.dma_semaphore, #tpu.memory_space<semaphore_mem>>)
    %add3A_185 = arith.constant 4840 : i32
    %add3A_186 = arith.addi %mul3A_2, %add3A_185 : i32
    %dma_wait3A_187 = arith.constant 0 : i32
    %dma_wait3A_188 = tpu.memref_slice %arg4[%add3A_186, %dma_wait3A_187] : memref<160000x128xi32, #tpu.memory_space<hbm>> -> memref<40x128xi32, #tpu.memory_space<hbm>>
    %dma_wait3A_189 = arith.constant 0 : i32
    %dma_wait3A_190 = tpu.memref_slice %arg4[%add3A_186, %dma_wait3A_189] : memref<160000x128xi32, #tpu.memory_space<hbm>> -> memref<40x128xi32, #tpu.memory_space<hbm>>
    tpu.wait_dma2 semaphore(%arg15 : memref<!tpu.dma_semaphore, #tpu.memory_space<semaphore_mem>>) src(%arg7 : memref<40x128xi32, #tpu.memory_space<vmem>>) dst(%dma_wait3A_190 : memref<40x128xi32, #tpu.memory_space<hbm>>)
    %multiple_of3A_191 = arith.constant 4960 : i32
    %multiple_of3A_192 = tpu.assume_multiple %multiple_of3A_191, 8 : i32
    %dma_wait3A_193 = tpu.memref_slice %arg5[%multiple_of3A_192] : memref<5000xi32, #tpu.memory_space<vmem>> -> memref<40xi32, #tpu.memory_space<vmem>>
    %dma_wait3A_194 = arith.constant 0 : i32
    %dma_wait3A_195 = arith.constant 0 : i32
    %dma_wait3A_196 = tpu.memref_slice %arg3[%dma_wait3A_194, %dma_wait3A_195] : memref<10000x128xi32, #tpu.memory_space<hbm>> -> memref<10000x128xi32, #tpu.memory_space<hbm>>
    tpu.wait_indirect_dma semaphore(%arg10 : memref<!tpu.dma_semaphore, #tpu.memory_space<semaphore_mem>>) src(%dma_wait3A_196 : memref<10000x128xi32, #tpu.memory_space<hbm>>) dst(%arg6 : memref<40x128xi32, #tpu.memory_space<vmem>>)
    %add3A_197 = arith.constant 4960 : i32
    %add3A_198 = arith.addi %mul3A_2, %add3A_197 : i32
    %dma_start3A_199 = arith.constant 0 : i32
    %dma_start3A_200 = tpu.memref_slice %arg4[%add3A_198, %dma_start3A_199] : memref<160000x128xi32, #tpu.memory_space<hbm>> -> memref<40x128xi32, #tpu.memory_space<hbm>>
    %dma_start3A_201 = arith.constant 0 : i32
    %dma_start3A_202 = tpu.memref_slice %arg4[%add3A_198, %dma_start3A_201] : memref<160000x128xi32, #tpu.memory_space<hbm>> -> memref<40x128xi32, #tpu.memory_space<hbm>>
    tpu.enqueue_dma source(%arg6 : memref<40x128xi32, #tpu.memory_space<vmem>>) target(%dma_start3A_202 : memref<40x128xi32, #tpu.memory_space<hbm>>) target_semaphore(%arg14 : memref<!tpu.dma_semaphore, #tpu.memory_space<semaphore_mem>>)
    %add3A_203 = arith.constant 4880 : i32
    %add3A_204 = arith.addi %mul3A_2, %add3A_203 : i32
    %dma_wait3A_205 = arith.constant 0 : i32
    %dma_wait3A_206 = tpu.memref_slice %arg4[%add3A_204, %dma_wait3A_205] : memref<160000x128xi32, #tpu.memory_space<hbm>> -> memref<40x128xi32, #tpu.memory_space<hbm>>
    %dma_wait3A_207 = arith.constant 0 : i32
    %dma_wait3A_208 = tpu.memref_slice %arg4[%add3A_204, %dma_wait3A_207] : memref<160000x128xi32, #tpu.memory_space<hbm>> -> memref<40x128xi32, #tpu.memory_space<hbm>>
    tpu.wait_dma2 semaphore(%arg16 : memref<!tpu.dma_semaphore, #tpu.memory_space<semaphore_mem>>) src(%arg8 : memref<40x128xi32, #tpu.memory_space<vmem>>) dst(%dma_wait3A_208 : memref<40x128xi32, #tpu.memory_space<hbm>>)
    %add3A_209 = arith.constant 4920 : i32
    %add3A_210 = arith.addi %mul3A_2, %add3A_209 : i32
    %dma_wait3A_211 = arith.constant 0 : i32
    %dma_wait3A_212 = tpu.memref_slice %arg4[%add3A_210, %dma_wait3A_211] : memref<160000x128xi32, #tpu.memory_space<hbm>> -> memref<40x128xi32, #tpu.memory_space<hbm>>
    %dma_wait3A_213 = arith.constant 0 : i32
    %dma_wait3A_214 = tpu.memref_slice %arg4[%add3A_210, %dma_wait3A_213] : memref<160000x128xi32, #tpu.memory_space<hbm>> -> memref<40x128xi32, #tpu.memory_space<hbm>>
    tpu.wait_dma2 semaphore(%arg17 : memref<!tpu.dma_semaphore, #tpu.memory_space<semaphore_mem>>) src(%arg9 : memref<40x128xi32, #tpu.memory_space<vmem>>) dst(%dma_wait3A_214 : memref<40x128xi32, #tpu.memory_space<hbm>>)
    %add3A_215 = arith.constant 4960 : i32
    %add3A_216 = arith.addi %mul3A_2, %add3A_215 : i32
    %dma_wait3A_217 = arith.constant 0 : i32
    %dma_wait3A_218 = tpu.memref_slice %arg4[%add3A_216, %dma_wait3A_217] : memref<160000x128xi32, #tpu.memory_space<hbm>> -> memref<40x128xi32, #tpu.memory_space<hbm>>
    %dma_wait3A_219 = arith.constant 0 : i32
    %dma_wait3A_220 = tpu.memref_slice %arg4[%add3A_216, %dma_wait3A_219] : memref<160000x128xi32, #tpu.memory_space<hbm>> -> memref<40x128xi32, #tpu.memory_space<hbm>>
    tpu.wait_dma2 semaphore(%arg14 : memref<!tpu.dma_semaphore, #tpu.memory_space<semaphore_mem>>) src(%arg6 : memref<40x128xi32, #tpu.memory_space<vmem>>) dst(%dma_wait3A_220 : memref<40x128xi32, #tpu.memory_space<hbm>>)
    return
  }
}

#map = affine_map<(d0, d1) -> (0)>
#map1 = affine_map<(d0, d1) -> (0, 0)>
module attributes {stable_mosaic.version = 14 : i64} {
  func.func @_gather_body(%arg0: i32, %arg1: i32, %arg2: memref<160000xi32, #tpu.memory_space<hbm>>, %arg3: memref<10000x128xi32, #tpu.memory_space<hbm>>, %arg4: memref<160000x128xi32, #tpu.memory_space<hbm>>, %arg5: memref<5000xi32, #tpu.memory_space<vmem>>, %arg6: memref<40x128xi32, #tpu.memory_space<vmem>>, %arg7: memref<40x128xi32, #tpu.memory_space<vmem>>, %arg8: memref<40x128xi32, #tpu.memory_space<vmem>>, %arg9: memref<40x128xi32, #tpu.memory_space<vmem>>, %arg10: memref<!tpu.dma_semaphore, #tpu.memory_space<semaphore_mem>>, %arg11: memref<!tpu.dma_semaphore, #tpu.memory_space<semaphore_mem>>, %arg12: memref<!tpu.dma_semaphore, #tpu.memory_space<semaphore_mem>>, %arg13: memref<!tpu.dma_semaphore, #tpu.memory_space<semaphore_mem>>, %arg14: memref<!tpu.dma_semaphore, #tpu.memory_space<semaphore_mem>>, %arg15: memref<!tpu.dma_semaphore, #tpu.memory_space<semaphore_mem>>, %arg16: memref<!tpu.dma_semaphore, #tpu.memory_space<semaphore_mem>>, %arg17: memref<!tpu.dma_semaphore, #tpu.memory_space<semaphore_mem>>) attributes {dimension_semantics = [#tpu.dimension_semantics<core_parallel>, #tpu.dimension_semantics<subcore_parallel>], iteration_bounds = array<i64: 2, 16>, scalar_prefetch = 0 : i64, scratch_operands = 13 : i64, tpu.core_type = #tpu.core_type<sc_vector_subcore>, window_params = [{transform_indices = #map}, {transform_indices = #map1}, {transform_indices = #map1}]} {
    %mul3A = arith.constant 2 : i32
    %mul3A_0 = arith.muli %arg1, %mul3A : i32
    %add3A = arith.addi %mul3A_0, %arg0 : i32
    %mul3A_1 = arith.constant 5000 : i32
    %mul3A_2 = arith.muli %add3A, %mul3A_1 : i32
    "tpu.region"() ({
      %run_scoped3A = tpu.sem_alloc : memref<!tpu.dma_semaphore, #tpu.memory_space<semaphore_mem>>
      %dma_start3A_221 = tpu.memref_slice %arg2[%mul3A_2] : memref<160000xi32, #tpu.memory_space<hbm>> -> memref<5000xi32, #tpu.memory_space<hbm>>
      %dma_start3A_222 = tpu.memref_slice %arg2[%mul3A_2] : memref<160000xi32, #tpu.memory_space<hbm>> -> memref<5000xi32, #tpu.memory_space<hbm>>
      tpu.enqueue_dma source(%dma_start3A_222 : memref<5000xi32, #tpu.memory_space<hbm>>) target(%arg5 : memref<5000xi32, #tpu.memory_space<vmem>>) target_semaphore(%run_scoped3A : memref<!tpu.dma_semaphore, #tpu.memory_space<semaphore_mem>>)
      %dma_wait3A_223 = tpu.memref_slice %arg2[%mul3A_2] : memref<160000xi32, #tpu.memory_space<hbm>> -> memref<5000xi32, #tpu.memory_space<hbm>>
      %dma_wait3A_224 = tpu.memref_slice %arg2[%mul3A_2] : memref<160000xi32, #tpu.memory_space<hbm>> -> memref<5000xi32, #tpu.memory_space<hbm>>
      tpu.wait_dma2 semaphore(%run_scoped3A : memref<!tpu.dma_semaphore, #tpu.memory_space<semaphore_mem>>) src(%dma_wait3A_224 : memref<5000xi32, #tpu.memory_space<hbm>>) dst(%arg5 : memref<5000xi32, #tpu.memory_space<vmem>>)
      tpu.yield
    }) : () -> ()
    %multiple_of3A = arith.constant 0 : i32
    %multiple_of3A_3 = tpu.assume_multiple %multiple_of3A, 8 : i32
    %dma_start3A = tpu.memref_slice %arg5[%multiple_of3A_3] : memref<5000xi32, #tpu.memory_space<vmem>> -> memref<40xi32, #tpu.memory_space<vmem>>
    %dma_start3A_4 = arith.constant 0 : i32
    %dma_start3A_5 = arith.constant 0 : i32
    %dma_start3A_6 = tpu.memref_slice %arg3[%dma_start3A_4, %dma_start3A_5] : memref<10000x128xi32, #tpu.memory_space<hbm>> -> memref<10000x128xi32, #tpu.memory_space<hbm>>
    tpu.enqueue_indirect_dma source(%dma_start3A_6 : memref<10000x128xi32, #tpu.memory_space<hbm>>) target(%arg6 : memref<40x128xi32, #tpu.memory_space<vmem>>) offsets(%dma_start3A : memref<40xi32, #tpu.memory_space<vmem>>) semaphore(%arg10 : memref<!tpu.dma_semaphore, #tpu.memory_space<semaphore_mem>>)
    %multiple_of3A_7 = arith.constant 40 : i32
    %multiple_of3A_8 = tpu.assume_multiple %multiple_of3A_7, 8 : i32
    %dma_start3A_9 = tpu.memref_slice %arg5[%multiple_of3A_8] : memref<5000xi32, #tpu.memory_space<vmem>> -> memref<40xi32, #tpu.memory_space<vmem>>
    %dma_start3A_10 = arith.constant 0 : i32
    %dma_start3A_11 = arith.constant 0 : i32
    %dma_start3A_12 = tpu.memref_slice %arg3[%dma_start3A_10, %dma_start3A_11] : memref<10000x128xi32, #tpu.memory_space<hbm>> -> memref<10000x128xi32, #tpu.memory_space<hbm>>
    tpu.enqueue_indirect_dma source(%dma_start3A_12 : memref<10000x128xi32, #tpu.memory_space<hbm>>) target(%arg7 : memref<40x128xi32, #tpu.memory_space<vmem>>) offsets(%dma_start3A_9 : memref<40xi32, #tpu.memory_space<vmem>>) semaphore(%arg11 : memref<!tpu.dma_semaphore, #tpu.memory_space<semaphore_mem>>)
    %multiple_of3A_13 = arith.constant 0 : i32
    %multiple_of3A_14 = tpu.assume_multiple %multiple_of3A_13, 8 : i32
    %dma_wait3A = tpu.memref_slice %arg5[%multiple_of3A_14] : memref<5000xi32, #tpu.memory_space<vmem>> -> memref<40xi32, #tpu.memory_space<vmem>>
    %dma_wait3A_15 = arith.constant 0 : i32
    %dma_wait3A_16 = arith.constant 0 : i32
    %dma_wait3A_17 = tpu.memref_slice %arg3[%dma_wait3A_15, %dma_wait3A_16] : memref<10000x128xi32, #tpu.memory_space<hbm>> -> memref<10000x128xi32, #tpu.memory_space<hbm>>
    tpu.wait_indirect_dma semaphore(%arg10 : memref<!tpu.dma_semaphore, #tpu.memory_space<semaphore_mem>>) src(%dma_wait3A_17 : memref<10000x128xi32, #tpu.memory_space<hbm>>) dst(%arg6 : memref<40x128xi32, #tpu.memory_space<vmem>>)
    %add3A_18 = arith.constant 0 : i32
    %add3A_19 = arith.addi %mul3A_2, %add3A_18 : i32
    %dma_start3A_20 = arith.constant 0 : i32
    %dma_start3A_21 = tpu.memref_slice %arg4[%add3A_19, %dma_start3A_20] : memref<160000x128xi32, #tpu.memory_space<hbm>> -> memref<40x128xi32, #tpu.memory_space<hbm>>
    %dma_start3A_22 = arith.constant 0 : i32
    %dma_start3A_23 = tpu.memref_slice %arg4[%add3A_19, %dma_start3A_22] : memref<160000x128xi32, #tpu.memory_space<hbm>> -> memref<40x128xi32, #tpu.memory_space<hbm>>
    tpu.enqueue_dma source(%arg6 : memref<40x128xi32, #tpu.memory_space<vmem>>) target(%dma_start3A_23 : memref<40x128xi32, #tpu.memory_space<hbm>>) target_semaphore(%arg14 : memref<!tpu.dma_semaphore, #tpu.memory_space<semaphore_mem>>)
    %multiple_of3A_24 = arith.constant 80 : i32
    %multiple_of3A_25 = tpu.assume_multiple %multiple_of3A_24, 8 : i32
    %dma_start3A_26 = tpu.memref_slice %arg5[%multiple_of3A_25] : memref<5000xi32, #tpu.memory_space<vmem>> -> memref<40xi32, #tpu.memory_space<vmem>>
    %dma_start3A_27 = arith.constant 0 : i32
    %dma_start3A_28 = arith.constant 0 : i32
    %dma_start3A_29 = tpu.memref_slice %arg3[%dma_start3A_27, %dma_start3A_28] : memref<10000x128xi32, #tpu.memory_space<hbm>> -> memref<10000x128xi32, #tpu.memory_space<hbm>>
    tpu.enqueue_indirect_dma source(%dma_start3A_29 : memref<10000x128xi32, #tpu.memory_space<hbm>>) target(%arg8 : memref<40x128xi32, #tpu.memory_space<vmem>>) offsets(%dma_start3A_26 : memref<40xi32, #tpu.memory_space<vmem>>) semaphore(%arg12 : memref<!tpu.dma_semaphore, #tpu.memory_space<semaphore_mem>>)
    %multiple_of3A_30 = arith.constant 40 : i32
    %multiple_of3A_31 = tpu.assume_multiple %multiple_of3A_30, 8 : i32
    %dma_wait3A_32 = tpu.memref_slice %arg5[%multiple_of3A_31] : memref<5000xi32, #tpu.memory_space<vmem>> -> memref<40xi32, #tpu.memory_space<vmem>>
    %dma_wait3A_33 = arith.constant 0 : i32
    %dma_wait3A_34 = arith.constant 0 : i32
    %dma_wait3A_35 = tpu.memref_slice %arg3[%dma_wait3A_33, %dma_wait3A_34] : memref<10000x128xi32, #tpu.memory_space<hbm>> -> memref<10000x128xi32, #tpu.memory_space<hbm>>
    tpu.wait_indirect_dma semaphore(%arg11 : memref<!tpu.dma_semaphore, #tpu.memory_space<semaphore_mem>>) src(%dma_wait3A_35 : memref<10000x128xi32, #tpu.memory_space<hbm>>) dst(%arg7 : memref<40x128xi32, #tpu.memory_space<vmem>>)
    %add3A_36 = arith.constant 40 : i32
    %add3A_37 = arith.addi %mul3A_2, %add3A_36 : i32
    %dma_start3A_38 = arith.constant 0 : i32
    %dma_start3A_39 = tpu.memref_slice %arg4[%add3A_37, %dma_start3A_38] : memref<160000x128xi32, #tpu.memory_space<hbm>> -> memref<40x128xi32, #tpu.memory_space<hbm>>
    %dma_start3A_40 = arith.constant 0 : i32
    %dma_start3A_41 = tpu.memref_slice %arg4[%add3A_37, %dma_start3A_40] : memref<160000x128xi32, #tpu.memory_space<hbm>> -> memref<40x128xi32, #tpu.memory_space<hbm>>
    tpu.enqueue_dma source(%arg7 : memref<40x128xi32, #tpu.memory_space<vmem>>) target(%dma_start3A_41 : memref<40x128xi32, #tpu.memory_space<hbm>>) target_semaphore(%arg15 : memref<!tpu.dma_semaphore, #tpu.memory_space<semaphore_mem>>)
    %multiple_of3A_42 = arith.constant 120 : i32
    %multiple_of3A_43 = tpu.assume_multiple %multiple_of3A_42, 8 : i32
    %dma_start3A_44 = tpu.memref_slice %arg5[%multiple_of3A_43] : memref<5000xi32, #tpu.memory_space<vmem>> -> memref<40xi32, #tpu.memory_space<vmem>>
    %dma_start3A_45 = arith.constant 0 : i32
    %dma_start3A_46 = arith.constant 0 : i32
    %dma_start3A_47 = tpu.memref_slice %arg3[%dma_start3A_45, %dma_start3A_46] : memref<10000x128xi32, #tpu.memory_space<hbm>> -> memref<10000x128xi32, #tpu.memory_space<hbm>>
    tpu.enqueue_indirect_dma source(%dma_start3A_47 : memref<10000x128xi32, #tpu.memory_space<hbm>>) target(%arg9 : memref<40x128xi32, #tpu.memory_space<vmem>>) offsets(%dma_start3A_44 : memref<40xi32, #tpu.memory_space<vmem>>) semaphore(%arg13 : memref<!tpu.dma_semaphore, #tpu.memory_space<semaphore_mem>>)
    %multiple_of3A_48 = arith.constant 80 : i32
    %multiple_of3A_49 = tpu.assume_multiple %multiple_of3A_48, 8 : i32
    %dma_wait3A_50 = tpu.memref_slice %arg5[%multiple_of3A_49] : memref<5000xi32, #tpu.memory_space<vmem>> -> memref<40xi32, #tpu.memory_space<vmem>>
    %dma_wait3A_51 = arith.constant 0 : i32
    %dma_wait3A_52 = arith.constant 0 : i32
    %dma_wait3A_53 = tpu.memref_slice %arg3[%dma_wait3A_51, %dma_wait3A_52] : memref<10000x128xi32, #tpu.memory_space<hbm>> -> memref<10000x128xi32, #tpu.memory_space<hbm>>
    tpu.wait_indirect_dma semaphore(%arg12 : memref<!tpu.dma_semaphore, #tpu.memory_space<semaphore_mem>>) src(%dma_wait3A_53 : memref<10000x128xi32, #tpu.memory_space<hbm>>) dst(%arg8 : memref<40x128xi32, #tpu.memory_space<vmem>>)
    %add3A_54 = arith.constant 80 : i32
    %add3A_55 = arith.addi %mul3A_2, %add3A_54 : i32
    %dma_start3A_56 = arith.constant 0 : i32
    %dma_start3A_57 = tpu.memref_slice %arg4[%add3A_55, %dma_start3A_56] : memref<160000x128xi32, #tpu.memory_space<hbm>> -> memref<40x128xi32, #tpu.memory_space<hbm>>
    %dma_start3A_58 = arith.constant 0 : i32
    %dma_start3A_59 = tpu.memref_slice %arg4[%add3A_55, %dma_start3A_58] : memref<160000x128xi32, #tpu.memory_space<hbm>> -> memref<40x128xi32, #tpu.memory_space<hbm>>
    tpu.enqueue_dma source(%arg8 : memref<40x128xi32, #tpu.memory_space<vmem>>) target(%dma_start3A_59 : memref<40x128xi32, #tpu.memory_space<hbm>>) target_semaphore(%arg16 : memref<!tpu.dma_semaphore, #tpu.memory_space<semaphore_mem>>)
    %add3A_60 = arith.constant 0 : i32
    %add3A_61 = arith.addi %mul3A_2, %add3A_60 : i32
    %dma_wait3A_62 = arith.constant 0 : i32
    %dma_wait3A_63 = tpu.memref_slice %arg4[%add3A_61, %dma_wait3A_62] : memref<160000x128xi32, #tpu.memory_space<hbm>> -> memref<40x128xi32, #tpu.memory_space<hbm>>
    %dma_wait3A_64 = arith.constant 0 : i32
    %dma_wait3A_65 = tpu.memref_slice %arg4[%add3A_61, %dma_wait3A_64] : memref<160000x128xi32, #tpu.memory_space<hbm>> -> memref<40x128xi32, #tpu.memory_space<hbm>>
    tpu.wait_dma2 semaphore(%arg14 : memref<!tpu.dma_semaphore, #tpu.memory_space<semaphore_mem>>) src(%arg6 : memref<40x128xi32, #tpu.memory_space<vmem>>) dst(%dma_wait3A_65 : memref<40x128xi32, #tpu.memory_space<hbm>>)
    %multiple_of3A_66 = arith.constant 160 : i32
    %multiple_of3A_67 = tpu.assume_multiple %multiple_of3A_66, 8 : i32
    %dma_start3A_68 = tpu.memref_slice %arg5[%multiple_of3A_67] : memref<5000xi32, #tpu.memory_space<vmem>> -> memref<40xi32, #tpu.memory_space<vmem>>
    %dma_start3A_69 = arith.constant 0 : i32
    %dma_start3A_70 = arith.constant 0 : i32
    %dma_start3A_71 = tpu.memref_slice %arg3[%dma_start3A_69, %dma_start3A_70] : memref<10000x128xi32, #tpu.memory_space<hbm>> -> memref<10000x128xi32, #tpu.memory_space<hbm>>
    tpu.enqueue_indirect_dma source(%dma_start3A_71 : memref<10000x128xi32, #tpu.memory_space<hbm>>) target(%arg6 : memref<40x128xi32, #tpu.memory_space<vmem>>) offsets(%dma_start3A_68 : memref<40xi32, #tpu.memory_space<vmem>>) semaphore(%arg10 : memref<!tpu.dma_semaphore, #tpu.memory_space<semaphore_mem>>)
    %multiple_of3A_72 = arith.constant 120 : i32
    %multiple_of3A_73 = tpu.assume_multiple %multiple_of3A_72, 8 : i32
    %dma_wait3A_74 = tpu.memref_slice %arg5[%multiple_of3A_73] : memref<5000xi32, #tpu.memory_space<vmem>> -> memref<40xi32, #tpu.memory_space<vmem>>
    %dma_wait3A_75 = arith.constant 0 : i32
    %dma_wait3A_76 = arith.constant 0 : i32
    %dma_wait3A_77 = tpu.memref_slice %arg3[%dma_wait3A_75, %dma_wait3A_76] : memref<10000x128xi32, #tpu.memory_space<hbm>> -> memref<10000x128xi32, #tpu.memory_space<hbm>>
    tpu.wait_indirect_dma semaphore(%arg13 : memref<!tpu.dma_semaphore, #tpu.memory_space<semaphore_mem>>) src(%dma_wait3A_77 : memref<10000x128xi32, #tpu.memory_space<hbm>>) dst(%arg9 : memref<40x128xi32, #tpu.memory_space<vmem>>)
    %add3A_78 = arith.constant 120 : i32
    %add3A_79 = arith.addi %mul3A_2, %add3A_78 : i32
    %dma_start3A_80 = arith.constant 0 : i32
    %dma_start3A_81 = tpu.memref_slice %arg4[%add3A_79, %dma_start3A_80] : memref<160000x128xi32, #tpu.memory_space<hbm>> -> memref<40x128xi32, #tpu.memory_space<hbm>>
    %dma_start3A_82 = arith.constant 0 : i32
    %dma_start3A_83 = tpu.memref_slice %arg4[%add3A_79, %dma_start3A_82] : memref<160000x128xi32, #tpu.memory_space<hbm>> -> memref<40x128xi32, #tpu.memory_space<hbm>>
    tpu.enqueue_dma source(%arg9 : memref<40x128xi32, #tpu.memory_space<vmem>>) target(%dma_start3A_83 : memref<40x128xi32, #tpu.memory_space<hbm>>) target_semaphore(%arg17 : memref<!tpu.dma_semaphore, #tpu.memory_space<semaphore_mem>>)
    %add3A_84 = arith.constant 40 : i32
    %add3A_85 = arith.addi %mul3A_2, %add3A_84 : i32
    %dma_wait3A_86 = arith.constant 0 : i32
    %dma_wait3A_87 = tpu.memref_slice %arg4[%add3A_85, %dma_wait3A_86] : memref<160000x128xi32, #tpu.memory_space<hbm>> -> memref<40x128xi32, #tpu.memory_space<hbm>>
    %dma_wait3A_88 = arith.constant 0 : i32
    %dma_wait3A_89 = tpu.memref_slice %arg4[%add3A_85, %dma_wait3A_88] : memref<160000x128xi32, #tpu.memory_space<hbm>> -> memref<40x128xi32, #tpu.memory_space<hbm>>
    tpu.wait_dma2 semaphore(%arg15 : memref<!tpu.dma_semaphore, #tpu.memory_space<semaphore_mem>>) src(%arg7 : memref<40x128xi32, #tpu.memory_space<vmem>>) dst(%dma_wait3A_89 : memref<40x128xi32, #tpu.memory_space<hbm>>)
    %multiple_of3A_90 = arith.constant 200 : i32
    %multiple_of3A_91 = tpu.assume_multiple %multiple_of3A_90, 8 : i32
    %dma_start3A_92 = tpu.memref_slice %arg5[%multiple_of3A_91] : memref<5000xi32, #tpu.memory_space<vmem>> -> memref<40xi32, #tpu.memory_space<vmem>>
    %dma_start3A_93 = arith.constant 0 : i32
    %dma_start3A_94 = arith.constant 0 : i32
    %dma_start3A_95 = tpu.memref_slice %arg3[%dma_start3A_93, %dma_start3A_94] : memref<10000x128xi32, #tpu.memory_space<hbm>> -> memref<10000x128xi32, #tpu.memory_space<hbm>>
    tpu.enqueue_indirect_dma source(%dma_start3A_95 : memref<10000x128xi32, #tpu.memory_space<hbm>>) target(%arg7 : memref<40x128xi32, #tpu.memory_space<vmem>>) offsets(%dma_start3A_92 : memref<40xi32, #tpu.memory_space<vmem>>) semaphore(%arg11 : memref<!tpu.dma_semaphore, #tpu.memory_space<semaphore_mem>>)
    %scan3A = arith.constant 0 : i32
    %scan3A_96 = arith.constant 0 : i32
    %scan3A_97 = arith.constant 29 : i32
    %scan3A_98 = arith.addi %scan3A_96, %scan3A_97 : i32
    %scan3A_99 = arith.constant 1 : i32
    scf.for %scan3A_221 = %scan3A_96 to %scan3A_98 step %scan3A_99  : i32 {
      %mul3A_222 = arith.constant 4 : i32
      %mul3A_223 = arith.muli %mul3A_222, %scan3A_221 : i32
      %add3A_224 = arith.constant 4 : i32
      %add3A_225 = arith.addi %add3A_224, %mul3A_223 : i32
      %mul3A_226 = arith.constant 40 : i32
      %mul3A_227 = arith.muli %add3A_225, %mul3A_226 : i32
      %multiple_of3A_228 = tpu.assume_multiple %mul3A_227, 8 : i32
      %dma_wait3A_229 = tpu.memref_slice %arg5[%multiple_of3A_228] : memref<5000xi32, #tpu.memory_space<vmem>> -> memref<40xi32, #tpu.memory_space<vmem>>
      %dma_wait3A_230 = arith.constant 0 : i32
      %dma_wait3A_231 = arith.constant 0 : i32
      %dma_wait3A_232 = tpu.memref_slice %arg3[%dma_wait3A_230, %dma_wait3A_231] : memref<10000x128xi32, #tpu.memory_space<hbm>> -> memref<10000x128xi32, #tpu.memory_space<hbm>>
      tpu.wait_indirect_dma semaphore(%arg10 : memref<!tpu.dma_semaphore, #tpu.memory_space<semaphore_mem>>) src(%dma_wait3A_232 : memref<10000x128xi32, #tpu.memory_space<hbm>>) dst(%arg6 : memref<40x128xi32, #tpu.memory_space<vmem>>)
      %mul3A_233 = arith.constant 40 : i32
      %mul3A_234 = arith.muli %add3A_225, %mul3A_233 : i32
      %add3A_235 = arith.addi %mul3A_2, %mul3A_234 : i32
      %dma_start3A_236 = arith.constant 0 : i32
      %dma_start3A_237 = tpu.memref_slice %arg4[%add3A_235, %dma_start3A_236] : memref<160000x128xi32, #tpu.memory_space<hbm>> -> memref<40x128xi32, #tpu.memory_space<hbm>>
      %dma_start3A_238 = arith.constant 0 : i32
      %dma_start3A_239 = tpu.memref_slice %arg4[%add3A_235, %dma_start3A_238] : memref<160000x128xi32, #tpu.memory_space<hbm>> -> memref<40x128xi32, #tpu.memory_space<hbm>>
      tpu.enqueue_dma source(%arg6 : memref<40x128xi32, #tpu.memory_space<vmem>>) target(%dma_start3A_239 : memref<40x128xi32, #tpu.memory_space<hbm>>) target_semaphore(%arg14 : memref<!tpu.dma_semaphore, #tpu.memory_space<semaphore_mem>>)
      %sub3A = arith.constant 2 : i32
      %sub3A_240 = arith.subi %add3A_225, %sub3A : i32
      %mul3A_241 = arith.constant 40 : i32
      %mul3A_242 = arith.muli %sub3A_240, %mul3A_241 : i32
      %add3A_243 = arith.addi %mul3A_2, %mul3A_242 : i32
      %dma_wait3A_244 = arith.constant 0 : i32
      %dma_wait3A_245 = tpu.memref_slice %arg4[%add3A_243, %dma_wait3A_244] : memref<160000x128xi32, #tpu.memory_space<hbm>> -> memref<40x128xi32, #tpu.memory_space<hbm>>
      %dma_wait3A_246 = arith.constant 0 : i32
      %dma_wait3A_247 = tpu.memref_slice %arg4[%add3A_243, %dma_wait3A_246] : memref<160000x128xi32, #tpu.memory_space<hbm>> -> memref<40x128xi32, #tpu.memory_space<hbm>>
      tpu.wait_dma2 semaphore(%arg16 : memref<!tpu.dma_semaphore, #tpu.memory_space<semaphore_mem>>) src(%arg8 : memref<40x128xi32, #tpu.memory_space<vmem>>) dst(%dma_wait3A_247 : memref<40x128xi32, #tpu.memory_space<hbm>>)
      %add3A_248 = arith.constant 2 : i32
      %add3A_249 = arith.addi %add3A_225, %add3A_248 : i32
      %mul3A_250 = arith.constant 40 : i32
      %mul3A_251 = arith.muli %add3A_249, %mul3A_250 : i32
      %multiple_of3A_252 = tpu.assume_multiple %mul3A_251, 8 : i32
      %dma_start3A_253 = tpu.memref_slice %arg5[%multiple_of3A_252] : memref<5000xi32, #tpu.memory_space<vmem>> -> memref<40xi32, #tpu.memory_space<vmem>>
      %dma_start3A_254 = arith.constant 0 : i32
      %dma_start3A_255 = arith.constant 0 : i32
      %dma_start3A_256 = tpu.memref_slice %arg3[%dma_start3A_254, %dma_start3A_255] : memref<10000x128xi32, #tpu.memory_space<hbm>> -> memref<10000x128xi32, #tpu.memory_space<hbm>>
      tpu.enqueue_indirect_dma source(%dma_start3A_256 : memref<10000x128xi32, #tpu.memory_space<hbm>>) target(%arg8 : memref<40x128xi32, #tpu.memory_space<vmem>>) offsets(%dma_start3A_253 : memref<40xi32, #tpu.memory_space<vmem>>) semaphore(%arg12 : memref<!tpu.dma_semaphore, #tpu.memory_space<semaphore_mem>>)
      %add3A_257 = arith.constant 1 : i32
      %add3A_258 = arith.addi %add3A_225, %add3A_257 : i32
      %mul3A_259 = arith.constant 40 : i32
      %mul3A_260 = arith.muli %add3A_258, %mul3A_259 : i32
      %multiple_of3A_261 = tpu.assume_multiple %mul3A_260, 8 : i32
      %dma_wait3A_262 = tpu.memref_slice %arg5[%multiple_of3A_261] : memref<5000xi32, #tpu.memory_space<vmem>> -> memref<40xi32, #tpu.memory_space<vmem>>
      %dma_wait3A_263 = arith.constant 0 : i32
      %dma_wait3A_264 = arith.constant 0 : i32
      %dma_wait3A_265 = tpu.memref_slice %arg3[%dma_wait3A_263, %dma_wait3A_264] : memref<10000x128xi32, #tpu.memory_space<hbm>> -> memref<10000x128xi32, #tpu.memory_space<hbm>>
      tpu.wait_indirect_dma semaphore(%arg11 : memref<!tpu.dma_semaphore, #tpu.memory_space<semaphore_mem>>) src(%dma_wait3A_265 : memref<10000x128xi32, #tpu.memory_space<hbm>>) dst(%arg7 : memref<40x128xi32, #tpu.memory_space<vmem>>)
      %mul3A_266 = arith.constant 40 : i32
      %mul3A_267 = arith.muli %add3A_258, %mul3A_266 : i32
      %add3A_268 = arith.addi %mul3A_2, %mul3A_267 : i32
      %dma_start3A_269 = arith.constant 0 : i32
      %dma_start3A_270 = tpu.memref_slice %arg4[%add3A_268, %dma_start3A_269] : memref<160000x128xi32, #tpu.memory_space<hbm>> -> memref<40x128xi32, #tpu.memory_space<hbm>>
      %dma_start3A_271 = arith.constant 0 : i32
      %dma_start3A_272 = tpu.memref_slice %arg4[%add3A_268, %dma_start3A_271] : memref<160000x128xi32, #tpu.memory_space<hbm>> -> memref<40x128xi32, #tpu.memory_space<hbm>>
      tpu.enqueue_dma source(%arg7 : memref<40x128xi32, #tpu.memory_space<vmem>>) target(%dma_start3A_272 : memref<40x128xi32, #tpu.memory_space<hbm>>) target_semaphore(%arg15 : memref<!tpu.dma_semaphore, #tpu.memory_space<semaphore_mem>>)
      %sub3A_273 = arith.constant 2 : i32
      %sub3A_274 = arith.subi %add3A_258, %sub3A_273 : i32
      %mul3A_275 = arith.constant 40 : i32
      %mul3A_276 = arith.muli %sub3A_274, %mul3A_275 : i32
      %add3A_277 = arith.addi %mul3A_2, %mul3A_276 : i32
      %dma_wait3A_278 = arith.constant 0 : i32
      %dma_wait3A_279 = tpu.memref_slice %arg4[%add3A_277, %dma_wait3A_278] : memref<160000x128xi32, #tpu.memory_space<hbm>> -> memref<40x128xi32, #tpu.memory_space<hbm>>
      %dma_wait3A_280 = arith.constant 0 : i32
      %dma_wait3A_281 = tpu.memref_slice %arg4[%add3A_277, %dma_wait3A_280] : memref<160000x128xi32, #tpu.memory_space<hbm>> -> memref<40x128xi32, #tpu.memory_space<hbm>>
      tpu.wait_dma2 semaphore(%arg17 : memref<!tpu.dma_semaphore, #tpu.memory_space<semaphore_mem>>) src(%arg9 : memref<40x128xi32, #tpu.memory_space<vmem>>) dst(%dma_wait3A_281 : memref<40x128xi32, #tpu.memory_space<hbm>>)
      %add3A_282 = arith.constant 2 : i32
      %add3A_283 = arith.addi %add3A_258, %add3A_282 : i32
      %mul3A_284 = arith.constant 40 : i32
      %mul3A_285 = arith.muli %add3A_283, %mul3A_284 : i32
      %multiple_of3A_286 = tpu.assume_multiple %mul3A_285, 8 : i32
      %dma_start3A_287 = tpu.memref_slice %arg5[%multiple_of3A_286] : memref<5000xi32, #tpu.memory_space<vmem>> -> memref<40xi32, #tpu.memory_space<vmem>>
      %dma_start3A_288 = arith.constant 0 : i32
      %dma_start3A_289 = arith.constant 0 : i32
      %dma_start3A_290 = tpu.memref_slice %arg3[%dma_start3A_288, %dma_start3A_289] : memref<10000x128xi32, #tpu.memory_space<hbm>> -> memref<10000x128xi32, #tpu.memory_space<hbm>>
      tpu.enqueue_indirect_dma source(%dma_start3A_290 : memref<10000x128xi32, #tpu.memory_space<hbm>>) target(%arg9 : memref<40x128xi32, #tpu.memory_space<vmem>>) offsets(%dma_start3A_287 : memref<40xi32, #tpu.memory_space<vmem>>) semaphore(%arg13 : memref<!tpu.dma_semaphore, #tpu.memory_space<semaphore_mem>>)
      %add3A_291 = arith.constant 2 : i32
      %add3A_292 = arith.addi %add3A_225, %add3A_291 : i32
      %mul3A_293 = arith.constant 40 : i32
      %mul3A_294 = arith.muli %add3A_292, %mul3A_293 : i32
      %multiple_of3A_295 = tpu.assume_multiple %mul3A_294, 8 : i32
      %dma_wait3A_296 = tpu.memref_slice %arg5[%multiple_of3A_295] : memref<5000xi32, #tpu.memory_space<vmem>> -> memref<40xi32, #tpu.memory_space<vmem>>
      %dma_wait3A_297 = arith.constant 0 : i32
      %dma_wait3A_298 = arith.constant 0 : i32
      %dma_wait3A_299 = tpu.memref_slice %arg3[%dma_wait3A_297, %dma_wait3A_298] : memref<10000x128xi32, #tpu.memory_space<hbm>> -> memref<10000x128xi32, #tpu.memory_space<hbm>>
      tpu.wait_indirect_dma semaphore(%arg12 : memref<!tpu.dma_semaphore, #tpu.memory_space<semaphore_mem>>) src(%dma_wait3A_299 : memref<10000x128xi32, #tpu.memory_space<hbm>>) dst(%arg8 : memref<40x128xi32, #tpu.memory_space<vmem>>)
      %mul3A_300 = arith.constant 40 : i32
      %mul3A_301 = arith.muli %add3A_292, %mul3A_300 : i32
      %add3A_302 = arith.addi %mul3A_2, %mul3A_301 : i32
      %dma_start3A_303 = arith.constant 0 : i32
      %dma_start3A_304 = tpu.memref_slice %arg4[%add3A_302, %dma_start3A_303] : memref<160000x128xi32, #tpu.memory_space<hbm>> -> memref<40x128xi32, #tpu.memory_space<hbm>>
      %dma_start3A_305 = arith.constant 0 : i32
      %dma_start3A_306 = tpu.memref_slice %arg4[%add3A_302, %dma_start3A_305] : memref<160000x128xi32, #tpu.memory_space<hbm>> -> memref<40x128xi32, #tpu.memory_space<hbm>>
      tpu.enqueue_dma source(%arg8 : memref<40x128xi32, #tpu.memory_space<vmem>>) target(%dma_start3A_306 : memref<40x128xi32, #tpu.memory_space<hbm>>) target_semaphore(%arg16 : memref<!tpu.dma_semaphore, #tpu.memory_space<semaphore_mem>>)
      %sub3A_307 = arith.constant 2 : i32
      %sub3A_308 = arith.subi %add3A_292, %sub3A_307 : i32
      %mul3A_309 = arith.constant 40 : i32
      %mul3A_310 = arith.muli %sub3A_308, %mul3A_309 : i32
      %add3A_311 = arith.addi %mul3A_2, %mul3A_310 : i32
      %dma_wait3A_312 = arith.constant 0 : i32
      %dma_wait3A_313 = tpu.memref_slice %arg4[%add3A_311, %dma_wait3A_312] : memref<160000x128xi32, #tpu.memory_space<hbm>> -> memref<40x128xi32, #tpu.memory_space<hbm>>
      %dma_wait3A_314 = arith.constant 0 : i32
      %dma_wait3A_315 = tpu.memref_slice %arg4[%add3A_311, %dma_wait3A_314] : memref<160000x128xi32, #tpu.memory_space<hbm>> -> memref<40x128xi32, #tpu.memory_space<hbm>>
      tpu.wait_dma2 semaphore(%arg14 : memref<!tpu.dma_semaphore, #tpu.memory_space<semaphore_mem>>) src(%arg6 : memref<40x128xi32, #tpu.memory_space<vmem>>) dst(%dma_wait3A_315 : memref<40x128xi32, #tpu.memory_space<hbm>>)
      %add3A_316 = arith.constant 2 : i32
      %add3A_317 = arith.addi %add3A_292, %add3A_316 : i32
      %mul3A_318 = arith.constant 40 : i32
      %mul3A_319 = arith.muli %add3A_317, %mul3A_318 : i32
      %multiple_of3A_320 = tpu.assume_multiple %mul3A_319, 8 : i32
      %dma_start3A_321 = tpu.memref_slice %arg5[%multiple_of3A_320] : memref<5000xi32, #tpu.memory_space<vmem>> -> memref<40xi32, #tpu.memory_space<vmem>>
      %dma_start3A_322 = arith.constant 0 : i32
      %dma_start3A_323 = arith.constant 0 : i32
      %dma_start3A_324 = tpu.memref_slice %arg3[%dma_start3A_322, %dma_start3A_323] : memref<10000x128xi32, #tpu.memory_space<hbm>> -> memref<10000x128xi32, #tpu.memory_space<hbm>>
      tpu.enqueue_indirect_dma source(%dma_start3A_324 : memref<10000x128xi32, #tpu.memory_space<hbm>>) target(%arg6 : memref<40x128xi32, #tpu.memory_space<vmem>>) offsets(%dma_start3A_321 : memref<40xi32, #tpu.memory_space<vmem>>) semaphore(%arg10 : memref<!tpu.dma_semaphore, #tpu.memory_space<semaphore_mem>>)
      %add3A_325 = arith.constant 3 : i32
      %add3A_326 = arith.addi %add3A_225, %add3A_325 : i32
      %mul3A_327 = arith.constant 40 : i32
      %mul3A_328 = arith.muli %add3A_326, %mul3A_327 : i32
      %multiple_of3A_329 = tpu.assume_multiple %mul3A_328, 8 : i32
      %dma_wait3A_330 = tpu.memref_slice %arg5[%multiple_of3A_329] : memref<5000xi32, #tpu.memory_space<vmem>> -> memref<40xi32, #tpu.memory_space<vmem>>
      %dma_wait3A_331 = arith.constant 0 : i32
      %dma_wait3A_332 = arith.constant 0 : i32
      %dma_wait3A_333 = tpu.memref_slice %arg3[%dma_wait3A_331, %dma_wait3A_332] : memref<10000x128xi32, #tpu.memory_space<hbm>> -> memref<10000x128xi32, #tpu.memory_space<hbm>>
      tpu.wait_indirect_dma semaphore(%arg13 : memref<!tpu.dma_semaphore, #tpu.memory_space<semaphore_mem>>) src(%dma_wait3A_333 : memref<10000x128xi32, #tpu.memory_space<hbm>>) dst(%arg9 : memref<40x128xi32, #tpu.memory_space<vmem>>)
      %mul3A_334 = arith.constant 40 : i32
      %mul3A_335 = arith.muli %add3A_326, %mul3A_334 : i32
      %add3A_336 = arith.addi %mul3A_2, %mul3A_335 : i32
      %dma_start3A_337 = arith.constant 0 : i32
      %dma_start3A_338 = tpu.memref_slice %arg4[%add3A_336, %dma_start3A_337] : memref<160000x128xi32, #tpu.memory_space<hbm>> -> memref<40x128xi32, #tpu.memory_space<hbm>>
      %dma_start3A_339 = arith.constant 0 : i32
      %dma_start3A_340 = tpu.memref_slice %arg4[%add3A_336, %dma_start3A_339] : memref<160000x128xi32, #tpu.memory_space<hbm>> -> memref<40x128xi32, #tpu.memory_space<hbm>>
      tpu.enqueue_dma source(%arg9 : memref<40x128xi32, #tpu.memory_space<vmem>>) target(%dma_start3A_340 : memref<40x128xi32, #tpu.memory_space<hbm>>) target_semaphore(%arg17 : memref<!tpu.dma_semaphore, #tpu.memory_space<semaphore_mem>>)
      %sub3A_341 = arith.constant 2 : i32
      %sub3A_342 = arith.subi %add3A_326, %sub3A_341 : i32
      %mul3A_343 = arith.constant 40 : i32
      %mul3A_344 = arith.muli %sub3A_342, %mul3A_343 : i32
      %add3A_345 = arith.addi %mul3A_2, %mul3A_344 : i32
      %dma_wait3A_346 = arith.constant 0 : i32
      %dma_wait3A_347 = tpu.memref_slice %arg4[%add3A_345, %dma_wait3A_346] : memref<160000x128xi32, #tpu.memory_space<hbm>> -> memref<40x128xi32, #tpu.memory_space<hbm>>
      %dma_wait3A_348 = arith.constant 0 : i32
      %dma_wait3A_349 = tpu.memref_slice %arg4[%add3A_345, %dma_wait3A_348] : memref<160000x128xi32, #tpu.memory_space<hbm>> -> memref<40x128xi32, #tpu.memory_space<hbm>>
      tpu.wait_dma2 semaphore(%arg15 : memref<!tpu.dma_semaphore, #tpu.memory_space<semaphore_mem>>) src(%arg7 : memref<40x128xi32, #tpu.memory_space<vmem>>) dst(%dma_wait3A_349 : memref<40x128xi32, #tpu.memory_space<hbm>>)
      %add3A_350 = arith.constant 2 : i32
      %add3A_351 = arith.addi %add3A_326, %add3A_350 : i32
      %mul3A_352 = arith.constant 40 : i32
      %mul3A_353 = arith.muli %add3A_351, %mul3A_352 : i32
      %multiple_of3A_354 = tpu.assume_multiple %mul3A_353, 8 : i32
      %dma_start3A_355 = tpu.memref_slice %arg5[%multiple_of3A_354] : memref<5000xi32, #tpu.memory_space<vmem>> -> memref<40xi32, #tpu.memory_space<vmem>>
      %dma_start3A_356 = arith.constant 0 : i32
      %dma_start3A_357 = arith.constant 0 : i32
      %dma_start3A_358 = tpu.memref_slice %arg3[%dma_start3A_356, %dma_start3A_357] : memref<10000x128xi32, #tpu.memory_space<hbm>> -> memref<10000x128xi32, #tpu.memory_space<hbm>>
      tpu.enqueue_indirect_dma source(%dma_start3A_358 : memref<10000x128xi32, #tpu.memory_space<hbm>>) target(%arg7 : memref<40x128xi32, #tpu.memory_space<vmem>>) offsets(%dma_start3A_355 : memref<40xi32, #tpu.memory_space<vmem>>) semaphore(%arg11 : memref<!tpu.dma_semaphore, #tpu.memory_space<semaphore_mem>>)
    }
    %scan3A_100 = arith.constant 29 : i32
    %multiple_of3A_101 = arith.constant 4800 : i32
    %multiple_of3A_102 = tpu.assume_multiple %multiple_of3A_101, 8 : i32
    %dma_wait3A_103 = tpu.memref_slice %arg5[%multiple_of3A_102] : memref<5000xi32, #tpu.memory_space<vmem>> -> memref<40xi32, #tpu.memory_space<vmem>>
    %dma_wait3A_104 = arith.constant 0 : i32
    %dma_wait3A_105 = arith.constant 0 : i32
    %dma_wait3A_106 = tpu.memref_slice %arg3[%dma_wait3A_104, %dma_wait3A_105] : memref<10000x128xi32, #tpu.memory_space<hbm>> -> memref<10000x128xi32, #tpu.memory_space<hbm>>
    tpu.wait_indirect_dma semaphore(%arg10 : memref<!tpu.dma_semaphore, #tpu.memory_space<semaphore_mem>>) src(%dma_wait3A_106 : memref<10000x128xi32, #tpu.memory_space<hbm>>) dst(%arg6 : memref<40x128xi32, #tpu.memory_space<vmem>>)
    %add3A_107 = arith.constant 4800 : i32
    %add3A_108 = arith.addi %mul3A_2, %add3A_107 : i32
    %dma_start3A_109 = arith.constant 0 : i32
    %dma_start3A_110 = tpu.memref_slice %arg4[%add3A_108, %dma_start3A_109] : memref<160000x128xi32, #tpu.memory_space<hbm>> -> memref<40x128xi32, #tpu.memory_space<hbm>>
    %dma_start3A_111 = arith.constant 0 : i32
    %dma_start3A_112 = tpu.memref_slice %arg4[%add3A_108, %dma_start3A_111] : memref<160000x128xi32, #tpu.memory_space<hbm>> -> memref<40x128xi32, #tpu.memory_space<hbm>>
    tpu.enqueue_dma source(%arg6 : memref<40x128xi32, #tpu.memory_space<vmem>>) target(%dma_start3A_112 : memref<40x128xi32, #tpu.memory_space<hbm>>) target_semaphore(%arg14 : memref<!tpu.dma_semaphore, #tpu.memory_space<semaphore_mem>>)
    %add3A_113 = arith.constant 4720 : i32
    %add3A_114 = arith.addi %mul3A_2, %add3A_113 : i32
    %dma_wait3A_115 = arith.constant 0 : i32
    %dma_wait3A_116 = tpu.memref_slice %arg4[%add3A_114, %dma_wait3A_115] : memref<160000x128xi32, #tpu.memory_space<hbm>> -> memref<40x128xi32, #tpu.memory_space<hbm>>
    %dma_wait3A_117 = arith.constant 0 : i32
    %dma_wait3A_118 = tpu.memref_slice %arg4[%add3A_114, %dma_wait3A_117] : memref<160000x128xi32, #tpu.memory_space<hbm>> -> memref<40x128xi32, #tpu.memory_space<hbm>>
    tpu.wait_dma2 semaphore(%arg16 : memref<!tpu.dma_semaphore, #tpu.memory_space<semaphore_mem>>) src(%arg8 : memref<40x128xi32, #tpu.memory_space<vmem>>) dst(%dma_wait3A_118 : memref<40x128xi32, #tpu.memory_space<hbm>>)
    %multiple_of3A_119 = arith.constant 4880 : i32
    %multiple_of3A_120 = tpu.assume_multiple %multiple_of3A_119, 8 : i32
    %dma_start3A_121 = tpu.memref_slice %arg5[%multiple_of3A_120] : memref<5000xi32, #tpu.memory_space<vmem>> -> memref<40xi32, #tpu.memory_space<vmem>>
    %dma_start3A_122 = arith.constant 0 : i32
    %dma_start3A_123 = arith.constant 0 : i32
    %dma_start3A_124 = tpu.memref_slice %arg3[%dma_start3A_122, %dma_start3A_123] : memref<10000x128xi32, #tpu.memory_space<hbm>> -> memref<10000x128xi32, #tpu.memory_space<hbm>>
    tpu.enqueue_indirect_dma source(%dma_start3A_124 : memref<10000x128xi32, #tpu.memory_space<hbm>>) target(%arg8 : memref<40x128xi32, #tpu.memory_space<vmem>>) offsets(%dma_start3A_121 : memref<40xi32, #tpu.memory_space<vmem>>) semaphore(%arg12 : memref<!tpu.dma_semaphore, #tpu.memory_space<semaphore_mem>>)
    %multiple_of3A_125 = arith.constant 4840 : i32
    %multiple_of3A_126 = tpu.assume_multiple %multiple_of3A_125, 8 : i32
    %dma_wait3A_127 = tpu.memref_slice %arg5[%multiple_of3A_126] : memref<5000xi32, #tpu.memory_space<vmem>> -> memref<40xi32, #tpu.memory_space<vmem>>
    %dma_wait3A_128 = arith.constant 0 : i32
    %dma_wait3A_129 = arith.constant 0 : i32
    %dma_wait3A_130 = tpu.memref_slice %arg3[%dma_wait3A_128, %dma_wait3A_129] : memref<10000x128xi32, #tpu.memory_space<hbm>> -> memref<10000x128xi32, #tpu.memory_space<hbm>>
    tpu.wait_indirect_dma semaphore(%arg11 : memref<!tpu.dma_semaphore, #tpu.memory_space<semaphore_mem>>) src(%dma_wait3A_130 : memref<10000x128xi32, #tpu.memory_space<hbm>>) dst(%arg7 : memref<40x128xi32, #tpu.memory_space<vmem>>)
    %add3A_131 = arith.constant 4840 : i32
    %add3A_132 = arith.addi %mul3A_2, %add3A_131 : i32
    %dma_start3A_133 = arith.constant 0 : i32
    %dma_start3A_134 = tpu.memref_slice %arg4[%add3A_132, %dma_start3A_133] : memref<160000x128xi32, #tpu.memory_space<hbm>> -> memref<40x128xi32, #tpu.memory_space<hbm>>
    %dma_start3A_135 = arith.constant 0 : i32
    %dma_start3A_136 = tpu.memref_slice %arg4[%add3A_132, %dma_start3A_135] : memref<160000x128xi32, #tpu.memory_space<hbm>> -> memref<40x128xi32, #tpu.memory_space<hbm>>
    tpu.enqueue_dma source(%arg7 : memref<40x128xi32, #tpu.memory_space<vmem>>) target(%dma_start3A_136 : memref<40x128xi32, #tpu.memory_space<hbm>>) target_semaphore(%arg15 : memref<!tpu.dma_semaphore, #tpu.memory_space<semaphore_mem>>)
    %add3A_137 = arith.constant 4760 : i32
    %add3A_138 = arith.addi %mul3A_2, %add3A_137 : i32
    %dma_wait3A_139 = arith.constant 0 : i32
    %dma_wait3A_140 = tpu.memref_slice %arg4[%add3A_138, %dma_wait3A_139] : memref<160000x128xi32, #tpu.memory_space<hbm>> -> memref<40x128xi32, #tpu.memory_space<hbm>>
    %dma_wait3A_141 = arith.constant 0 : i32
    %dma_wait3A_142 = tpu.memref_slice %arg4[%add3A_138, %dma_wait3A_141] : memref<160000x128xi32, #tpu.memory_space<hbm>> -> memref<40x128xi32, #tpu.memory_space<hbm>>
    tpu.wait_dma2 semaphore(%arg17 : memref<!tpu.dma_semaphore, #tpu.memory_space<semaphore_mem>>) src(%arg9 : memref<40x128xi32, #tpu.memory_space<vmem>>) dst(%dma_wait3A_142 : memref<40x128xi32, #tpu.memory_space<hbm>>)
    %multiple_of3A_143 = arith.constant 4920 : i32
    %multiple_of3A_144 = tpu.assume_multiple %multiple_of3A_143, 8 : i32
    %dma_start3A_145 = tpu.memref_slice %arg5[%multiple_of3A_144] : memref<5000xi32, #tpu.memory_space<vmem>> -> memref<40xi32, #tpu.memory_space<vmem>>
    %dma_start3A_146 = arith.constant 0 : i32
    %dma_start3A_147 = arith.constant 0 : i32
    %dma_start3A_148 = tpu.memref_slice %arg3[%dma_start3A_146, %dma_start3A_147] : memref<10000x128xi32, #tpu.memory_space<hbm>> -> memref<10000x128xi32, #tpu.memory_space<hbm>>
    tpu.enqueue_indirect_dma source(%dma_start3A_148 : memref<10000x128xi32, #tpu.memory_space<hbm>>) target(%arg9 : memref<40x128xi32, #tpu.memory_space<vmem>>) offsets(%dma_start3A_145 : memref<40xi32, #tpu.memory_space<vmem>>) semaphore(%arg13 : memref<!tpu.dma_semaphore, #tpu.memory_space<semaphore_mem>>)
    %multiple_of3A_149 = arith.constant 4880 : i32
    %multiple_of3A_150 = tpu.assume_multiple %multiple_of3A_149, 8 : i32
    %dma_wait3A_151 = tpu.memref_slice %arg5[%multiple_of3A_150] : memref<5000xi32, #tpu.memory_space<vmem>> -> memref<40xi32, #tpu.memory_space<vmem>>
    %dma_wait3A_152 = arith.constant 0 : i32
    %dma_wait3A_153 = arith.constant 0 : i32
    %dma_wait3A_154 = tpu.memref_slice %arg3[%dma_wait3A_152, %dma_wait3A_153] : memref<10000x128xi32, #tpu.memory_space<hbm>> -> memref<10000x128xi32, #tpu.memory_space<hbm>>
    tpu.wait_indirect_dma semaphore(%arg12 : memref<!tpu.dma_semaphore, #tpu.memory_space<semaphore_mem>>) src(%dma_wait3A_154 : memref<10000x128xi32, #tpu.memory_space<hbm>>) dst(%arg8 : memref<40x128xi32, #tpu.memory_space<vmem>>)
    %add3A_155 = arith.constant 4880 : i32
    %add3A_156 = arith.addi %mul3A_2, %add3A_155 : i32
    %dma_start3A_157 = arith.constant 0 : i32
    %dma_start3A_158 = tpu.memref_slice %arg4[%add3A_156, %dma_start3A_157] : memref<160000x128xi32, #tpu.memory_space<hbm>> -> memref<40x128xi32, #tpu.memory_space<hbm>>
    %dma_start3A_159 = arith.constant 0 : i32
    %dma_start3A_160 = tpu.memref_slice %arg4[%add3A_156, %dma_start3A_159] : memref<160000x128xi32, #tpu.memory_space<hbm>> -> memref<40x128xi32, #tpu.memory_space<hbm>>
    tpu.enqueue_dma source(%arg8 : memref<40x128xi32, #tpu.memory_space<vmem>>) target(%dma_start3A_160 : memref<40x128xi32, #tpu.memory_space<hbm>>) target_semaphore(%arg16 : memref<!tpu.dma_semaphore, #tpu.memory_space<semaphore_mem>>)
    %add3A_161 = arith.constant 4800 : i32
    %add3A_162 = arith.addi %mul3A_2, %add3A_161 : i32
    %dma_wait3A_163 = arith.constant 0 : i32
    %dma_wait3A_164 = tpu.memref_slice %arg4[%add3A_162, %dma_wait3A_163] : memref<160000x128xi32, #tpu.memory_space<hbm>> -> memref<40x128xi32, #tpu.memory_space<hbm>>
    %dma_wait3A_165 = arith.constant 0 : i32
    %dma_wait3A_166 = tpu.memref_slice %arg4[%add3A_162, %dma_wait3A_165] : memref<160000x128xi32, #tpu.memory_space<hbm>> -> memref<40x128xi32, #tpu.memory_space<hbm>>
    tpu.wait_dma2 semaphore(%arg14 : memref<!tpu.dma_semaphore, #tpu.memory_space<semaphore_mem>>) src(%arg6 : memref<40x128xi32, #tpu.memory_space<vmem>>) dst(%dma_wait3A_166 : memref<40x128xi32, #tpu.memory_space<hbm>>)
    %multiple_of3A_167 = arith.constant 4960 : i32
    %multiple_of3A_168 = tpu.assume_multiple %multiple_of3A_167, 8 : i32
    %dma_start3A_169 = tpu.memref_slice %arg5[%multiple_of3A_168] : memref<5000xi32, #tpu.memory_space<vmem>> -> memref<40xi32, #tpu.memory_space<vmem>>
    %dma_start3A_170 = arith.constant 0 : i32
    %dma_start3A_171 = arith.constant 0 : i32
    %dma_start3A_172 = tpu.memref_slice %arg3[%dma_start3A_170, %dma_start3A_171] : memref<10000x128xi32, #tpu.memory_space<hbm>> -> memref<10000x128xi32, #tpu.memory_space<hbm>>
    tpu.enqueue_indirect_dma source(%dma_start3A_172 : memref<10000x128xi32, #tpu.memory_space<hbm>>) target(%arg6 : memref<40x128xi32, #tpu.memory_space<vmem>>) offsets(%dma_start3A_169 : memref<40xi32, #tpu.memory_space<vmem>>) semaphore(%arg10 : memref<!tpu.dma_semaphore, #tpu.memory_space<semaphore_mem>>)
    %multiple_of3A_173 = arith.constant 4920 : i32
    %multiple_of3A_174 = tpu.assume_multiple %multiple_of3A_173, 8 : i32
    %dma_wait3A_175 = tpu.memref_slice %arg5[%multiple_of3A_174] : memref<5000xi32, #tpu.memory_space<vmem>> -> memref<40xi32, #tpu.memory_space<vmem>>
    %dma_wait3A_176 = arith.constant 0 : i32
    %dma_wait3A_177 = arith.constant 0 : i32
    %dma_wait3A_178 = tpu.memref_slice %arg3[%dma_wait3A_176, %dma_wait3A_177] : memref<10000x128xi32, #tpu.memory_space<hbm>> -> memref<10000x128xi32, #tpu.memory_space<hbm>>
    tpu.wait_indirect_dma semaphore(%arg13 : memref<!tpu.dma_semaphore, #tpu.memory_space<semaphore_mem>>) src(%dma_wait3A_178 : memref<10000x128xi32, #tpu.memory_space<hbm>>) dst(%arg9 : memref<40x128xi32, #tpu.memory_space<vmem>>)
    %add3A_179 = arith.constant 4920 : i32
    %add3A_180 = arith.addi %mul3A_2, %add3A_179 : i32
    %dma_start3A_181 = arith.constant 0 : i32
    %dma_start3A_182 = tpu.memref_slice %arg4[%add3A_180, %dma_start3A_181] : memref<160000x128xi32, #tpu.memory_space<hbm>> -> memref<40x128xi32, #tpu.memory_space<hbm>>
    %dma_start3A_183 = arith.constant 0 : i32
    %dma_start3A_184 = tpu.memref_slice %arg4[%add3A_180, %dma_start3A_183] : memref<160000x128xi32, #tpu.memory_space<hbm>> -> memref<40x128xi32, #tpu.memory_space<hbm>>
    tpu.enqueue_dma source(%arg9 : memref<40x128xi32, #tpu.memory_space<vmem>>) target(%dma_start3A_184 : memref<40x128xi32, #tpu.memory_space<hbm>>) target_semaphore(%arg17 : memref<!tpu.dma_semaphore, #tpu.memory_space<semaphore_mem>>)
    %add3A_185 = arith.constant 4840 : i32
    %add3A_186 = arith.addi %mul3A_2, %add3A_185 : i32
    %dma_wait3A_187 = arith.constant 0 : i32
    %dma_wait3A_188 = tpu.memref_slice %arg4[%add3A_186, %dma_wait3A_187] : memref<160000x128xi32, #tpu.memory_space<hbm>> -> memref<40x128xi32, #tpu.memory_space<hbm>>
    %dma_wait3A_189 = arith.constant 0 : i32
    %dma_wait3A_190 = tpu.memref_slice %arg4[%add3A_186, %dma_wait3A_189] : memref<160000x128xi32, #tpu.memory_space<hbm>> -> memref<40x128xi32, #tpu.memory_space<hbm>>
    tpu.wait_dma2 semaphore(%arg15 : memref<!tpu.dma_semaphore, #tpu.memory_space<semaphore_mem>>) src(%arg7 : memref<40x128xi32, #tpu.memory_space<vmem>>) dst(%dma_wait3A_190 : memref<40x128xi32, #tpu.memory_space<hbm>>)
    %multiple_of3A_191 = arith.constant 4960 : i32
    %multiple_of3A_192 = tpu.assume_multiple %multiple_of3A_191, 8 : i32
    %dma_wait3A_193 = tpu.memref_slice %arg5[%multiple_of3A_192] : memref<5000xi32, #tpu.memory_space<vmem>> -> memref<40xi32, #tpu.memory_space<vmem>>
    %dma_wait3A_194 = arith.constant 0 : i32
    %dma_wait3A_195 = arith.constant 0 : i32
    %dma_wait3A_196 = tpu.memref_slice %arg3[%dma_wait3A_194, %dma_wait3A_195] : memref<10000x128xi32, #tpu.memory_space<hbm>> -> memref<10000x128xi32, #tpu.memory_space<hbm>>
    tpu.wait_indirect_dma semaphore(%arg10 : memref<!tpu.dma_semaphore, #tpu.memory_space<semaphore_mem>>) src(%dma_wait3A_196 : memref<10000x128xi32, #tpu.memory_space<hbm>>) dst(%arg6 : memref<40x128xi32, #tpu.memory_space<vmem>>)
    %add3A_197 = arith.constant 4960 : i32
    %add3A_198 = arith.addi %mul3A_2, %add3A_197 : i32
    %dma_start3A_199 = arith.constant 0 : i32
    %dma_start3A_200 = tpu.memref_slice %arg4[%add3A_198, %dma_start3A_199] : memref<160000x128xi32, #tpu.memory_space<hbm>> -> memref<40x128xi32, #tpu.memory_space<hbm>>
    %dma_start3A_201 = arith.constant 0 : i32
    %dma_start3A_202 = tpu.memref_slice %arg4[%add3A_198, %dma_start3A_201] : memref<160000x128xi32, #tpu.memory_space<hbm>> -> memref<40x128xi32, #tpu.memory_space<hbm>>
    tpu.enqueue_dma source(%arg6 : memref<40x128xi32, #tpu.memory_space<vmem>>) target(%dma_start3A_202 : memref<40x128xi32, #tpu.memory_space<hbm>>) target_semaphore(%arg14 : memref<!tpu.dma_semaphore, #tpu.memory_space<semaphore_mem>>)
    %add3A_203 = arith.constant 4880 : i32
    %add3A_204 = arith.addi %mul3A_2, %add3A_203 : i32
    %dma_wait3A_205 = arith.constant 0 : i32
    %dma_wait3A_206 = tpu.memref_slice %arg4[%add3A_204, %dma_wait3A_205] : memref<160000x128xi32, #tpu.memory_space<hbm>> -> memref<40x128xi32, #tpu.memory_space<hbm>>
    %dma_wait3A_207 = arith.constant 0 : i32
    %dma_wait3A_208 = tpu.memref_slice %arg4[%add3A_204, %dma_wait3A_207] : memref<160000x128xi32, #tpu.memory_space<hbm>> -> memref<40x128xi32, #tpu.memory_space<hbm>>
    tpu.wait_dma2 semaphore(%arg16 : memref<!tpu.dma_semaphore, #tpu.memory_space<semaphore_mem>>) src(%arg8 : memref<40x128xi32, #tpu.memory_space<vmem>>) dst(%dma_wait3A_208 : memref<40x128xi32, #tpu.memory_space<hbm>>)
    %add3A_209 = arith.constant 4920 : i32
    %add3A_210 = arith.addi %mul3A_2, %add3A_209 : i32
    %dma_wait3A_211 = arith.constant 0 : i32
    %dma_wait3A_212 = tpu.memref_slice %arg4[%add3A_210, %dma_wait3A_211] : memref<160000x128xi32, #tpu.memory_space<hbm>> -> memref<40x128xi32, #tpu.memory_space<hbm>>
    %dma_wait3A_213 = arith.constant 0 : i32
    %dma_wait3A_214 = tpu.memref_slice %arg4[%add3A_210, %dma_wait3A_213] : memref<160000x128xi32, #tpu.memory_space<hbm>> -> memref<40x128xi32, #tpu.memory_space<hbm>>
    tpu.wait_dma2 semaphore(%arg17 : memref<!tpu.dma_semaphore, #tpu.memory_space<semaphore_mem>>) src(%arg9 : memref<40x128xi32, #tpu.memory_space<vmem>>) dst(%dma_wait3A_214 : memref<40x128xi32, #tpu.memory_space<hbm>>)
    %add3A_215 = arith.constant 4960 : i32
    %add3A_216 = arith.addi %mul3A_2, %add3A_215 : i32
    %dma_wait3A_217 = arith.constant 0 : i32
    %dma_wait3A_218 = tpu.memref_slice %arg4[%add3A_216, %dma_wait3A_217] : memref<160000x128xi32, #tpu.memory_space<hbm>> -> memref<40x128xi32, #tpu.memory_space<hbm>>
    %dma_wait3A_219 = arith.constant 0 : i32
    %dma_wait3A_220 = tpu.memref_slice %arg4[%add3A_216, %dma_wait3A_219] : memref<160000x128xi32, #tpu.memory_space<hbm>> -> memref<40x128xi32, #tpu.memory_space<hbm>>
    tpu.wait_dma2 semaphore(%arg14 : memref<!tpu.dma_semaphore, #tpu.memory_space<semaphore_mem>>) src(%arg6 : memref<40x128xi32, #tpu.memory_space<vmem>>) dst(%dma_wait3A_220 : memref<40x128xi32, #tpu.memory_space<hbm>>)
    return
  }
}

module attributes {stable_mosaic.version = 14 : i64} {
  func.func @_proj_body(%arg0: i32, %arg1: memref<1000x128xf32, #tpu.memory_space<vmem>>, %arg2: memref<128x256xf32, #tpu.memory_space<vmem>>, %arg3: memref<128x256xf32, #tpu.memory_space<vmem>>, %arg4: memref<1x256xf32, #tpu.memory_space<vmem>>, %arg5: memref<1000x256xf32, #tpu.memory_space<vmem>>, %arg6: memref<1000x128xi32, #tpu.memory_space<vmem>>) attributes {dimension_semantics = [#tpu.dimension_semantics<arbitrary>], iteration_bounds = array<i64: 10>, scalar_prefetch = 0 : i64, scratch_operands = 0 : i64, tpu.core_type = #tpu.core_type<tc>, window_params = [{transform_indices = @transform_0, window_bounds = array<i64: 1000, 128>}, {pipeline_mode = #tpu.pipeline_mode<synchronous>, transform_indices = @transform_1, window_bounds = array<i64: 128, 256>}, {pipeline_mode = #tpu.pipeline_mode<synchronous>, transform_indices = @transform_2, window_bounds = array<i64: 128, 256>}, {pipeline_mode = #tpu.pipeline_mode<synchronous>, transform_indices = @transform_3, window_bounds = array<i64: 1, 256>}, {transform_indices = @transform_4, window_bounds = array<i64: 1000, 256>}, {transform_indices = @transform_5, window_bounds = array<i64: 1000, 128>}]} {
    %get3A = arith.constant 0 : index
    %get3A_0 = arith.constant 0 : index
    %get3A_1 = vector.load %arg1[%get3A, %get3A_0] : memref<1000x128xf32, #tpu.memory_space<vmem>>, vector<1000x128xf32>
    %get3A_2 = arith.constant 0 : index
    %get3A_3 = arith.constant 0 : index
    %get3A_4 = vector.load %arg2[%get3A_2, %get3A_3] : memref<128x256xf32, #tpu.memory_space<vmem>>, vector<128x256xf32>
    %dot_general3A = arith.constant dense<0.000000e+00> : vector<1000x256xf32>
    %dot_general3A_5 = tpu.matmul %get3A_1, %get3A_4, %dot_general3A {dimension_numbers = #tpu.dot_dimension_numbers<[1], [0], [0], [1], [0, 0, 1, 1], [], []>, transpose_lhs_hint = false} : vector<1000x128xf32>, vector<128x256xf32>, vector<1000x256xf32> -> vector<1000x256xf32>
    %get3A_6 = arith.constant 0 : index
    %get3A_7 = arith.constant 0 : index
    %get3A_8 = vector.load %arg4[%get3A_6, %get3A_7] : memref<1x256xf32, #tpu.memory_space<vmem>>, vector<1x256xf32>
    %add3A = vector.broadcast %get3A_8 : vector<1x256xf32> to vector<1000x256xf32>
    %add3A_9 = arith.addf %dot_general3A_5, %add3A : vector<1000x256xf32>
    %swap3A = arith.constant 0 : index
    %swap3A_10 = arith.constant 0 : index
    %swap3A_11 = vector.load %arg5[%swap3A, %swap3A_10] : memref<1000x256xf32, #tpu.memory_space<vmem>>, vector<1000x256xf32>
    tpu.vector_store %arg5[%swap3A, %swap3A_10], %add3A_9 {strides = array<i32>} : memref<1000x256xf32, #tpu.memory_space<vmem>>, vector<1000x256xf32>,
    %get3A_12 = arith.constant 0 : index
    %get3A_13 = arith.constant 0 : index
    %get3A_14 = vector.load %arg3[%get3A_12, %get3A_13] : memref<128x256xf32, #tpu.memory_space<vmem>>, vector<128x256xf32>
    %dot_general3A_15 = arith.constant dense<0.000000e+00> : vector<1000x256xf32>
    %dot_general3A_16 = tpu.matmul %get3A_1, %get3A_14, %dot_general3A_15 {dimension_numbers = #tpu.dot_dimension_numbers<[1], [0], [0], [1], [0, 0, 1, 1], [], []>, transpose_lhs_hint = false} : vector<1000x128xf32>, vector<128x256xf32>, vector<1000x256xf32> -> vector<1000x256xf32>
    %slice3A = vector.extract_strided_slice %dot_general3A_16 {offsets = [0, 0], sizes = [1000, 128], strides = [1, 1]} : vector<1000x256xf32> to vector<1000x128xf32>
    %slice3A_17 = vector.extract_strided_slice %dot_general3A_16 {offsets = [0, 128], sizes = [1000, 128], strides = [1, 1]} : vector<1000x256xf32> to vector<1000x128xf32>
    %bitcast_convert_type3A = tpu.bitcast %slice3A : vector<1000x128xf32> -> vector<1000x128xi32>
    %bitcast_convert_type3A_18 = tpu.bitcast %slice3A_17 : vector<1000x128xf32> -> vector<1000x128xi32>
    %add3A_19 = arith.constant 32767 : i32
    %add3A_20 = vector.broadcast %add3A_19 : i32 to vector<1000x128xi32>
    %add3A_21 = arith.addi %bitcast_convert_type3A, %add3A_20 : vector<1000x128xi32>
    %shift_right_logical3A = arith.constant 16 : i32
    %shift_right_logical3A_22 = vector.broadcast %shift_right_logical3A : i32 to vector<1000x128xi32>
    %shift_right_logical3A_23 = arith.shrui %bitcast_convert_type3A, %shift_right_logical3A_22 : vector<1000x128xi32>
    %and3A = arith.constant 1 : i32
    %and3A_24 = vector.broadcast %and3A : i32 to vector<1000x128xi32>
    %and3A_25 = arith.andi %shift_right_logical3A_23, %and3A_24 : vector<1000x128xi32>
    %add3A_26 = arith.addi %add3A_21, %and3A_25 : vector<1000x128xi32>
    %shift_right_logical3A_27 = arith.constant 16 : i32
    %shift_right_logical3A_28 = vector.broadcast %shift_right_logical3A_27 : i32 to vector<1000x128xi32>
    %shift_right_logical3A_29 = arith.shrui %add3A_26, %shift_right_logical3A_28 : vector<1000x128xi32>
    %add3A_30 = arith.constant 32767 : i32
    %add3A_31 = vector.broadcast %add3A_30 : i32 to vector<1000x128xi32>
    %add3A_32 = arith.addi %bitcast_convert_type3A_18, %add3A_31 : vector<1000x128xi32>
    %shift_right_logical3A_33 = arith.constant 16 : i32
    %shift_right_logical3A_34 = vector.broadcast %shift_right_logical3A_33 : i32 to vector<1000x128xi32>
    %shift_right_logical3A_35 = arith.shrui %bitcast_convert_type3A_18, %shift_right_logical3A_34 : vector<1000x128xi32>
    %and3A_36 = arith.constant 1 : i32
    %and3A_37 = vector.broadcast %and3A_36 : i32 to vector<1000x128xi32>
    %and3A_38 = arith.andi %shift_right_logical3A_35, %and3A_37 : vector<1000x128xi32>
    %add3A_39 = arith.addi %add3A_32, %and3A_38 : vector<1000x128xi32>
    %shift_right_logical3A_40 = arith.constant 16 : i32
    %shift_right_logical3A_41 = vector.broadcast %shift_right_logical3A_40 : i32 to vector<1000x128xi32>
    %shift_right_logical3A_42 = arith.shrui %add3A_39, %shift_right_logical3A_41 : vector<1000x128xi32>
    %shift_left3A = arith.constant 16 : i32
    %shift_left3A_43 = vector.broadcast %shift_left3A : i32 to vector<1000x128xi32>
    %shift_left3A_44 = arith.shli %shift_right_logical3A_42, %shift_left3A_43 : vector<1000x128xi32>
    %or3A = arith.ori %shift_right_logical3A_29, %shift_left3A_44 : vector<1000x128xi32>
    %bitcast_convert_type3A_45 = tpu.bitcast %or3A : vector<1000x128xi32> -> vector<1000x128xi32>
    %swap3A_46 = arith.constant 0 : index
    %swap3A_47 = arith.constant 0 : index
    %swap3A_48 = vector.load %arg6[%swap3A_46, %swap3A_47] : memref<1000x128xi32, #tpu.memory_space<vmem>>, vector<1000x128xi32>
    tpu.vector_store %arg6[%swap3A_46, %swap3A_47], %bitcast_convert_type3A_45 {strides = array<i32>} : memref<1000x128xi32, #tpu.memory_space<vmem>>, vector<1000x128xi32>,
    return
  }
  func.func @transform_0(%arg0: i32) -> (i32, i32) {
    %c0_i32 = arith.constant 0 : i32
    %c0_i32_0 = arith.constant 0 : i32
    return %arg0, %c0_i32 : i32, i32
  }
  func.func @transform_1(%arg0: i32) -> (i32, i32) {
    %c0_i32 = arith.constant 0 : i32
    %c0_i32_0 = arith.constant 0 : i32
    %c0_i32_1 = arith.constant 0 : i32
    return %c0_i32, %c0_i32_0 : i32, i32
  }
  func.func @transform_2(%arg0: i32) -> (i32, i32) {
    %c0_i32 = arith.constant 0 : i32
    %c0_i32_0 = arith.constant 0 : i32
    %c0_i32_1 = arith.constant 0 : i32
    return %c0_i32, %c0_i32_0 : i32, i32
  }
  func.func @transform_3(%arg0: i32) -> (i32, i32) {
    %c0_i32 = arith.constant 0 : i32
    %c0_i32_0 = arith.constant 0 : i32
    %c0_i32_1 = arith.constant 0 : i32
    return %c0_i32, %c0_i32_0 : i32, i32
  }
  func.func @transform_4(%arg0: i32) -> (i32, i32) {
    %c0_i32 = arith.constant 0 : i32
    %c0_i32_0 = arith.constant 0 : i32
    return %arg0, %c0_i32 : i32, i32
  }
  func.func @transform_5(%arg0: i32) -> (i32, i32) {
    %c0_i32 = arith.constant 0 : i32
    %c0_i32_0 = arith.constant 0 : i32
    return %arg0, %c0_i32 : i32, i32
  }
}

module attributes {stable_mosaic.version = 14 : i64} {
  func.func @_stats_body(%arg0: i32, %arg1: memref<6400x128xi32, #tpu.memory_space<vmem>>, %arg2: memref<200x256xf32, #tpu.memory_space<vmem>>, %arg3: memref<6400x16xbf16, #tpu.memory_space<vmem>>, %arg4: memref<16x256xf32, #tpu.memory_space<vmem>>, %arg5: memref<8x256xf32, #tpu.memory_space<vmem>>) attributes {dimension_semantics = [#tpu.dimension_semantics<arbitrary>], iteration_bounds = array<i64: 25>, scalar_prefetch = 0 : i64, scratch_operands = 0 : i64, tpu.core_type = #tpu.core_type<tc>, window_params = [{transform_indices = @transform_0, window_bounds = array<i64: 6400, 128>}, {transform_indices = @transform_1, window_bounds = array<i64: 200, 256>}, {transform_indices = @transform_2, window_bounds = array<i64: 6400, 16>}, {pipeline_mode = #tpu.pipeline_mode<synchronous>, transform_indices = @transform_3, window_bounds = array<i64: 16, 256>}, {pipeline_mode = #tpu.pipeline_mode<synchronous>, transform_indices = @transform_4, window_bounds = array<i64: 8, 256>}]} {
    %get3A = arith.constant 0 : index
    %get3A_0 = arith.constant 0 : index
    %get3A_1 = vector.load %arg2[%get3A, %get3A_0] : memref<200x256xf32, #tpu.memory_space<vmem>>, vector<200x256xf32>
    %broadcast_in_dim3A = vector.shape_cast %get3A_1 : vector<200x256xf32> to vector<200x1x256xf32>
    %broadcast_in_dim3A_2 = vector.shape_cast %broadcast_in_dim3A : vector<200x1x256xf32> to vector<200x1x256xf32>
    %broadcast_in_dim3A_3 = vector.broadcast %broadcast_in_dim3A_2 : vector<200x1x256xf32> to vector<200x32x256xf32>
    %reshape3A = vector.shape_cast %broadcast_in_dim3A_3 : vector<200x32x256xf32> to vector<6400x256xf32>
    %get3A_4 = arith.constant 0 : index
    %get3A_5 = arith.constant 0 : index
    %get3A_6 = vector.load %arg3[%get3A_4, %get3A_5] : memref<6400x16xbf16, #tpu.memory_space<vmem>>, vector<6400x16xbf16>
    %convert_element_type3A = arith.extf %get3A_6 : vector<6400x16xbf16> to vector<6400x16xf32>
    %get3A_7 = arith.constant 0 : index
    %get3A_8 = arith.constant 0 : index
    %get3A_9 = vector.load %arg4[%get3A_7, %get3A_8] : memref<16x256xf32, #tpu.memory_space<vmem>>, vector<16x256xf32>
    %dot_general3A = arith.constant dense<0.000000e+00> : vector<6400x256xf32>
    %dot_general3A_10 = tpu.matmul %convert_element_type3A, %get3A_9, %dot_general3A {dimension_numbers = #tpu.dot_dimension_numbers<[1], [0], [0], [1], [0, 0, 1, 1], [], []>, transpose_lhs_hint = false} : vector<6400x16xf32>, vector<16x256xf32>, vector<6400x256xf32> -> vector<6400x256xf32>
    %add3A = arith.addf %reshape3A, %dot_general3A_10 : vector<6400x256xf32>
    %get3A_11 = arith.constant 0 : index
    %get3A_12 = arith.constant 0 : index
    %get3A_13 = vector.load %arg1[%get3A_11, %get3A_12] : memref<6400x128xi32, #tpu.memory_space<vmem>>, vector<6400x128xi32>
    %bitcast_convert_type3A = tpu.bitcast %get3A_13 : vector<6400x128xi32> -> vector<6400x128xi32>
    %shift_left3A = arith.constant 16 : i32
    %shift_left3A_14 = vector.broadcast %shift_left3A : i32 to vector<6400x128xi32>
    %shift_left3A_15 = arith.shli %bitcast_convert_type3A, %shift_left3A_14 : vector<6400x128xi32>
    %bitcast_convert_type3A_16 = tpu.bitcast %shift_left3A_15 : vector<6400x128xi32> -> vector<6400x128xf32>
    %bitcast_convert_type3A_17 = tpu.bitcast %bitcast_convert_type3A : vector<6400x128xi32> -> vector<6400x128xf32>
    %slice3A = vector.extract_strided_slice %add3A {offsets = [0, 0], sizes = [6400, 128], strides = [1, 1]} : vector<6400x256xf32> to vector<6400x128xf32>
    %add3A_18 = arith.addf %bitcast_convert_type3A_16, %slice3A : vector<6400x128xf32>
    %slice3A_19 = vector.extract_strided_slice %add3A {offsets = [0, 128], sizes = [6400, 128], strides = [1, 1]} : vector<6400x256xf32> to vector<6400x128xf32>
    %add3A_20 = arith.addf %bitcast_convert_type3A_17, %slice3A_19 : vector<6400x128xf32>
    %eq3A = arith.constant 0 : i32
    %eq3A_21 = arith.cmpi eq, %arg0, %eq3A : i32
    %convert_element_type3A_22 = arith.extui %eq3A_21 : i1 to i32
    %cond3A = arith.constant 0 : i32
    %cond3A_23 = arith.cmpi ne, %convert_element_type3A_22, %cond3A : i32
    scf.if %cond3A_23 {
      %broadcast_in_dim3A_63 = arith.constant 0.000000e+00 : f32
      %broadcast_in_dim3A_64 = vector.broadcast %broadcast_in_dim3A_63 : f32 to vector<8x256xf32>
      %swap3A_65 = arith.constant 0 : index
      %swap3A_66 = arith.constant 0 : index
      %swap3A_67 = vector.load %arg5[%swap3A_65, %swap3A_66] : memref<8x256xf32, #tpu.memory_space<vmem>>, vector<8x256xf32>
      tpu.vector_store %arg5[%swap3A_65, %swap3A_66], %broadcast_in_dim3A_64 {strides = array<i32>} : memref<8x256xf32, #tpu.memory_space<vmem>>, vector<8x256xf32>,
    } else {
    }
    %get3A_24 = arith.constant 0 : index
    %get3A_25 = arith.constant 0 : index
    %get3A_26 = vector.load %arg5[%get3A_24, %get3A_25] : memref<8x256xf32, #tpu.memory_space<vmem>>, vector<1x128xf32>
    %reduce_sum3A = arith.constant dense<0.000000e+00> : vector<128xf32>
    %reduce_sum3A_27 = vector.multi_reduction <add>, %add3A_18, %reduce_sum3A [0] : vector<6400x128xf32> to vector<128xf32>
    %broadcast_in_dim3A_28 = vector.shape_cast %reduce_sum3A_27 : vector<128xf32> to vector<1x128xf32>
    %add3A_29 = arith.addf %get3A_26, %broadcast_in_dim3A_28 : vector<1x128xf32>
    %swap3A = arith.constant 0 : index
    %swap3A_30 = arith.constant 0 : index
    %swap3A_31 = vector.load %arg5[%swap3A, %swap3A_30] : memref<8x256xf32, #tpu.memory_space<vmem>>, vector<1x128xf32>
    tpu.vector_store %arg5[%swap3A, %swap3A_30], %add3A_29 {strides = array<i32>} : memref<8x256xf32, #tpu.memory_space<vmem>>, vector<1x128xf32>,
    %get3A_32 = arith.constant 0 : index
    %get3A_33 = arith.constant 128 : index
    %get3A_34 = vector.load %arg5[%get3A_32, %get3A_33] : memref<8x256xf32, #tpu.memory_space<vmem>>, vector<1x128xf32>
    %reduce_sum3A_35 = arith.constant dense<0.000000e+00> : vector<128xf32>
    %reduce_sum3A_36 = vector.multi_reduction <add>, %add3A_20, %reduce_sum3A_35 [0] : vector<6400x128xf32> to vector<128xf32>
    %broadcast_in_dim3A_37 = vector.shape_cast %reduce_sum3A_36 : vector<128xf32> to vector<1x128xf32>
    %add3A_38 = arith.addf %get3A_34, %broadcast_in_dim3A_37 : vector<1x128xf32>
    %swap3A_39 = arith.constant 0 : index
    %swap3A_40 = arith.constant 128 : index
    %swap3A_41 = vector.load %arg5[%swap3A_39, %swap3A_40] : memref<8x256xf32, #tpu.memory_space<vmem>>, vector<1x128xf32>
    tpu.vector_store %arg5[%swap3A_39, %swap3A_40], %add3A_38 {strides = array<i32>} : memref<8x256xf32, #tpu.memory_space<vmem>>, vector<1x128xf32>,
    %get3A_42 = arith.constant 1 : index
    %get3A_43 = arith.constant 0 : index
    %get3A_44 = vector.load %arg5[%get3A_42, %get3A_43] : memref<8x256xf32, #tpu.memory_space<vmem>>, vector<1x128xf32>
    %mul3A = arith.mulf %add3A_18, %add3A_18 : vector<6400x128xf32>
    %reduce_sum3A_45 = arith.constant dense<0.000000e+00> : vector<128xf32>
    %reduce_sum3A_46 = vector.multi_reduction <add>, %mul3A, %reduce_sum3A_45 [0] : vector<6400x128xf32> to vector<128xf32>
    %broadcast_in_dim3A_47 = vector.shape_cast %reduce_sum3A_46 : vector<128xf32> to vector<1x128xf32>
    %add3A_48 = arith.addf %get3A_44, %broadcast_in_dim3A_47 : vector<1x128xf32>
    %swap3A_49 = arith.constant 1 : index
    %swap3A_50 = arith.constant 0 : index
    %swap3A_51 = vector.load %arg5[%swap3A_49, %swap3A_50] : memref<8x256xf32, #tpu.memory_space<vmem>>, vector<1x128xf32>
    tpu.vector_store %arg5[%swap3A_49, %swap3A_50], %add3A_48 {strides = array<i32>} : memref<8x256xf32, #tpu.memory_space<vmem>>, vector<1x128xf32>,
    %get3A_52 = arith.constant 1 : index
    %get3A_53 = arith.constant 128 : index
    %get3A_54 = vector.load %arg5[%get3A_52, %get3A_53] : memref<8x256xf32, #tpu.memory_space<vmem>>, vector<1x128xf32>
    %mul3A_55 = arith.mulf %add3A_20, %add3A_20 : vector<6400x128xf32>
    %reduce_sum3A_56 = arith.constant dense<0.000000e+00> : vector<128xf32>
    %reduce_sum3A_57 = vector.multi_reduction <add>, %mul3A_55, %reduce_sum3A_56 [0] : vector<6400x128xf32> to vector<128xf32>
    %broadcast_in_dim3A_58 = vector.shape_cast %reduce_sum3A_57 : vector<128xf32> to vector<1x128xf32>
    %add3A_59 = arith.addf %get3A_54, %broadcast_in_dim3A_58 : vector<1x128xf32>
    %swap3A_60 = arith.constant 1 : index
    %swap3A_61 = arith.constant 128 : index
    %swap3A_62 = vector.load %arg5[%swap3A_60, %swap3A_61] : memref<8x256xf32, #tpu.memory_space<vmem>>, vector<1x128xf32>
    tpu.vector_store %arg5[%swap3A_60, %swap3A_61], %add3A_59 {strides = array<i32>} : memref<8x256xf32, #tpu.memory_space<vmem>>, vector<1x128xf32>,
    return
  }
  func.func @transform_0(%arg0: i32) -> (i32, i32) {
    %c0_i32 = arith.constant 0 : i32
    %c0_i32_0 = arith.constant 0 : i32
    return %arg0, %c0_i32 : i32, i32
  }
  func.func @transform_1(%arg0: i32) -> (i32, i32) {
    %add3A = arith.constant 0 : i32
    %add3A_0 = arith.addi %arg0, %add3A : i32
    %c0_i32 = arith.constant 0 : i32
    %c0_i32_1 = arith.constant 0 : i32
    return %add3A_0, %c0_i32 : i32, i32
  }
  func.func @transform_2(%arg0: i32) -> (i32, i32) {
    %add3A = arith.constant 0 : i32
    %add3A_0 = arith.addi %arg0, %add3A : i32
    %c0_i32 = arith.constant 0 : i32
    %c0_i32_1 = arith.constant 0 : i32
    return %add3A_0, %c0_i32 : i32, i32
  }
  func.func @transform_3(%arg0: i32) -> (i32, i32) {
    %c0_i32 = arith.constant 0 : i32
    %c0_i32_0 = arith.constant 0 : i32
    %c0_i32_1 = arith.constant 0 : i32
    return %c0_i32, %c0_i32_0 : i32, i32
  }
  func.func @transform_4(%arg0: i32) -> (i32, i32) {
    %c0_i32 = arith.constant 0 : i32
    %c0_i32_0 = arith.constant 0 : i32
    %c0_i32_1 = arith.constant 0 : i32
    return %c0_i32, %c0_i32_0 : i32, i32
  }
}

module attributes {stable_mosaic.version = 14 : i64} {
  func.func @_stats_body(%arg0: i32, %arg1: memref<6400x128xi32, #tpu.memory_space<vmem>>, %arg2: memref<200x256xf32, #tpu.memory_space<vmem>>, %arg3: memref<6400x16xbf16, #tpu.memory_space<vmem>>, %arg4: memref<16x256xf32, #tpu.memory_space<vmem>>, %arg5: memref<8x256xf32, #tpu.memory_space<vmem>>) attributes {dimension_semantics = [#tpu.dimension_semantics<arbitrary>], iteration_bounds = array<i64: 25>, scalar_prefetch = 0 : i64, scratch_operands = 0 : i64, tpu.core_type = #tpu.core_type<tc>, window_params = [{transform_indices = @transform_0, window_bounds = array<i64: 6400, 128>}, {transform_indices = @transform_1, window_bounds = array<i64: 200, 256>}, {transform_indices = @transform_2, window_bounds = array<i64: 6400, 16>}, {pipeline_mode = #tpu.pipeline_mode<synchronous>, transform_indices = @transform_3, window_bounds = array<i64: 16, 256>}, {pipeline_mode = #tpu.pipeline_mode<synchronous>, transform_indices = @transform_4, window_bounds = array<i64: 8, 256>}]} {
    %get3A = arith.constant 0 : index
    %get3A_0 = arith.constant 0 : index
    %get3A_1 = vector.load %arg2[%get3A, %get3A_0] : memref<200x256xf32, #tpu.memory_space<vmem>>, vector<200x256xf32>
    %broadcast_in_dim3A = vector.shape_cast %get3A_1 : vector<200x256xf32> to vector<200x1x256xf32>
    %broadcast_in_dim3A_2 = vector.shape_cast %broadcast_in_dim3A : vector<200x1x256xf32> to vector<200x1x256xf32>
    %broadcast_in_dim3A_3 = vector.broadcast %broadcast_in_dim3A_2 : vector<200x1x256xf32> to vector<200x32x256xf32>
    %reshape3A = vector.shape_cast %broadcast_in_dim3A_3 : vector<200x32x256xf32> to vector<6400x256xf32>
    %get3A_4 = arith.constant 0 : index
    %get3A_5 = arith.constant 0 : index
    %get3A_6 = vector.load %arg3[%get3A_4, %get3A_5] : memref<6400x16xbf16, #tpu.memory_space<vmem>>, vector<6400x16xbf16>
    %convert_element_type3A = arith.extf %get3A_6 : vector<6400x16xbf16> to vector<6400x16xf32>
    %get3A_7 = arith.constant 0 : index
    %get3A_8 = arith.constant 0 : index
    %get3A_9 = vector.load %arg4[%get3A_7, %get3A_8] : memref<16x256xf32, #tpu.memory_space<vmem>>, vector<16x256xf32>
    %dot_general3A = arith.constant dense<0.000000e+00> : vector<6400x256xf32>
    %dot_general3A_10 = tpu.matmul %convert_element_type3A, %get3A_9, %dot_general3A {dimension_numbers = #tpu.dot_dimension_numbers<[1], [0], [0], [1], [0, 0, 1, 1], [], []>, transpose_lhs_hint = false} : vector<6400x16xf32>, vector<16x256xf32>, vector<6400x256xf32> -> vector<6400x256xf32>
    %add3A = arith.addf %reshape3A, %dot_general3A_10 : vector<6400x256xf32>
    %get3A_11 = arith.constant 0 : index
    %get3A_12 = arith.constant 0 : index
    %get3A_13 = vector.load %arg1[%get3A_11, %get3A_12] : memref<6400x128xi32, #tpu.memory_space<vmem>>, vector<6400x128xi32>
    %bitcast_convert_type3A = tpu.bitcast %get3A_13 : vector<6400x128xi32> -> vector<6400x128xi32>
    %shift_left3A = arith.constant 16 : i32
    %shift_left3A_14 = vector.broadcast %shift_left3A : i32 to vector<6400x128xi32>
    %shift_left3A_15 = arith.shli %bitcast_convert_type3A, %shift_left3A_14 : vector<6400x128xi32>
    %bitcast_convert_type3A_16 = tpu.bitcast %shift_left3A_15 : vector<6400x128xi32> -> vector<6400x128xf32>
    %bitcast_convert_type3A_17 = tpu.bitcast %bitcast_convert_type3A : vector<6400x128xi32> -> vector<6400x128xf32>
    %slice3A = vector.extract_strided_slice %add3A {offsets = [0, 0], sizes = [6400, 128], strides = [1, 1]} : vector<6400x256xf32> to vector<6400x128xf32>
    %add3A_18 = arith.addf %bitcast_convert_type3A_16, %slice3A : vector<6400x128xf32>
    %slice3A_19 = vector.extract_strided_slice %add3A {offsets = [0, 128], sizes = [6400, 128], strides = [1, 1]} : vector<6400x256xf32> to vector<6400x128xf32>
    %add3A_20 = arith.addf %bitcast_convert_type3A_17, %slice3A_19 : vector<6400x128xf32>
    %eq3A = arith.constant 0 : i32
    %eq3A_21 = arith.cmpi eq, %arg0, %eq3A : i32
    %convert_element_type3A_22 = arith.extui %eq3A_21 : i1 to i32
    %cond3A = arith.constant 0 : i32
    %cond3A_23 = arith.cmpi ne, %convert_element_type3A_22, %cond3A : i32
    scf.if %cond3A_23 {
      %broadcast_in_dim3A_63 = arith.constant 0.000000e+00 : f32
      %broadcast_in_dim3A_64 = vector.broadcast %broadcast_in_dim3A_63 : f32 to vector<8x256xf32>
      %swap3A_65 = arith.constant 0 : index
      %swap3A_66 = arith.constant 0 : index
      %swap3A_67 = vector.load %arg5[%swap3A_65, %swap3A_66] : memref<8x256xf32, #tpu.memory_space<vmem>>, vector<8x256xf32>
      tpu.vector_store %arg5[%swap3A_65, %swap3A_66], %broadcast_in_dim3A_64 {strides = array<i32>} : memref<8x256xf32, #tpu.memory_space<vmem>>, vector<8x256xf32>,
    } else {
    }
    %get3A_24 = arith.constant 0 : index
    %get3A_25 = arith.constant 0 : index
    %get3A_26 = vector.load %arg5[%get3A_24, %get3A_25] : memref<8x256xf32, #tpu.memory_space<vmem>>, vector<1x128xf32>
    %reduce_sum3A = arith.constant dense<0.000000e+00> : vector<128xf32>
    %reduce_sum3A_27 = vector.multi_reduction <add>, %add3A_18, %reduce_sum3A [0] : vector<6400x128xf32> to vector<128xf32>
    %broadcast_in_dim3A_28 = vector.shape_cast %reduce_sum3A_27 : vector<128xf32> to vector<1x128xf32>
    %add3A_29 = arith.addf %get3A_26, %broadcast_in_dim3A_28 : vector<1x128xf32>
    %swap3A = arith.constant 0 : index
    %swap3A_30 = arith.constant 0 : index
    %swap3A_31 = vector.load %arg5[%swap3A, %swap3A_30] : memref<8x256xf32, #tpu.memory_space<vmem>>, vector<1x128xf32>
    tpu.vector_store %arg5[%swap3A, %swap3A_30], %add3A_29 {strides = array<i32>} : memref<8x256xf32, #tpu.memory_space<vmem>>, vector<1x128xf32>,
    %get3A_32 = arith.constant 0 : index
    %get3A_33 = arith.constant 128 : index
    %get3A_34 = vector.load %arg5[%get3A_32, %get3A_33] : memref<8x256xf32, #tpu.memory_space<vmem>>, vector<1x128xf32>
    %reduce_sum3A_35 = arith.constant dense<0.000000e+00> : vector<128xf32>
    %reduce_sum3A_36 = vector.multi_reduction <add>, %add3A_20, %reduce_sum3A_35 [0] : vector<6400x128xf32> to vector<128xf32>
    %broadcast_in_dim3A_37 = vector.shape_cast %reduce_sum3A_36 : vector<128xf32> to vector<1x128xf32>
    %add3A_38 = arith.addf %get3A_34, %broadcast_in_dim3A_37 : vector<1x128xf32>
    %swap3A_39 = arith.constant 0 : index
    %swap3A_40 = arith.constant 128 : index
    %swap3A_41 = vector.load %arg5[%swap3A_39, %swap3A_40] : memref<8x256xf32, #tpu.memory_space<vmem>>, vector<1x128xf32>
    tpu.vector_store %arg5[%swap3A_39, %swap3A_40], %add3A_38 {strides = array<i32>} : memref<8x256xf32, #tpu.memory_space<vmem>>, vector<1x128xf32>,
    %get3A_42 = arith.constant 1 : index
    %get3A_43 = arith.constant 0 : index
    %get3A_44 = vector.load %arg5[%get3A_42, %get3A_43] : memref<8x256xf32, #tpu.memory_space<vmem>>, vector<1x128xf32>
    %mul3A = arith.mulf %add3A_18, %add3A_18 : vector<6400x128xf32>
    %reduce_sum3A_45 = arith.constant dense<0.000000e+00> : vector<128xf32>
    %reduce_sum3A_46 = vector.multi_reduction <add>, %mul3A, %reduce_sum3A_45 [0] : vector<6400x128xf32> to vector<128xf32>
    %broadcast_in_dim3A_47 = vector.shape_cast %reduce_sum3A_46 : vector<128xf32> to vector<1x128xf32>
    %add3A_48 = arith.addf %get3A_44, %broadcast_in_dim3A_47 : vector<1x128xf32>
    %swap3A_49 = arith.constant 1 : index
    %swap3A_50 = arith.constant 0 : index
    %swap3A_51 = vector.load %arg5[%swap3A_49, %swap3A_50] : memref<8x256xf32, #tpu.memory_space<vmem>>, vector<1x128xf32>
    tpu.vector_store %arg5[%swap3A_49, %swap3A_50], %add3A_48 {strides = array<i32>} : memref<8x256xf32, #tpu.memory_space<vmem>>, vector<1x128xf32>,
    %get3A_52 = arith.constant 1 : index
    %get3A_53 = arith.constant 128 : index
    %get3A_54 = vector.load %arg5[%get3A_52, %get3A_53] : memref<8x256xf32, #tpu.memory_space<vmem>>, vector<1x128xf32>
    %mul3A_55 = arith.mulf %add3A_20, %add3A_20 : vector<6400x128xf32>
    %reduce_sum3A_56 = arith.constant dense<0.000000e+00> : vector<128xf32>
    %reduce_sum3A_57 = vector.multi_reduction <add>, %mul3A_55, %reduce_sum3A_56 [0] : vector<6400x128xf32> to vector<128xf32>
    %broadcast_in_dim3A_58 = vector.shape_cast %reduce_sum3A_57 : vector<128xf32> to vector<1x128xf32>
    %add3A_59 = arith.addf %get3A_54, %broadcast_in_dim3A_58 : vector<1x128xf32>
    %swap3A_60 = arith.constant 1 : index
    %swap3A_61 = arith.constant 128 : index
    %swap3A_62 = vector.load %arg5[%swap3A_60, %swap3A_61] : memref<8x256xf32, #tpu.memory_space<vmem>>, vector<1x128xf32>
    tpu.vector_store %arg5[%swap3A_60, %swap3A_61], %add3A_59 {strides = array<i32>} : memref<8x256xf32, #tpu.memory_space<vmem>>, vector<1x128xf32>,
    return
  }
  func.func @transform_0(%arg0: i32) -> (i32, i32) {
    %c0_i32 = arith.constant 0 : i32
    %c0_i32_0 = arith.constant 0 : i32
    return %arg0, %c0_i32 : i32, i32
  }
  func.func @transform_1(%arg0: i32) -> (i32, i32) {
    %add3A = arith.constant 25 : i32
    %add3A_0 = arith.addi %arg0, %add3A : i32
    %c0_i32 = arith.constant 0 : i32
    %c0_i32_1 = arith.constant 0 : i32
    return %add3A_0, %c0_i32 : i32, i32
  }
  func.func @transform_2(%arg0: i32) -> (i32, i32) {
    %add3A = arith.constant 25 : i32
    %add3A_0 = arith.addi %arg0, %add3A : i32
    %c0_i32 = arith.constant 0 : i32
    %c0_i32_1 = arith.constant 0 : i32
    return %add3A_0, %c0_i32 : i32, i32
  }
  func.func @transform_3(%arg0: i32) -> (i32, i32) {
    %c0_i32 = arith.constant 0 : i32
    %c0_i32_0 = arith.constant 0 : i32
    %c0_i32_1 = arith.constant 0 : i32
    return %c0_i32, %c0_i32_0 : i32, i32
  }
  func.func @transform_4(%arg0: i32) -> (i32, i32) {
    %c0_i32 = arith.constant 0 : i32
    %c0_i32_0 = arith.constant 0 : i32
    %c0_i32_1 = arith.constant 0 : i32
    return %c0_i32, %c0_i32_0 : i32, i32
  }
}

module attributes {stable_mosaic.version = 14 : i64} {
  func.func @_apply_body(%arg0: i32, %arg1: memref<6400x128xi32, #tpu.memory_space<vmem>>, %arg2: memref<200x256xf32, #tpu.memory_space<vmem>>, %arg3: memref<6400x16xbf16, #tpu.memory_space<vmem>>, %arg4: memref<16x256xf32, #tpu.memory_space<vmem>>, %arg5: memref<8x256xf32, #tpu.memory_space<vmem>>, %arg6: memref<8x256xf32, #tpu.memory_space<vmem>>, %arg7: memref<200x128xf32, #tpu.memory_space<vmem>>, %arg8: memref<8x128xf32, #tpu.memory_space<vmem>>) attributes {dimension_semantics = [#tpu.dimension_semantics<arbitrary>], iteration_bounds = array<i64: 25>, scalar_prefetch = 0 : i64, scratch_operands = 0 : i64, tpu.core_type = #tpu.core_type<tc>, window_params = [{transform_indices = @transform_0, window_bounds = array<i64: 6400, 128>}, {transform_indices = @transform_1, window_bounds = array<i64: 200, 256>}, {transform_indices = @transform_2, window_bounds = array<i64: 6400, 16>}, {pipeline_mode = #tpu.pipeline_mode<synchronous>, transform_indices = @transform_3, window_bounds = array<i64: 16, 256>}, {pipeline_mode = #tpu.pipeline_mode<synchronous>, transform_indices = @transform_4, window_bounds = array<i64: 8, 256>}, {pipeline_mode = #tpu.pipeline_mode<synchronous>, transform_indices = @transform_5, window_bounds = array<i64: 8, 256>}, {transform_indices = @transform_6, window_bounds = array<i64: 200, 128>}, {pipeline_mode = #tpu.pipeline_mode<synchronous>, transform_indices = @transform_7, window_bounds = array<i64: 8, 128>}]} {
    %get3A = arith.constant 0 : index
    %get3A_0 = arith.constant 0 : index
    %get3A_1 = vector.load %arg2[%get3A, %get3A_0] : memref<200x256xf32, #tpu.memory_space<vmem>>, vector<200x256xf32>
    %broadcast_in_dim3A = vector.shape_cast %get3A_1 : vector<200x256xf32> to vector<200x1x256xf32>
    %broadcast_in_dim3A_2 = vector.shape_cast %broadcast_in_dim3A : vector<200x1x256xf32> to vector<200x1x256xf32>
    %broadcast_in_dim3A_3 = vector.broadcast %broadcast_in_dim3A_2 : vector<200x1x256xf32> to vector<200x32x256xf32>
    %reshape3A = vector.shape_cast %broadcast_in_dim3A_3 : vector<200x32x256xf32> to vector<6400x256xf32>
    %get3A_4 = arith.constant 0 : index
    %get3A_5 = arith.constant 0 : index
    %get3A_6 = vector.load %arg3[%get3A_4, %get3A_5] : memref<6400x16xbf16, #tpu.memory_space<vmem>>, vector<6400x16xbf16>
    %convert_element_type3A = arith.extf %get3A_6 : vector<6400x16xbf16> to vector<6400x16xf32>
    %get3A_7 = arith.constant 0 : index
    %get3A_8 = arith.constant 0 : index
    %get3A_9 = vector.load %arg4[%get3A_7, %get3A_8] : memref<16x256xf32, #tpu.memory_space<vmem>>, vector<16x256xf32>
    %dot_general3A = arith.constant dense<0.000000e+00> : vector<6400x256xf32>
    %dot_general3A_10 = tpu.matmul %convert_element_type3A, %get3A_9, %dot_general3A {dimension_numbers = #tpu.dot_dimension_numbers<[1], [0], [0], [1], [0, 0, 1, 1], [], []>, transpose_lhs_hint = false} : vector<6400x16xf32>, vector<16x256xf32>, vector<6400x256xf32> -> vector<6400x256xf32>
    %add3A = arith.addf %reshape3A, %dot_general3A_10 : vector<6400x256xf32>
    %get3A_11 = arith.constant 0 : index
    %get3A_12 = arith.constant 0 : index
    %get3A_13 = vector.load %arg1[%get3A_11, %get3A_12] : memref<6400x128xi32, #tpu.memory_space<vmem>>, vector<6400x128xi32>
    %bitcast_convert_type3A = tpu.bitcast %get3A_13 : vector<6400x128xi32> -> vector<6400x128xi32>
    %shift_left3A = arith.constant 16 : i32
    %shift_left3A_14 = vector.broadcast %shift_left3A : i32 to vector<6400x128xi32>
    %shift_left3A_15 = arith.shli %bitcast_convert_type3A, %shift_left3A_14 : vector<6400x128xi32>
    %bitcast_convert_type3A_16 = tpu.bitcast %shift_left3A_15 : vector<6400x128xi32> -> vector<6400x128xf32>
    %bitcast_convert_type3A_17 = tpu.bitcast %bitcast_convert_type3A : vector<6400x128xi32> -> vector<6400x128xf32>
    %slice3A = vector.extract_strided_slice %add3A {offsets = [0, 0], sizes = [6400, 128], strides = [1, 1]} : vector<6400x256xf32> to vector<6400x128xf32>
    %add3A_18 = arith.addf %bitcast_convert_type3A_16, %slice3A : vector<6400x128xf32>
    %slice3A_19 = vector.extract_strided_slice %add3A {offsets = [0, 128], sizes = [6400, 128], strides = [1, 1]} : vector<6400x256xf32> to vector<6400x128xf32>
    %add3A_20 = arith.addf %bitcast_convert_type3A_17, %slice3A_19 : vector<6400x128xf32>
    %get3A_21 = arith.constant 0 : index
    %get3A_22 = arith.constant 0 : index
    %get3A_23 = vector.load %arg5[%get3A_21, %get3A_22] : memref<8x256xf32, #tpu.memory_space<vmem>>, vector<8x256xf32>
    %get3A_24 = arith.constant 0 : index
    %get3A_25 = arith.constant 0 : index
    %get3A_26 = vector.load %arg6[%get3A_24, %get3A_25] : memref<8x256xf32, #tpu.memory_space<vmem>>, vector<8x256xf32>
    %add3A_27 = arith.addf %get3A_23, %get3A_26 : vector<8x256xf32>
    %slice3A_28 = vector.extract_strided_slice %add3A_27 {offsets = [0, 0], sizes = [1, 256], strides = [1, 1]} : vector<8x256xf32> to vector<1x256xf32>
    %mul3A = arith.constant 3.125000e-06 : f32
    %mul3A_29 = vector.broadcast %mul3A : f32 to vector<1x256xf32>
    %mul3A_30 = arith.mulf %slice3A_28, %mul3A_29 : vector<1x256xf32>
    %slice3A_31 = vector.extract_strided_slice %add3A_27 {offsets = [1, 0], sizes = [1, 256], strides = [1, 1]} : vector<8x256xf32> to vector<1x256xf32>
    %mul3A_32 = arith.constant 3.125000e-06 : f32
    %mul3A_33 = vector.broadcast %mul3A_32 : f32 to vector<1x256xf32>
    %mul3A_34 = arith.mulf %slice3A_31, %mul3A_33 : vector<1x256xf32>
    %mul3A_35 = arith.mulf %mul3A_30, %mul3A_30 : vector<1x256xf32>
    %sub3A = arith.subf %mul3A_34, %mul3A_35 : vector<1x256xf32>
    %add3A_36 = arith.constant 9.99999974E-6 : f32
    %add3A_37 = vector.broadcast %add3A_36 : f32 to vector<1x256xf32>
    %add3A_38 = arith.addf %sub3A, %add3A_37 : vector<1x256xf32>
    %rsqrt3A = math.rsqrt %add3A_38 : vector<1x256xf32>
    %slice3A_39 = vector.extract_strided_slice %rsqrt3A {offsets = [0, 0], sizes = [1, 128], strides = [1, 1]} : vector<1x256xf32> to vector<1x128xf32>
    %mul3A_40 = arith.constant -1.44269502 : f32
    %mul3A_41 = vector.broadcast %mul3A_40 : f32 to vector<1x128xf32>
    %mul3A_42 = arith.mulf %slice3A_39, %mul3A_41 : vector<1x128xf32>
    %slice3A_43 = vector.extract_strided_slice %mul3A_30 {offsets = [0, 0], sizes = [1, 128], strides = [1, 1]} : vector<1x256xf32> to vector<1x128xf32>
    %mul3A_44 = arith.mulf %slice3A_43, %slice3A_39 : vector<1x128xf32>
    %mul3A_45 = arith.constant 1.44269502 : f32
    %mul3A_46 = vector.broadcast %mul3A_45 : f32 to vector<1x128xf32>
    %mul3A_47 = arith.mulf %mul3A_44, %mul3A_46 : vector<1x128xf32>
    %mul3A_48 = vector.broadcast %mul3A_42 : vector<1x128xf32> to vector<6400x128xf32>
    %mul3A_49 = arith.mulf %add3A_18, %mul3A_48 : vector<6400x128xf32>
    %add3A_50 = vector.broadcast %mul3A_47 : vector<1x128xf32> to vector<6400x128xf32>
    %add3A_51 = arith.addf %mul3A_49, %add3A_50 : vector<6400x128xf32>
    %exp23A = math.exp2 %add3A_51 : vector<6400x128xf32>
    %add3A_52 = arith.constant 1.000000e+00 : f32
    %add3A_53 = vector.broadcast %add3A_52 : f32 to vector<6400x128xf32>
    %add3A_54 = arith.addf %add3A_53, %exp23A : vector<6400x128xf32>
    %div3A = arith.constant 1.000000e+00 : f32
    %div3A_55 = vector.broadcast %div3A : f32 to vector<6400x128xf32>
    %div3A_56 = arith.divf %div3A_55, %add3A_54 : vector<6400x128xf32>
    %slice3A_57 = vector.extract_strided_slice %rsqrt3A {offsets = [0, 128], sizes = [1, 128], strides = [1, 1]} : vector<1x256xf32> to vector<1x128xf32>
    %mul3A_58 = vector.broadcast %slice3A_57 : vector<1x128xf32> to vector<6400x128xf32>
    %mul3A_59 = arith.mulf %add3A_20, %mul3A_58 : vector<6400x128xf32>
    %slice3A_60 = vector.extract_strided_slice %mul3A_30 {offsets = [0, 128], sizes = [1, 128], strides = [1, 1]} : vector<1x256xf32> to vector<1x128xf32>
    %mul3A_61 = arith.mulf %slice3A_60, %slice3A_57 : vector<1x128xf32>
    %sub3A_62 = vector.broadcast %mul3A_61 : vector<1x128xf32> to vector<6400x128xf32>
    %sub3A_63 = arith.subf %mul3A_59, %sub3A_62 : vector<6400x128xf32>
    %abs3A = math.absf %sub3A_63 : vector<6400x128xf32>
    %mul3A_64 = arith.constant -1.44269502 : f32
    %mul3A_65 = vector.broadcast %mul3A_64 : f32 to vector<6400x128xf32>
    %mul3A_66 = arith.mulf %abs3A, %mul3A_65 : vector<6400x128xf32>
    %exp23A_67 = math.exp2 %mul3A_66 : vector<6400x128xf32>
    %max3A = arith.constant 0.000000e+00 : f32
    %max3A_68 = vector.broadcast %max3A : f32 to vector<6400x128xf32>
    %max3A_69 = arith.maximumf %sub3A_63, %max3A_68 : vector<6400x128xf32>
    %add3A_70 = arith.constant 1.000000e+00 : f32
    %add3A_71 = vector.broadcast %add3A_70 : f32 to vector<6400x128xf32>
    %add3A_72 = arith.addf %add3A_71, %exp23A_67 : vector<6400x128xf32>
    %log3A = math.log %add3A_72 : vector<6400x128xf32>
    %add3A_73 = arith.addf %max3A_69, %log3A : vector<6400x128xf32>
    %mul3A_74 = arith.mulf %div3A_56, %add3A_73 : vector<6400x128xf32>
    %reshape3A_75 = vector.shape_cast %mul3A_74 : vector<6400x128xf32> to vector<200x32x128xf32>
    %reduce_sum3A = arith.constant dense<0.000000e+00> : vector<200x128xf32>
    %reduce_sum3A_76 = vector.multi_reduction <add>, %reshape3A_75, %reduce_sum3A [1] : vector<200x32x128xf32> to vector<200x128xf32>
    %swap3A = arith.constant 0 : index
    %swap3A_77 = arith.constant 0 : index
    %swap3A_78 = vector.load %arg7[%swap3A, %swap3A_77] : memref<200x128xf32, #tpu.memory_space<vmem>>, vector<200x128xf32>
    tpu.vector_store %arg7[%swap3A, %swap3A_77], %reduce_sum3A_76 {strides = array<i32>} : memref<200x128xf32, #tpu.memory_space<vmem>>, vector<200x128xf32>,
    %eq3A = arith.constant 0 : i32
    %eq3A_79 = arith.cmpi eq, %arg0, %eq3A : i32
    %convert_element_type3A_80 = arith.extui %eq3A_79 : i1 to i32
    %cond3A = arith.constant 0 : i32
    %cond3A_81 = arith.cmpi ne, %convert_element_type3A_80, %cond3A : i32
    scf.if %cond3A_81 {
      %broadcast_in_dim3A_103 = arith.constant 0.000000e+00 : f32
      %broadcast_in_dim3A_104 = vector.broadcast %broadcast_in_dim3A_103 : f32 to vector<8x128xf32>
      %swap3A_105 = arith.constant 0 : index
      %swap3A_106 = arith.constant 0 : index
      %swap3A_107 = vector.load %arg8[%swap3A_105, %swap3A_106] : memref<8x128xf32, #tpu.memory_space<vmem>>, vector<8x128xf32>
      tpu.vector_store %arg8[%swap3A_105, %swap3A_106], %broadcast_in_dim3A_104 {strides = array<i32>} : memref<8x128xf32, #tpu.memory_space<vmem>>, vector<8x128xf32>,
    } else {
    }
    %get3A_82 = arith.constant 0 : index
    %get3A_83 = arith.constant 0 : index
    %get3A_84 = vector.load %arg8[%get3A_82, %get3A_83] : memref<8x128xf32, #tpu.memory_space<vmem>>, vector<1x128xf32>
    %reduce_sum3A_85 = arith.constant dense<0.000000e+00> : vector<128xf32>
    %reduce_sum3A_86 = vector.multi_reduction <add>, %reduce_sum3A_76, %reduce_sum3A_85 [0] : vector<200x128xf32> to vector<128xf32>
    %broadcast_in_dim3A_87 = vector.shape_cast %reduce_sum3A_86 : vector<128xf32> to vector<1x128xf32>
    %add3A_88 = arith.addf %get3A_84, %broadcast_in_dim3A_87 : vector<1x128xf32>
    %swap3A_89 = arith.constant 0 : index
    %swap3A_90 = arith.constant 0 : index
    %swap3A_91 = vector.load %arg8[%swap3A_89, %swap3A_90] : memref<8x128xf32, #tpu.memory_space<vmem>>, vector<1x128xf32>
    tpu.vector_store %arg8[%swap3A_89, %swap3A_90], %add3A_88 {strides = array<i32>} : memref<8x128xf32, #tpu.memory_space<vmem>>, vector<1x128xf32>,
    %get3A_92 = arith.constant 1 : index
    %get3A_93 = arith.constant 0 : index
    %get3A_94 = vector.load %arg8[%get3A_92, %get3A_93] : memref<8x128xf32, #tpu.memory_space<vmem>>, vector<1x128xf32>
    %mul3A_95 = arith.mulf %reduce_sum3A_76, %reduce_sum3A_76 : vector<200x128xf32>
    %reduce_sum3A_96 = arith.constant dense<0.000000e+00> : vector<128xf32>
    %reduce_sum3A_97 = vector.multi_reduction <add>, %mul3A_95, %reduce_sum3A_96 [0] : vector<200x128xf32> to vector<128xf32>
    %broadcast_in_dim3A_98 = vector.shape_cast %reduce_sum3A_97 : vector<128xf32> to vector<1x128xf32>
    %add3A_99 = arith.addf %get3A_94, %broadcast_in_dim3A_98 : vector<1x128xf32>
    %swap3A_100 = arith.constant 1 : index
    %swap3A_101 = arith.constant 0 : index
    %swap3A_102 = vector.load %arg8[%swap3A_100, %swap3A_101] : memref<8x128xf32, #tpu.memory_space<vmem>>, vector<1x128xf32>
    tpu.vector_store %arg8[%swap3A_100, %swap3A_101], %add3A_99 {strides = array<i32>} : memref<8x128xf32, #tpu.memory_space<vmem>>, vector<1x128xf32>,
    return
  }
  func.func @transform_0(%arg0: i32) -> (i32, i32) {
    %c0_i32 = arith.constant 0 : i32
    %c0_i32_0 = arith.constant 0 : i32
    return %arg0, %c0_i32 : i32, i32
  }
  func.func @transform_1(%arg0: i32) -> (i32, i32) {
    %add3A = arith.constant 25 : i32
    %add3A_0 = arith.addi %arg0, %add3A : i32
    %c0_i32 = arith.constant 0 : i32
    %c0_i32_1 = arith.constant 0 : i32
    return %add3A_0, %c0_i32 : i32, i32
  }
  func.func @transform_2(%arg0: i32) -> (i32, i32) {
    %add3A = arith.constant 25 : i32
    %add3A_0 = arith.addi %arg0, %add3A : i32
    %c0_i32 = arith.constant 0 : i32
    %c0_i32_1 = arith.constant 0 : i32
    return %add3A_0, %c0_i32 : i32, i32
  }
  func.func @transform_3(%arg0: i32) -> (i32, i32) {
    %c0_i32 = arith.constant 0 : i32
    %c0_i32_0 = arith.constant 0 : i32
    %c0_i32_1 = arith.constant 0 : i32
    return %c0_i32, %c0_i32_0 : i32, i32
  }
  func.func @transform_4(%arg0: i32) -> (i32, i32) {
    %c0_i32 = arith.constant 0 : i32
    %c0_i32_0 = arith.constant 0 : i32
    %c0_i32_1 = arith.constant 0 : i32
    return %c0_i32, %c0_i32_0 : i32, i32
  }
  func.func @transform_5(%arg0: i32) -> (i32, i32) {
    %c0_i32 = arith.constant 0 : i32
    %c0_i32_0 = arith.constant 0 : i32
    %c0_i32_1 = arith.constant 0 : i32
    return %c0_i32, %c0_i32_0 : i32, i32
  }
  func.func @transform_6(%arg0: i32) -> (i32, i32) {
    %c0_i32 = arith.constant 0 : i32
    %c0_i32_0 = arith.constant 0 : i32
    return %arg0, %c0_i32 : i32, i32
  }
  func.func @transform_7(%arg0: i32) -> (i32, i32) {
    %c0_i32 = arith.constant 0 : i32
    %c0_i32_0 = arith.constant 0 : i32
    %c0_i32_1 = arith.constant 0 : i32
    return %c0_i32, %c0_i32_0 : i32, i32
  }
}

module attributes {stable_mosaic.version = 14 : i64} {
  func.func @_apply_body(%arg0: i32, %arg1: memref<6400x128xi32, #tpu.memory_space<vmem>>, %arg2: memref<200x256xf32, #tpu.memory_space<vmem>>, %arg3: memref<6400x16xbf16, #tpu.memory_space<vmem>>, %arg4: memref<16x256xf32, #tpu.memory_space<vmem>>, %arg5: memref<8x256xf32, #tpu.memory_space<vmem>>, %arg6: memref<8x256xf32, #tpu.memory_space<vmem>>, %arg7: memref<200x128xf32, #tpu.memory_space<vmem>>, %arg8: memref<8x128xf32, #tpu.memory_space<vmem>>) attributes {dimension_semantics = [#tpu.dimension_semantics<arbitrary>], iteration_bounds = array<i64: 25>, scalar_prefetch = 0 : i64, scratch_operands = 0 : i64, tpu.core_type = #tpu.core_type<tc>, window_params = [{transform_indices = @transform_0, window_bounds = array<i64: 6400, 128>}, {transform_indices = @transform_1, window_bounds = array<i64: 200, 256>}, {transform_indices = @transform_2, window_bounds = array<i64: 6400, 16>}, {pipeline_mode = #tpu.pipeline_mode<synchronous>, transform_indices = @transform_3, window_bounds = array<i64: 16, 256>}, {pipeline_mode = #tpu.pipeline_mode<synchronous>, transform_indices = @transform_4, window_bounds = array<i64: 8, 256>}, {pipeline_mode = #tpu.pipeline_mode<synchronous>, transform_indices = @transform_5, window_bounds = array<i64: 8, 256>}, {transform_indices = @transform_6, window_bounds = array<i64: 200, 128>}, {pipeline_mode = #tpu.pipeline_mode<synchronous>, transform_indices = @transform_7, window_bounds = array<i64: 8, 128>}]} {
    %get3A = arith.constant 0 : index
    %get3A_0 = arith.constant 0 : index
    %get3A_1 = vector.load %arg2[%get3A, %get3A_0] : memref<200x256xf32, #tpu.memory_space<vmem>>, vector<200x256xf32>
    %broadcast_in_dim3A = vector.shape_cast %get3A_1 : vector<200x256xf32> to vector<200x1x256xf32>
    %broadcast_in_dim3A_2 = vector.shape_cast %broadcast_in_dim3A : vector<200x1x256xf32> to vector<200x1x256xf32>
    %broadcast_in_dim3A_3 = vector.broadcast %broadcast_in_dim3A_2 : vector<200x1x256xf32> to vector<200x32x256xf32>
    %reshape3A = vector.shape_cast %broadcast_in_dim3A_3 : vector<200x32x256xf32> to vector<6400x256xf32>
    %get3A_4 = arith.constant 0 : index
    %get3A_5 = arith.constant 0 : index
    %get3A_6 = vector.load %arg3[%get3A_4, %get3A_5] : memref<6400x16xbf16, #tpu.memory_space<vmem>>, vector<6400x16xbf16>
    %convert_element_type3A = arith.extf %get3A_6 : vector<6400x16xbf16> to vector<6400x16xf32>
    %get3A_7 = arith.constant 0 : index
    %get3A_8 = arith.constant 0 : index
    %get3A_9 = vector.load %arg4[%get3A_7, %get3A_8] : memref<16x256xf32, #tpu.memory_space<vmem>>, vector<16x256xf32>
    %dot_general3A = arith.constant dense<0.000000e+00> : vector<6400x256xf32>
    %dot_general3A_10 = tpu.matmul %convert_element_type3A, %get3A_9, %dot_general3A {dimension_numbers = #tpu.dot_dimension_numbers<[1], [0], [0], [1], [0, 0, 1, 1], [], []>, transpose_lhs_hint = false} : vector<6400x16xf32>, vector<16x256xf32>, vector<6400x256xf32> -> vector<6400x256xf32>
    %add3A = arith.addf %reshape3A, %dot_general3A_10 : vector<6400x256xf32>
    %get3A_11 = arith.constant 0 : index
    %get3A_12 = arith.constant 0 : index
    %get3A_13 = vector.load %arg1[%get3A_11, %get3A_12] : memref<6400x128xi32, #tpu.memory_space<vmem>>, vector<6400x128xi32>
    %bitcast_convert_type3A = tpu.bitcast %get3A_13 : vector<6400x128xi32> -> vector<6400x128xi32>
    %shift_left3A = arith.constant 16 : i32
    %shift_left3A_14 = vector.broadcast %shift_left3A : i32 to vector<6400x128xi32>
    %shift_left3A_15 = arith.shli %bitcast_convert_type3A, %shift_left3A_14 : vector<6400x128xi32>
    %bitcast_convert_type3A_16 = tpu.bitcast %shift_left3A_15 : vector<6400x128xi32> -> vector<6400x128xf32>
    %bitcast_convert_type3A_17 = tpu.bitcast %bitcast_convert_type3A : vector<6400x128xi32> -> vector<6400x128xf32>
    %slice3A = vector.extract_strided_slice %add3A {offsets = [0, 0], sizes = [6400, 128], strides = [1, 1]} : vector<6400x256xf32> to vector<6400x128xf32>
    %add3A_18 = arith.addf %bitcast_convert_type3A_16, %slice3A : vector<6400x128xf32>
    %slice3A_19 = vector.extract_strided_slice %add3A {offsets = [0, 128], sizes = [6400, 128], strides = [1, 1]} : vector<6400x256xf32> to vector<6400x128xf32>
    %add3A_20 = arith.addf %bitcast_convert_type3A_17, %slice3A_19 : vector<6400x128xf32>
    %get3A_21 = arith.constant 0 : index
    %get3A_22 = arith.constant 0 : index
    %get3A_23 = vector.load %arg5[%get3A_21, %get3A_22] : memref<8x256xf32, #tpu.memory_space<vmem>>, vector<8x256xf32>
    %get3A_24 = arith.constant 0 : index
    %get3A_25 = arith.constant 0 : index
    %get3A_26 = vector.load %arg6[%get3A_24, %get3A_25] : memref<8x256xf32, #tpu.memory_space<vmem>>, vector<8x256xf32>
    %add3A_27 = arith.addf %get3A_23, %get3A_26 : vector<8x256xf32>
    %slice3A_28 = vector.extract_strided_slice %add3A_27 {offsets = [0, 0], sizes = [1, 256], strides = [1, 1]} : vector<8x256xf32> to vector<1x256xf32>
    %mul3A = arith.constant 3.125000e-06 : f32
    %mul3A_29 = vector.broadcast %mul3A : f32 to vector<1x256xf32>
    %mul3A_30 = arith.mulf %slice3A_28, %mul3A_29 : vector<1x256xf32>
    %slice3A_31 = vector.extract_strided_slice %add3A_27 {offsets = [1, 0], sizes = [1, 256], strides = [1, 1]} : vector<8x256xf32> to vector<1x256xf32>
    %mul3A_32 = arith.constant 3.125000e-06 : f32
    %mul3A_33 = vector.broadcast %mul3A_32 : f32 to vector<1x256xf32>
    %mul3A_34 = arith.mulf %slice3A_31, %mul3A_33 : vector<1x256xf32>
    %mul3A_35 = arith.mulf %mul3A_30, %mul3A_30 : vector<1x256xf32>
    %sub3A = arith.subf %mul3A_34, %mul3A_35 : vector<1x256xf32>
    %add3A_36 = arith.constant 9.99999974E-6 : f32
    %add3A_37 = vector.broadcast %add3A_36 : f32 to vector<1x256xf32>
    %add3A_38 = arith.addf %sub3A, %add3A_37 : vector<1x256xf32>
    %rsqrt3A = math.rsqrt %add3A_38 : vector<1x256xf32>
    %slice3A_39 = vector.extract_strided_slice %rsqrt3A {offsets = [0, 0], sizes = [1, 128], strides = [1, 1]} : vector<1x256xf32> to vector<1x128xf32>
    %mul3A_40 = arith.constant -1.44269502 : f32
    %mul3A_41 = vector.broadcast %mul3A_40 : f32 to vector<1x128xf32>
    %mul3A_42 = arith.mulf %slice3A_39, %mul3A_41 : vector<1x128xf32>
    %slice3A_43 = vector.extract_strided_slice %mul3A_30 {offsets = [0, 0], sizes = [1, 128], strides = [1, 1]} : vector<1x256xf32> to vector<1x128xf32>
    %mul3A_44 = arith.mulf %slice3A_43, %slice3A_39 : vector<1x128xf32>
    %mul3A_45 = arith.constant 1.44269502 : f32
    %mul3A_46 = vector.broadcast %mul3A_45 : f32 to vector<1x128xf32>
    %mul3A_47 = arith.mulf %mul3A_44, %mul3A_46 : vector<1x128xf32>
    %mul3A_48 = vector.broadcast %mul3A_42 : vector<1x128xf32> to vector<6400x128xf32>
    %mul3A_49 = arith.mulf %add3A_18, %mul3A_48 : vector<6400x128xf32>
    %add3A_50 = vector.broadcast %mul3A_47 : vector<1x128xf32> to vector<6400x128xf32>
    %add3A_51 = arith.addf %mul3A_49, %add3A_50 : vector<6400x128xf32>
    %exp23A = math.exp2 %add3A_51 : vector<6400x128xf32>
    %add3A_52 = arith.constant 1.000000e+00 : f32
    %add3A_53 = vector.broadcast %add3A_52 : f32 to vector<6400x128xf32>
    %add3A_54 = arith.addf %add3A_53, %exp23A : vector<6400x128xf32>
    %div3A = arith.constant 1.000000e+00 : f32
    %div3A_55 = vector.broadcast %div3A : f32 to vector<6400x128xf32>
    %div3A_56 = arith.divf %div3A_55, %add3A_54 : vector<6400x128xf32>
    %slice3A_57 = vector.extract_strided_slice %rsqrt3A {offsets = [0, 128], sizes = [1, 128], strides = [1, 1]} : vector<1x256xf32> to vector<1x128xf32>
    %mul3A_58 = vector.broadcast %slice3A_57 : vector<1x128xf32> to vector<6400x128xf32>
    %mul3A_59 = arith.mulf %add3A_20, %mul3A_58 : vector<6400x128xf32>
    %slice3A_60 = vector.extract_strided_slice %mul3A_30 {offsets = [0, 128], sizes = [1, 128], strides = [1, 1]} : vector<1x256xf32> to vector<1x128xf32>
    %mul3A_61 = arith.mulf %slice3A_60, %slice3A_57 : vector<1x128xf32>
    %sub3A_62 = vector.broadcast %mul3A_61 : vector<1x128xf32> to vector<6400x128xf32>
    %sub3A_63 = arith.subf %mul3A_59, %sub3A_62 : vector<6400x128xf32>
    %abs3A = math.absf %sub3A_63 : vector<6400x128xf32>
    %mul3A_64 = arith.constant -1.44269502 : f32
    %mul3A_65 = vector.broadcast %mul3A_64 : f32 to vector<6400x128xf32>
    %mul3A_66 = arith.mulf %abs3A, %mul3A_65 : vector<6400x128xf32>
    %exp23A_67 = math.exp2 %mul3A_66 : vector<6400x128xf32>
    %max3A = arith.constant 0.000000e+00 : f32
    %max3A_68 = vector.broadcast %max3A : f32 to vector<6400x128xf32>
    %max3A_69 = arith.maximumf %sub3A_63, %max3A_68 : vector<6400x128xf32>
    %add3A_70 = arith.constant 1.000000e+00 : f32
    %add3A_71 = vector.broadcast %add3A_70 : f32 to vector<6400x128xf32>
    %add3A_72 = arith.addf %add3A_71, %exp23A_67 : vector<6400x128xf32>
    %log3A = math.log %add3A_72 : vector<6400x128xf32>
    %add3A_73 = arith.addf %max3A_69, %log3A : vector<6400x128xf32>
    %mul3A_74 = arith.mulf %div3A_56, %add3A_73 : vector<6400x128xf32>
    %reshape3A_75 = vector.shape_cast %mul3A_74 : vector<6400x128xf32> to vector<200x32x128xf32>
    %reduce_sum3A = arith.constant dense<0.000000e+00> : vector<200x128xf32>
    %reduce_sum3A_76 = vector.multi_reduction <add>, %reshape3A_75, %reduce_sum3A [1] : vector<200x32x128xf32> to vector<200x128xf32>
    %swap3A = arith.constant 0 : index
    %swap3A_77 = arith.constant 0 : index
    %swap3A_78 = vector.load %arg7[%swap3A, %swap3A_77] : memref<200x128xf32, #tpu.memory_space<vmem>>, vector<200x128xf32>
    tpu.vector_store %arg7[%swap3A, %swap3A_77], %reduce_sum3A_76 {strides = array<i32>} : memref<200x128xf32, #tpu.memory_space<vmem>>, vector<200x128xf32>,
    %eq3A = arith.constant 0 : i32
    %eq3A_79 = arith.cmpi eq, %arg0, %eq3A : i32
    %convert_element_type3A_80 = arith.extui %eq3A_79 : i1 to i32
    %cond3A = arith.constant 0 : i32
    %cond3A_81 = arith.cmpi ne, %convert_element_type3A_80, %cond3A : i32
    scf.if %cond3A_81 {
      %broadcast_in_dim3A_103 = arith.constant 0.000000e+00 : f32
      %broadcast_in_dim3A_104 = vector.broadcast %broadcast_in_dim3A_103 : f32 to vector<8x128xf32>
      %swap3A_105 = arith.constant 0 : index
      %swap3A_106 = arith.constant 0 : index
      %swap3A_107 = vector.load %arg8[%swap3A_105, %swap3A_106] : memref<8x128xf32, #tpu.memory_space<vmem>>, vector<8x128xf32>
      tpu.vector_store %arg8[%swap3A_105, %swap3A_106], %broadcast_in_dim3A_104 {strides = array<i32>} : memref<8x128xf32, #tpu.memory_space<vmem>>, vector<8x128xf32>,
    } else {
    }
    %get3A_82 = arith.constant 0 : index
    %get3A_83 = arith.constant 0 : index
    %get3A_84 = vector.load %arg8[%get3A_82, %get3A_83] : memref<8x128xf32, #tpu.memory_space<vmem>>, vector<1x128xf32>
    %reduce_sum3A_85 = arith.constant dense<0.000000e+00> : vector<128xf32>
    %reduce_sum3A_86 = vector.multi_reduction <add>, %reduce_sum3A_76, %reduce_sum3A_85 [0] : vector<200x128xf32> to vector<128xf32>
    %broadcast_in_dim3A_87 = vector.shape_cast %reduce_sum3A_86 : vector<128xf32> to vector<1x128xf32>
    %add3A_88 = arith.addf %get3A_84, %broadcast_in_dim3A_87 : vector<1x128xf32>
    %swap3A_89 = arith.constant 0 : index
    %swap3A_90 = arith.constant 0 : index
    %swap3A_91 = vector.load %arg8[%swap3A_89, %swap3A_90] : memref<8x128xf32, #tpu.memory_space<vmem>>, vector<1x128xf32>
    tpu.vector_store %arg8[%swap3A_89, %swap3A_90], %add3A_88 {strides = array<i32>} : memref<8x128xf32, #tpu.memory_space<vmem>>, vector<1x128xf32>,
    %get3A_92 = arith.constant 1 : index
    %get3A_93 = arith.constant 0 : index
    %get3A_94 = vector.load %arg8[%get3A_92, %get3A_93] : memref<8x128xf32, #tpu.memory_space<vmem>>, vector<1x128xf32>
    %mul3A_95 = arith.mulf %reduce_sum3A_76, %reduce_sum3A_76 : vector<200x128xf32>
    %reduce_sum3A_96 = arith.constant dense<0.000000e+00> : vector<128xf32>
    %reduce_sum3A_97 = vector.multi_reduction <add>, %mul3A_95, %reduce_sum3A_96 [0] : vector<200x128xf32> to vector<128xf32>
    %broadcast_in_dim3A_98 = vector.shape_cast %reduce_sum3A_97 : vector<128xf32> to vector<1x128xf32>
    %add3A_99 = arith.addf %get3A_94, %broadcast_in_dim3A_98 : vector<1x128xf32>
    %swap3A_100 = arith.constant 1 : index
    %swap3A_101 = arith.constant 0 : index
    %swap3A_102 = vector.load %arg8[%swap3A_100, %swap3A_101] : memref<8x128xf32, #tpu.memory_space<vmem>>, vector<1x128xf32>
    tpu.vector_store %arg8[%swap3A_100, %swap3A_101], %add3A_99 {strides = array<i32>} : memref<8x128xf32, #tpu.memory_space<vmem>>, vector<1x128xf32>,
    return
  }
  func.func @transform_0(%arg0: i32) -> (i32, i32) {
    %c0_i32 = arith.constant 0 : i32
    %c0_i32_0 = arith.constant 0 : i32
    return %arg0, %c0_i32 : i32, i32
  }
  func.func @transform_1(%arg0: i32) -> (i32, i32) {
    %add3A = arith.constant 0 : i32
    %add3A_0 = arith.addi %arg0, %add3A : i32
    %c0_i32 = arith.constant 0 : i32
    %c0_i32_1 = arith.constant 0 : i32
    return %add3A_0, %c0_i32 : i32, i32
  }
  func.func @transform_2(%arg0: i32) -> (i32, i32) {
    %add3A = arith.constant 0 : i32
    %add3A_0 = arith.addi %arg0, %add3A : i32
    %c0_i32 = arith.constant 0 : i32
    %c0_i32_1 = arith.constant 0 : i32
    return %add3A_0, %c0_i32 : i32, i32
  }
  func.func @transform_3(%arg0: i32) -> (i32, i32) {
    %c0_i32 = arith.constant 0 : i32
    %c0_i32_0 = arith.constant 0 : i32
    %c0_i32_1 = arith.constant 0 : i32
    return %c0_i32, %c0_i32_0 : i32, i32
  }
  func.func @transform_4(%arg0: i32) -> (i32, i32) {
    %c0_i32 = arith.constant 0 : i32
    %c0_i32_0 = arith.constant 0 : i32
    %c0_i32_1 = arith.constant 0 : i32
    return %c0_i32, %c0_i32_0 : i32, i32
  }
  func.func @transform_5(%arg0: i32) -> (i32, i32) {
    %c0_i32 = arith.constant 0 : i32
    %c0_i32_0 = arith.constant 0 : i32
    %c0_i32_1 = arith.constant 0 : i32
    return %c0_i32, %c0_i32_0 : i32, i32
  }
  func.func @transform_6(%arg0: i32) -> (i32, i32) {
    %c0_i32 = arith.constant 0 : i32
    %c0_i32_0 = arith.constant 0 : i32
    return %arg0, %c0_i32 : i32, i32
  }
  func.func @transform_7(%arg0: i32) -> (i32, i32) {
    %c0_i32 = arith.constant 0 : i32
    %c0_i32_0 = arith.constant 0 : i32
    %c0_i32_1 = arith.constant 0 : i32
    return %c0_i32, %c0_i32_0 : i32, i32
  }
}

module attributes {stable_mosaic.version = 14 : i64} {
  func.func @_final_body(%arg0: i32, %arg1: memref<1000x128xf32, #tpu.memory_space<vmem>>, %arg2: memref<1000x128xf32, #tpu.memory_space<vmem>>, %arg3: memref<8x128xf32, #tpu.memory_space<vmem>>, %arg4: memref<8x128xf32, #tpu.memory_space<vmem>>, %arg5: memref<1000x128xf32, #tpu.memory_space<vmem>>) attributes {dimension_semantics = [#tpu.dimension_semantics<arbitrary>], iteration_bounds = array<i64: 5>, scalar_prefetch = 0 : i64, scratch_operands = 0 : i64, tpu.core_type = #tpu.core_type<tc>, window_params = [{transform_indices = @transform_0, window_bounds = array<i64: 1000, 128>}, {transform_indices = @transform_1, window_bounds = array<i64: 1000, 128>}, {pipeline_mode = #tpu.pipeline_mode<synchronous>, transform_indices = @transform_2, window_bounds = array<i64: 8, 128>}, {pipeline_mode = #tpu.pipeline_mode<synchronous>, transform_indices = @transform_3, window_bounds = array<i64: 8, 128>}, {transform_indices = @transform_4, window_bounds = array<i64: 1000, 128>}]} {
    %get3A = arith.constant 0 : index
    %get3A_0 = arith.constant 0 : index
    %get3A_1 = vector.load %arg3[%get3A, %get3A_0] : memref<8x128xf32, #tpu.memory_space<vmem>>, vector<8x128xf32>
    %get3A_2 = arith.constant 0 : index
    %get3A_3 = arith.constant 0 : index
    %get3A_4 = vector.load %arg4[%get3A_2, %get3A_3] : memref<8x128xf32, #tpu.memory_space<vmem>>, vector<8x128xf32>
    %add3A = arith.addf %get3A_1, %get3A_4 : vector<8x128xf32>
    %slice3A = vector.extract_strided_slice %add3A {offsets = [0, 0], sizes = [1, 128], strides = [1, 1]} : vector<8x128xf32> to vector<1x128xf32>
    %mul3A = arith.constant 9.99999974E-5 : f32
    %mul3A_5 = vector.broadcast %mul3A : f32 to vector<1x128xf32>
    %mul3A_6 = arith.mulf %slice3A, %mul3A_5 : vector<1x128xf32>
    %slice3A_7 = vector.extract_strided_slice %add3A {offsets = [1, 0], sizes = [1, 128], strides = [1, 1]} : vector<8x128xf32> to vector<1x128xf32>
    %mul3A_8 = arith.constant 9.99999974E-5 : f32
    %mul3A_9 = vector.broadcast %mul3A_8 : f32 to vector<1x128xf32>
    %mul3A_10 = arith.mulf %slice3A_7, %mul3A_9 : vector<1x128xf32>
    %mul3A_11 = arith.mulf %mul3A_6, %mul3A_6 : vector<1x128xf32>
    %sub3A = arith.subf %mul3A_10, %mul3A_11 : vector<1x128xf32>
    %add3A_12 = arith.constant 9.99999974E-6 : f32
    %add3A_13 = vector.broadcast %add3A_12 : f32 to vector<1x128xf32>
    %add3A_14 = arith.addf %sub3A, %add3A_13 : vector<1x128xf32>
    %rsqrt3A = math.rsqrt %add3A_14 : vector<1x128xf32>
    %get3A_15 = arith.constant 0 : index
    %get3A_16 = arith.constant 0 : index
    %get3A_17 = vector.load %arg2[%get3A_15, %get3A_16] : memref<1000x128xf32, #tpu.memory_space<vmem>>, vector<1000x128xf32>
    %sub3A_18 = vector.broadcast %mul3A_6 : vector<1x128xf32> to vector<1000x128xf32>
    %sub3A_19 = arith.subf %get3A_17, %sub3A_18 : vector<1000x128xf32>
    %mul3A_20 = vector.broadcast %rsqrt3A : vector<1x128xf32> to vector<1000x128xf32>
    %mul3A_21 = arith.mulf %sub3A_19, %mul3A_20 : vector<1000x128xf32>
    %get3A_22 = arith.constant 0 : index
    %get3A_23 = arith.constant 0 : index
    %get3A_24 = vector.load %arg1[%get3A_22, %get3A_23] : memref<1000x128xf32, #tpu.memory_space<vmem>>, vector<1000x128xf32>
    %add3A_25 = arith.addf %get3A_24, %mul3A_21 : vector<1000x128xf32>
    %max3A = arith.constant 0.000000e+00 : f32
    %max3A_26 = vector.broadcast %max3A : f32 to vector<1000x128xf32>
    %max3A_27 = arith.maximumf %add3A_25, %max3A_26 : vector<1000x128xf32>
    %abs3A = math.absf %add3A_25 : vector<1000x128xf32>
    %mul3A_28 = arith.constant -1.44269502 : f32
    %mul3A_29 = vector.broadcast %mul3A_28 : f32 to vector<1000x128xf32>
    %mul3A_30 = arith.mulf %abs3A, %mul3A_29 : vector<1000x128xf32>
    %exp23A = math.exp2 %mul3A_30 : vector<1000x128xf32>
    %log1p3A = math.log1p %exp23A : vector<1000x128xf32>
    %add3A_31 = arith.addf %max3A_27, %log1p3A : vector<1000x128xf32>
    %swap3A = arith.constant 0 : index
    %swap3A_32 = arith.constant 0 : index
    %swap3A_33 = vector.load %arg5[%swap3A, %swap3A_32] : memref<1000x128xf32, #tpu.memory_space<vmem>>, vector<1000x128xf32>
    tpu.vector_store %arg5[%swap3A, %swap3A_32], %add3A_31 {strides = array<i32>} : memref<1000x128xf32, #tpu.memory_space<vmem>>, vector<1000x128xf32>,
    return
  }
  func.func @transform_0(%arg0: i32) -> (i32, i32) {
    %add3A = arith.constant 5 : i32
    %add3A_0 = arith.addi %arg0, %add3A : i32
    %c0_i32 = arith.constant 0 : i32
    %c0_i32_1 = arith.constant 0 : i32
    return %add3A_0, %c0_i32 : i32, i32
  }
  func.func @transform_1(%arg0: i32) -> (i32, i32) {
    %c0_i32 = arith.constant 0 : i32
    %c0_i32_0 = arith.constant 0 : i32
    return %arg0, %c0_i32 : i32, i32
  }
  func.func @transform_2(%arg0: i32) -> (i32, i32) {
    %c0_i32 = arith.constant 0 : i32
    %c0_i32_0 = arith.constant 0 : i32
    %c0_i32_1 = arith.constant 0 : i32
    return %c0_i32, %c0_i32_0 : i32, i32
  }
  func.func @transform_3(%arg0: i32) -> (i32, i32) {
    %c0_i32 = arith.constant 0 : i32
    %c0_i32_0 = arith.constant 0 : i32
    %c0_i32_1 = arith.constant 0 : i32
    return %c0_i32, %c0_i32_0 : i32, i32
  }
  func.func @transform_4(%arg0: i32) -> (i32, i32) {
    %c0_i32 = arith.constant 0 : i32
    %c0_i32_0 = arith.constant 0 : i32
    return %arg0, %c0_i32 : i32, i32
  }
}

module attributes {stable_mosaic.version = 14 : i64} {
  func.func @_final_body(%arg0: i32, %arg1: memref<1000x128xf32, #tpu.memory_space<vmem>>, %arg2: memref<1000x128xf32, #tpu.memory_space<vmem>>, %arg3: memref<8x128xf32, #tpu.memory_space<vmem>>, %arg4: memref<8x128xf32, #tpu.memory_space<vmem>>, %arg5: memref<1000x128xf32, #tpu.memory_space<vmem>>) attributes {dimension_semantics = [#tpu.dimension_semantics<arbitrary>], iteration_bounds = array<i64: 5>, scalar_prefetch = 0 : i64, scratch_operands = 0 : i64, tpu.core_type = #tpu.core_type<tc>, window_params = [{transform_indices = @transform_0, window_bounds = array<i64: 1000, 128>}, {transform_indices = @transform_1, window_bounds = array<i64: 1000, 128>}, {pipeline_mode = #tpu.pipeline_mode<synchronous>, transform_indices = @transform_2, window_bounds = array<i64: 8, 128>}, {pipeline_mode = #tpu.pipeline_mode<synchronous>, transform_indices = @transform_3, window_bounds = array<i64: 8, 128>}, {transform_indices = @transform_4, window_bounds = array<i64: 1000, 128>}]} {
    %get3A = arith.constant 0 : index
    %get3A_0 = arith.constant 0 : index
    %get3A_1 = vector.load %arg3[%get3A, %get3A_0] : memref<8x128xf32, #tpu.memory_space<vmem>>, vector<8x128xf32>
    %get3A_2 = arith.constant 0 : index
    %get3A_3 = arith.constant 0 : index
    %get3A_4 = vector.load %arg4[%get3A_2, %get3A_3] : memref<8x128xf32, #tpu.memory_space<vmem>>, vector<8x128xf32>
    %add3A = arith.addf %get3A_1, %get3A_4 : vector<8x128xf32>
    %slice3A = vector.extract_strided_slice %add3A {offsets = [0, 0], sizes = [1, 128], strides = [1, 1]} : vector<8x128xf32> to vector<1x128xf32>
    %mul3A = arith.constant 9.99999974E-5 : f32
    %mul3A_5 = vector.broadcast %mul3A : f32 to vector<1x128xf32>
    %mul3A_6 = arith.mulf %slice3A, %mul3A_5 : vector<1x128xf32>
    %slice3A_7 = vector.extract_strided_slice %add3A {offsets = [1, 0], sizes = [1, 128], strides = [1, 1]} : vector<8x128xf32> to vector<1x128xf32>
    %mul3A_8 = arith.constant 9.99999974E-5 : f32
    %mul3A_9 = vector.broadcast %mul3A_8 : f32 to vector<1x128xf32>
    %mul3A_10 = arith.mulf %slice3A_7, %mul3A_9 : vector<1x128xf32>
    %mul3A_11 = arith.mulf %mul3A_6, %mul3A_6 : vector<1x128xf32>
    %sub3A = arith.subf %mul3A_10, %mul3A_11 : vector<1x128xf32>
    %add3A_12 = arith.constant 9.99999974E-6 : f32
    %add3A_13 = vector.broadcast %add3A_12 : f32 to vector<1x128xf32>
    %add3A_14 = arith.addf %sub3A, %add3A_13 : vector<1x128xf32>
    %rsqrt3A = math.rsqrt %add3A_14 : vector<1x128xf32>
    %get3A_15 = arith.constant 0 : index
    %get3A_16 = arith.constant 0 : index
    %get3A_17 = vector.load %arg2[%get3A_15, %get3A_16] : memref<1000x128xf32, #tpu.memory_space<vmem>>, vector<1000x128xf32>
    %sub3A_18 = vector.broadcast %mul3A_6 : vector<1x128xf32> to vector<1000x128xf32>
    %sub3A_19 = arith.subf %get3A_17, %sub3A_18 : vector<1000x128xf32>
    %mul3A_20 = vector.broadcast %rsqrt3A : vector<1x128xf32> to vector<1000x128xf32>
    %mul3A_21 = arith.mulf %sub3A_19, %mul3A_20 : vector<1000x128xf32>
    %get3A_22 = arith.constant 0 : index
    %get3A_23 = arith.constant 0 : index
    %get3A_24 = vector.load %arg1[%get3A_22, %get3A_23] : memref<1000x128xf32, #tpu.memory_space<vmem>>, vector<1000x128xf32>
    %add3A_25 = arith.addf %get3A_24, %mul3A_21 : vector<1000x128xf32>
    %max3A = arith.constant 0.000000e+00 : f32
    %max3A_26 = vector.broadcast %max3A : f32 to vector<1000x128xf32>
    %max3A_27 = arith.maximumf %add3A_25, %max3A_26 : vector<1000x128xf32>
    %abs3A = math.absf %add3A_25 : vector<1000x128xf32>
    %mul3A_28 = arith.constant -1.44269502 : f32
    %mul3A_29 = vector.broadcast %mul3A_28 : f32 to vector<1000x128xf32>
    %mul3A_30 = arith.mulf %abs3A, %mul3A_29 : vector<1000x128xf32>
    %exp23A = math.exp2 %mul3A_30 : vector<1000x128xf32>
    %log1p3A = math.log1p %exp23A : vector<1000x128xf32>
    %add3A_31 = arith.addf %max3A_27, %log1p3A : vector<1000x128xf32>
    %swap3A = arith.constant 0 : index
    %swap3A_32 = arith.constant 0 : index
    %swap3A_33 = vector.load %arg5[%swap3A, %swap3A_32] : memref<1000x128xf32, #tpu.memory_space<vmem>>, vector<1000x128xf32>
    tpu.vector_store %arg5[%swap3A, %swap3A_32], %add3A_31 {strides = array<i32>} : memref<1000x128xf32, #tpu.memory_space<vmem>>, vector<1000x128xf32>,
    return
  }
  func.func @transform_0(%arg0: i32) -> (i32, i32) {
    %add3A = arith.constant 0 : i32
    %add3A_0 = arith.addi %arg0, %add3A : i32
    %c0_i32 = arith.constant 0 : i32
    %c0_i32_1 = arith.constant 0 : i32
    return %add3A_0, %c0_i32 : i32, i32
  }
  func.func @transform_1(%arg0: i32) -> (i32, i32) {
    %c0_i32 = arith.constant 0 : i32
    %c0_i32_0 = arith.constant 0 : i32
    return %arg0, %c0_i32 : i32, i32
  }
  func.func @transform_2(%arg0: i32) -> (i32, i32) {
    %c0_i32 = arith.constant 0 : i32
    %c0_i32_0 = arith.constant 0 : i32
    %c0_i32_1 = arith.constant 0 : i32
    return %c0_i32, %c0_i32_0 : i32, i32
  }
  func.func @transform_3(%arg0: i32) -> (i32, i32) {
    %c0_i32 = arith.constant 0 : i32
    %c0_i32_0 = arith.constant 0 : i32
    %c0_i32_1 = arith.constant 0 : i32
    return %c0_i32, %c0_i32_0 : i32, i32
  }
  func.func @transform_4(%arg0: i32) -> (i32, i32) {
    %c0_i32 = arith.constant 0 : i32
    %c0_i32_0 = arith.constant 0 : i32
    return %arg0, %c0_i32 : i32, i32
  }
}

</mosaic_0001>

<sc_bundles>
// kernel: kernel.11.cloned.1.call-start
scs
__scs_entry_jumppad:
0x0: {  	(pc) =	sbr.rel $0x88, $3  }
0x1: {  	(tag) =	ssettag $0x0;
	lr =	simm.s32 $0x1  }
0x2: {  	[smem:$0x3F9C] =	sst lr;
	_ =	strace $0xD0000000  }
0x3: {  	_ = 	snop  }
0x4: {  	_ = 	snop  }
0x5: {  	_ = 	snop  }
0x6: {  	_ = 	snop  }
0x7: {  	_ = 	snop  }
__scs_overlays_trampoline_lowered:
0x8: {  	[smem:$0x3FAB] =	sst s0  }
0x9: {  	[smem:$0x3FAC] =	sst s1  }
0xa: {  	[smem:$0x3FAD] =	sst s2  }
0xb: {  	[smem:$0x3FAE] =	sst s3  }
0xc: {  	[smem:$0x3FAF] =	sst s4  }
0xd: {  	[smem:$0x3FB0] =	sst s5  }
0xe: {  	[smem:$0x3FB1] =	sst s6  }
0xf: {  	[smem:$0x3FB2] =	sst s7  }
0x10: {  	[smem:$0x3FB3] =	sst s8  }
0x11: {  	[smem:$0x3FB4] =	sst s9;
	s0 =	simm.s32 @!p0 $0x0  }
0x12: {  	s1 =	sld [smem:$0x3F9A];
	s0 =	simm.s32 @p0 $0x1  }
0x13: {  	[smem:$0x3FB5] =	sst s0;
	s0 =	simm.s32 @!p1 $0x0  }
0x14: {  	s2 =	sld [smem:$0x3F99];
	s0 =	simm.s32 @p1 $0x1  }
0x15: {  	[smem:$0x3FB6] =	sst s0;
	s0 =	simm.s32 @!p2 $0x0  }
0x16: {  	s3 =	sld [smem:$0x3FDB];
	s0 =	simm.s32 @p2 $0x1  }
0x17: {  	s4 =	simm.s32 $0x1BF5;
	[smem:$0x3FB8] =	sst s0  }
0x18: {  	s0 =	sld [smem:$0x3F9B];
	_ =	swait.ge [sflag:s4], $0x0  }
0x19: {  	s7 =	sld [smem:$0x3F9C]  }
0x1a: {  	s8 =	sadd.s32 $0xFFFFE003, lr  }
0x1b: {  	s9 =	sadd.s32 $0xFFFFFEF7, lr;
	s5 =	simm.s32 $0xFFFFFFFF;
	p2 =	slt.u32 s8, $0xFFFFF086  }
0x1c: {  	p1 =	slt.u32 s9, $0xF7A;
	s5 =	simm.s32 @!p2 $0x0  }
0x1d: {  	s5 =	simm.s32 @p1 $0x1;
	p0 =	seq.s32 s7, s2  }
0x1e: {  	s7 =	smul.u32 @!p0 $0xF7A, s2;
	p2 =	seq.s32 @!p0 s5, $0x0  }
0x1f: {  	s9 =	smul.u32 $0xF7A, s1;
	s8 =	simm.s32 @!p0 $0x1BF5;
	p2 =	por !p2, p0  }
0x20: {  	[sflag:s8] =	ssyncset.s32 @!p0 $0xFFFFF086;
	s6 =	sadd.s32 @!p0 s3, s7;
	s7 =	simm.s32 @!p0 $0x108  }
0x21: {  	s3 =	sadd.s32 s3, s9;
	s6 =	sadd.s32 @!p0 $0x88, s6;
	s7 =	simm.s32 @p2 $0x1082  }
0x22: {  	[simem:s7], [sflag:s8] =	dma.local @!p0 [hbm:s6], $0xF7A  }
0x23: {  	s9 =	sor.u32 $0xD0000000, s2;
	s6 =	simm.s32 $0x108;
	_ =	swait.ge @!p0 [sflag:s8], $0x0  }
0x24: {  	s3 =	sadd.s32 $0x88, s3;
	s6 =	simm.s32 @!p1 $0x1082;
	[sflag:s4] =	ssyncset.s32 $0xFFFFF086  }
0x25: {  	[simem:s6], [sflag:s4] =	dma.local [hbm:s3], $0xF7A  }
0x26: {  	[smem:$0x3F9C] =	sst s1;
	(tag) =	ssettag s2;
	_ =	strace s9  }
0x27: {  	s1 =	sld [smem:$0x3FAC]  }
0x28: {  	s2 =	sld [smem:$0x3FAD]  }
0x29: {  	s4 =	sld [smem:$0x3FAF]  }
0x2a: {  	p0 =	seq.s32 s5, $0x0;
	s5 =	sld [smem:$0x3FB0]  }
0x2b: {  	s6 =	sld [smem:$0x3FB1]  }
0x2c: {  	s7 =	sld [smem:$0x3FB2]  }
0x2d: {  	s3 =	simm.s32 $0x108;
	s8 =	sld [smem:$0x3FB3]  }
0x2e: {  	s3 =	simm.s32 @!p0 $0x1082;
	s9 =	sld [smem:$0x3FB4]  }
0x2f: {  	lr =	sadd.s32 s0, s3;
	s0 =	sld [smem:$0x3FAB]  }
0x30: {  	s3 =	sld [smem:$0x3FAE]  }
0x31: {  	[smem:$0x3FB7] =	sst s10  }
0x32: {  	s10 =	sld [smem:$0x3FB5];
	_ =	sdelay $0x3  }
0x33: {  	p0 =	seq.s32 s10, $0x1;
	s10 =	sld [smem:$0x3FB7];
	_ =	sdelay $0x3  }
0x34: {  	[smem:$0x3FB7] =	sst s10  }
0x35: {  	s10 =	sld [smem:$0x3FB6];
	_ =	sdelay $0x3  }
0x36: {  	p1 =	seq.s32 s10, $0x1;
	s10 =	sld [smem:$0x3FB7];
	_ =	sdelay $0x3  }
0x37: {  	[smem:$0x3FB7] =	sst s10  }
0x38: {  	s10 =	sld [smem:$0x3FB8]  }
0x39: {  	_ = 	snop;
	(pc) =	sbr.ind lr, $3  }
0x3a: {  	_ = 	snop  }
0x3b: {  	_ = 	snop  }
0x3c: {  	p2 =	seq.s32 s10, $0x1;
	s10 =	sld [smem:$0x3FB7]  }
0x3d: {  	_ =	shalt  }
0x3e: {  	_ =	shalt  }
0x3f: {  	_ =	shalt  }
0x40: {  	_ =	shalt  }
0x41: {  	_ =	shalt  }
0x42: {  	_ =	shalt  }
0x43: {  	_ =	shalt  }
0x44: {  	_ =	shalt  }
0x45: {  	_ =	shalt  }
0x46: {  	_ =	shalt  }
0x47: {  	_ =	shalt  }
0x48: {  	_ =	shalt  }
0x49: {  	_ =	shalt  }
0x4a: {  	_ =	shalt  }
0x4b: {  	_ =	shalt  }
0x4c: {  	_ =	shalt  }
0x4d: {  	_ =	shalt  }
0x4e: {  	_ =	shalt  }
0x4f: {  	_ =	shalt  }
0x50: {  	_ =	shalt  }
0x51: {  	_ =	shalt  }
0x52: {  	_ =	shalt  }
0x53: {  	_ =	shalt  }
0x54: {  	_ =	shalt  }
0x55: {  	_ =	shalt  }
0x56: {  	_ =	shalt  }
0x57: {  	_ =	shalt  }
0x58: {  	_ =	shalt  }
0x59: {  	_ =	shalt  }
0x5a: {  	_ =	shalt  }
0x5b: {  	_ =	shalt  }
0x5c: {  	_ =	shalt  }
0x5d: {  	_ =	shalt  }
0x5e: {  	_ =	shalt  }
0x5f: {  	_ =	shalt  }
0x60: {  	_ =	shalt  }
0x61: {  	_ =	shalt  }
0x62: {  	_ =	shalt  }
0x63: {  	_ =	shalt  }
0x64: {  	_ =	shalt  }
0x65: {  	_ =	shalt  }
0x66: {  	_ =	shalt  }
0x67: {  	_ =	shalt  }
0x68: {  	_ =	shalt  }
0x69: {  	_ =	shalt  }
0x6a: {  	_ =	shalt  }
0x6b: {  	_ =	shalt  }
0x6c: {  	_ =	shalt  }
0x6d: {  	_ =	shalt  }
0x6e: {  	_ =	shalt  }
0x6f: {  	_ =	shalt  }
0x70: {  	_ =	shalt  }
0x71: {  	_ =	shalt  }
0x72: {  	_ =	shalt  }
0x73: {  	_ =	shalt  }
0x74: {  	_ =	shalt  }
0x75: {  	_ =	shalt  }
0x76: {  	_ =	shalt  }
0x77: {  	_ =	shalt  }
0x78: {  	_ =	shalt  }
0x79: {  	_ =	shalt  }
0x7a: {  	_ =	shalt  }
0x7b: {  	_ =	shalt  }
0x7c: {  	_ =	shalt  }
0x7d: {  	_ =	shalt  }
0x7e: {  	_ =	shalt  }
0x7f: {  	_ =	shalt  }
0x80: {  	_ =	shalt  }
0x81: {  	_ =	shalt  }
0x82: {  	_ =	shalt  }
0x83: {  	_ =	shalt  }
0x84: {  	_ =	shalt  }
0x85: {  	_ =	shalt  }
0x86: {  	_ =	shalt  }
0x87: {  	_ =	shalt  }
.Lfunc_end0:
.L_simem_size_0:
called_computation_lowered:
.L_overlay_start_0:
0x88: {  	s2 =	sld [smem:$0x3FD9]  }
0x89: {  	s3 =	sld [smem:$0x3FFE];
	_ =	sdelay $0x1  }
0x8a: {  	s1 =	srdreg.scid  }
0x8b: {  	s0 =	sand.u32 $0x1, s1  }
0x8c: {  	s17 =	sshll.u32 s0, $0xA;
	s2 =	sadd.s32 s3, s2  }
0x8d: {  	s2 =	sadd.s32 s2, s17  }
0x8e: {  	[smem:$0x3FC3] =	sst s2  }
0x8f: {  	_ = 	snop  }
0x90: {  	s2 =	sld [smem:$0x3FD0];
	(tm) =	ssettm $0x1  }
0x91: {  	s18 =	sld [smem:$0x3FFB];
	_ =	sdelay $0x3  }
0x92: {  	_ =	strace s18  }
0x93: {  	s3 =	sld [smem:$0x3FFC];
	_ =	sdelay $0x3  }
0x94: {  	_ =	strace s3  }
0x95: {  	s3 =	sld [smem:$0x3FFD];
	_ =	sdelay $0x3  }
0x96: {  	_ =	strace s3  }
0x97: {  	_ =	strace $0x8FFFFFFF  }
0x98: {  	s19 =	sld [smem:$0x3FDB];
	_ =	sdelay $0x1  }
0x99: {  	s4 =	simm.s32 $_scs_section_size  }
0x9a: {  	s5 =	simm.s32 $_size__tile_overlayer_lowered;
	s6 =	simm.s32 $_tile_overlayer_lowered  }
0x9b: {  	s22 =	simm.s32 $0x1BFF;
	s21 =	sshll.u32 s6, $0x1;
	s3 =	sadd.s32 s4, s19  }
0x9c: {  	s7 =	simm.s32 $0x0;
	s20 =	sshll.u32 s5, $0x1;
	s5 =	sadd.s32 s21, s3  }
0x9d: {  	[timem:s7], [sflag:s22] =	dma.local [hbm:s5], s20  }
0x9e: {  	_ =	swait.ge [sflag:s22], s20  }
0x9f: {  	s4 =	ssub.s32 $0x0, s20;
	[sflag:s22] =	ssyncset.done $0x0  }
0xa0: {  	[sflag:s22] =	ssyncadd.s32 s4;
	_ =	sdelay $0x1  }
0xa1: {  	s23 =	simm.s32 $0x1B8B  }
0xa2: {  	_ =	swait.ge [sflag:s23], $0x1  }
0xa3: {  	[sflag:s23] =	ssyncset.done $0x0  }
0xa4: {  	s25 =	simm.s32 $0x1B8E;
	s24 =	sld [smem:$0x3FFE];
	[sflag:s23] =	ssyncadd.s32 $0xFFFFFFFF  }
0xa5: {  	s26 =	simm.s32 $execute0_lowered;
	[smem:$0x3FD2] =	sst s25  }
0xa6: {  	s5 =	sshll.u32 s26, $0x1;
	_ =	strace $0x80000046;
	[dreg:$0x1] =	wrdreg $0xFFFFFFFF  }
0xa7: {  	s28 =	simm.s32 $_size_execute0_lowered;
	s3 =	sadd.s32 s3, s5;
	[dreg:$0x0] =	wrdreg $0x0  }
0xa8: {  	s5 =	sshll.u32 s28, $0x1;
	[dreg:$0x2] =	wrdreg s3  }
0xa9: {  	[dreg:$0x3] =	wrdreg s5  }
0xaa: {  	[dreg:$0x4] =	wrdreg $0xC0  }
0xab: {  	_ =	task [dreg:s7], $0x5FFFF  }
0xac: {  	[dreg:$0x1] =	wrdreg $0xFFFFFFFF  }
0xad: {  	[dreg:$0x0] =	wrdreg $0x60  }
0xae: {  	[dreg:$0x2] =	wrdreg s24  }
0xaf: {  	[dreg:$0x3] =	wrdreg s2  }
0xb0: {  	[dreg:$0x4] =	wrdreg $0x9  }
0xb1: {  	_ =	task.clear_ibuf [dreg:s7], $0x5FFFF;
	_ =	strace $0x90000046  }
0xb2: {  	s29 =	simm.s32 $0x9;
	_ =	strace $0x80000048  }
0xb3: {  	_ =	swait.ge [sflag:s29], $0x1  }
0xb4: {  	[sflag:s29] =	ssyncadd.s32 $0xFFFFFFFF  }
0xb5: {  	_ =	strace $0x90000048  }
0xb6: {  	_ =	sfence  }
0xb7: {  	s30 =	sld [smem:$0x0];
	_ =	sdelay $0x2  }
0xb8: {  	s31 =	sshll.u32 s1, $0xD;
	s1 =	sshrl.u32 s1, $0x2  }
0xb9: {  	s3 =	sand.u32 $0x4000, s31;
	s1 =	sadd.s32 s1, s30  }
0xba: {  	s0 =	sor.u32 s3, s0;
	s1 =	sshll.u32 s1, $0x11  }
0xbb: {  	s0 =	sor.u32 s1, s0  }
0xbc: {  	s0 =	sadd.s32 $0x8F2B, s0  }
0xbd: {  	[sflag:s0] =	ssyncadd.remote.s32 $0x1  }
0xbe: {  	_ =	sfence.sel $0xFFFF  }
0xbf: {  	[dreg:$0x0] =	wrdreg $0xFFFFFFFF;
	(pc) =	sbr.abs _section_cstart, $3  }
0xc0: {  	[dreg:$0x1] =	wrdreg $0xFFFFFFFF  }
0xc1: {  	_ =	task.clear_ibuf [dreg:s7], $0x2FFFF;
	_ =	strace $0x9FFFFFFF  }
0xc2: {  	(tm) =	ssettm $0x7FFFFFFF  }
0xc3: {  	_ =	shalt  }
tec
execute0_lowered:
.L_overlay_start_1:
0x0: {  	(tag) =	ssettag $0x1  }
0x1: {  	s0 =	rddreg [dreg:$0x0]  }
0x2: {  	s1 =	srdreg.scid;
	s9 =	stileid.u32  }
0x3: {  	s2 =	rddreg [dreg:$0x1];
	s3 =	simm.s32 $0x0;
	s16 =	simm.s32 $0x9  }
0x4: {  	s17 =	simm.s32 $0x28;
	s18 =	simm.s32 $0x1400;
	s19 =	simm.s32 $0x2800  }
0x5: {  	s20 =	simm.s32 $0x1;
	s22 =	simm.s32 $0x3C00;
	s23 =	simm.s32 $0x2  }
0x6: {  	s25 =	simm.s32 $0x5000;
	s28 =	simm.s32 $0x5;
	s30 =	simm.s32 $0x4  }
0x7: {  	s1 =	sand.u32 $0x1, s1;
	s4 =	sshll.u32 s9, $0x1;
	s12 =	smul.u32 $0x27100, s9  }
0x8: {  	s4 =	sor.u32 s1, s4;
	s6 =	ssub.s32 $0x2, s1;
	s1 =	smul.u32 $0x13880, s1  }
0x9: {  	s31 =	simm.s32 $0x6;
	s21 =	simm.s32 $0x8;
	s5 =	smul.u32 $0x1388, s4  }
0xa: {  	s24 =	simm.s32 $0x0;
	[smem:$0x7FF] =	sst s3;
	s7 =	smul.u32 $0x9C400, s4  }
0xb: {  	_ =	strace $0x80000047;
	s8 =	sshrl.u32 s6, $0x1;
	s4 =	smul.u32 $0x13880, s4  }
0xc: {  	s14 =	ssub.s32 s6, s8;
	s5 =	sshrl.u32 s5, $0x3;
	s26 =	sshrl.u32 s7, $0x3  }
0xd: {  	s14 =	smax.u32 s14, $0x1;
	s5 =	sadd.s32 s5, s0;
	s0 =	sadd.s32 $0x55C00, s0  }
0xe: {  	s5 =	sadd.s32 $0x2A00, s5;
	s4 =	sadd.s32 s0, s4;
	s29 =	sadd.s32 s0, s26  }
0xf: {  	s0 =	sadd.s32 s12, s0;
	s26 =	simm.s32 $0x3;
	[dreg:$0x3] =	wrdreg s5  }
0x10: {  	[dreg:$0x4] =	wrdreg s4;
	s6 =	sadd.s32 $0x280, s29;
	s7 =	sadd.s32 $0x500, s29  }
0x11: {  	s8 =	sadd.s32 $0x780, s29;
	s9 =	sadd.s32 $0x12C00, s29;
	s10 =	sadd.s32 $0x12E80, s29  }
0x12: {  	s11 =	sadd.s32 $0x13100, s29;
	s12 =	sadd.s32 $0x13380, s29;
	s0 =	sadd.s32 s1, s0  }
0x13: {  	s13 =	sadd.s32 $0x13600, s29;
	s15 =	sadd.s32 $0xA00, s0;
	s0 =	simm.s32 $0x7  }
.LBB2_1:
0x14: {  	s1 =	rddreg [dreg:$0x3]  }
0x15: {  	[tilespmem:s3], [sflag:$0x9] =	stream.linear.gather [hbm4b:s1+s3], $0x1388, $0x38;
	[tilespmem:$0x6400] =	vst v63  }
0x16: {  	_ =	swait.ge [sflag:s16], $0x1388  }
0x17: {  	[sflag:s16] =	ssyncset.done $0x0  }
0x18: {  	[sflag:s16] =	ssyncadd.s32 $0xFFFFEC78  }
0x19: {  	[tilespmem:s18], [sflag:$0x1] =	stream.indirect.gather [hbm4b:s2+s17], $0x80, s3, s17, $0xb8;
	[tilespmem:$0x6400] =	vst v63  }
0x1a: {  	_ = 	snop  }
0x1b: {  	[tilespmem:s19], [sflag:$0x2] =	stream.indirect.gather [hbm4b:s2+s17], $0x80, s17, s17, $0xb8;
	[tilespmem:$0x6400] =	vst v63  }
0x1c: {  	_ =	swait.ge [sflag:s20], $0x1400  }
0x1d: {  	[sflag:s20] =	ssyncset.done $0x0  }
0x1e: {  	s5 =	rddreg [dreg:$0x4];
	[sflag:s20] =	ssyncadd.s32 $0xFFFFEC00  }
0x1f: {  	[hbm4b:s5+s3] =	stream.linear.scatter [tilespmem:s18], [sflag:$0x5], $0x1400, $0x38;
	[tilespmem:$0x6400] =	vst v63  }
0x20: {  	s4 =	simm.s32 $0x50  }
0x21: {  	[tilespmem:s22], [sflag:$0x3] =	stream.indirect.gather [hbm4b:s2+s17], $0x80, s4, s17, $0xb8;
	[tilespmem:$0x6400] =	vst v63  }
0x22: {  	_ =	swait.ge [sflag:s23], $0x1400  }
0x23: {  	[sflag:s23] =	ssyncset.done $0x0  }
0x24: {  	[sflag:s23] =	ssyncadd.s32 $0xFFFFEC00  }
0x25: {  	[hbm4b:s6+s3] =	stream.linear.scatter [tilespmem:s19], [sflag:$0x6], $0x1400, $0x38;
	[tilespmem:$0x6400] =	vst v63  }
0x26: {  	s5 =	simm.s32 $0x78  }
0x27: {  	[tilespmem:s25], [sflag:$0x4] =	stream.indirect.gather [hbm4b:s2+s17], $0x80, s5, s17, $0xb8;
	[tilespmem:$0x6400] =	vst v63  }
0x28: {  	_ =	swait.ge [sflag:s26], $0x1400  }
0x29: {  	[sflag:s26] =	ssyncset.done $0x0  }
0x2a: {  	[sflag:s26] =	ssyncadd.s32 $0xFFFFEC00  }
0x2b: {  	[hbm4b:s7+s3] =	stream.linear.scatter [tilespmem:s22], [sflag:$0x7], $0x1400, $0x38;
	[tilespmem:$0x6400] =	vst v63  }
0x2c: {  	_ =	swait.ge [sflag:s28], $0x1400  }
0x2d: {  	[sflag:s28] =	ssyncset.done $0x0  }
0x2e: {  	s4 =	simm.s32 $0xA0;
	[sflag:s28] =	ssyncadd.s32 $0xFFFFEC00  }
0x2f: {  	[tilespmem:s18], [sflag:$0x1] =	stream.indirect.gather [hbm4b:s2+s17], $0x80, s4, s17, $0xb8;
	[tilespmem:$0x6400] =	vst v63  }
0x30: {  	_ =	swait.ge [sflag:s30], $0x1400  }
0x31: {  	[sflag:s30] =	ssyncset.done $0x0  }
0x32: {  	[sflag:s30] =	ssyncadd.s32 $0xFFFFEC00  }
0x33: {  	[hbm4b:s8+s3] =	stream.linear.scatter [tilespmem:s25], [sflag:$0x8], $0x1400, $0x38;
	[tilespmem:$0x6400] =	vst v63  }
0x34: {  	_ =	swait.ge [sflag:s31], $0x1400  }
0x35: {  	[sflag:s31] =	ssyncset.done $0x0  }
0x36: {  	s5 =	simm.s32 $0xC8;
	[sflag:s31] =	ssyncadd.s32 $0xFFFFEC00  }
0x37: {  	[tilespmem:s19], [sflag:$0x2] =	stream.indirect.gather [hbm4b:s2+s17], $0x80, s5, s17, $0xb8;
	[tilespmem:$0x6400] =	vst v63  }
0x38: {  	_ =	swait.ge [sflag:s20], $0x1400  }
0x39: {  	[sflag:s20] =	ssyncset.done $0x0  }
0x3a: {  	[sflag:s20] =	ssyncadd.s32 $0xFFFFEC00  }
0x3b: {  	[hbm4b:s15+s3] =	stream.linear.scatter [tilespmem:s18], [sflag:$0x5], $0x1400, $0x38;
	[tilespmem:$0x6400] =	vst v63  }
0x3c: {  	_ =	swait.ge [sflag:s0], $0x1400  }
0x3d: {  	[sflag:s0] =	ssyncset.done $0x0  }
0x3e: {  	s4 =	simm.s32 $0xF0;
	[sflag:s0] =	ssyncadd.s32 $0xFFFFEC00  }
0x3f: {  	[tilespmem:s22], [sflag:$0x3] =	stream.indirect.gather [hbm4b:s2+s17], $0x80, s4, s17, $0xb8;
	[tilespmem:$0x6400] =	vst v63  }
0x40: {  	_ =	swait.ge [sflag:s23], $0x1400  }
0x41: {  	[sflag:s23] =	ssyncset.done $0x0  }
0x42: {  	s5 =	sadd.s32 $0x280, s15;
	[sflag:s23] =	ssyncadd.s32 $0xFFFFEC00  }
0x43: {  	[hbm4b:s5+s3] =	stream.linear.scatter [tilespmem:s19], [sflag:$0x6], $0x1400, $0x38;
	[tilespmem:$0x6400] =	vst v63  }
0x44: {  	_ =	swait.ge [sflag:s21], $0x1400  }
0x45: {  	[sflag:s21] =	ssyncset.done $0x0  }
0x46: {  	s4 =	simm.s32 $0x118;
	[sflag:s21] =	ssyncadd.s32 $0xFFFFEC00  }
0x47: {  	[tilespmem:s25], [sflag:$0x4] =	stream.indirect.gather [hbm4b:s2+s17], $0x80, s4, s17, $0xb8;
	[tilespmem:$0x6400] =	vst v63  }
0x48: {  	_ =	swait.ge [sflag:s26], $0x1400  }
0x49: {  	[sflag:s26] =	ssyncset.done $0x0  }
0x4a: {  	s5 =	sadd.s32 $0x500, s15;
	[sflag:s26] =	ssyncadd.s32 $0xFFFFEC00  }
0x4b: {  	[hbm4b:s5+s3] =	stream.linear.scatter [tilespmem:s22], [sflag:$0x7], $0x1400, $0x38;
	[tilespmem:$0x6400] =	vst v63  }
0x4c: {  	_ =	swait.ge [sflag:s28], $0x1400  }
0x4d: {  	[sflag:s28] =	ssyncset.done $0x0  }
0x4e: {  	s4 =	simm.s32 $0x140;
	[sflag:s28] =	ssyncadd.s32 $0xFFFFEC00  }
0x4f: {  	[tilespmem:s18], [sflag:$0x1] =	stream.indirect.gather [hbm4b:s2+s17], $0x80, s4, s17, $0xb8;
	[tilespmem:$0x6400] =	vst v63  }
0x50: {  	_ =	swait.ge [sflag:s30], $0x1400  }
0x51: {  	[sflag:s30] =	ssyncset.done $0x0  }
0x52: {  	s5 =	sadd.s32 $0x780, s15;
	[sflag:s30] =	ssyncadd.s32 $0xFFFFEC00  }
0x53: {  	[hbm4b:s5+s3] =	stream.linear.scatter [tilespmem:s25], [sflag:$0x8], $0x1400, $0x38;
	[tilespmem:$0x6400] =	vst v63  }
0x54: {  	_ =	swait.ge [sflag:s31], $0x1400  }
0x55: {  	s29 =	simm.s32 $0x280;
	[sflag:s31] =	ssyncset.done $0x0  }
0x56: {  	s1 =	sadd.s32 $0xA00, s15;
	s4 =	simm.s32 $0x168;
	[sflag:s31] =	ssyncadd.s32 $0xFFFFEC00  }
.LBB2_2:
0x57: {  	[tilespmem:s19], [sflag:$0x2] =	stream.indirect.gather [hbm4b:s2+s17], $0x80, s4, s17, $0xb8;
	[tilespmem:$0x6400] =	vst v63  }
0x58: {  	s4 =	smov.u32 s29  }
0x59: {  	p0 =	sne.s32 s29, $0x4600;
	s29 =	sadd.s32 $0x280, s29;
	_ =	swait.ge [sflag:s20], $0x1400  }
0x5a: {  	[sflag:s20] =	ssyncset.done $0x0  }
0x5b: {  	[sflag:s20] =	ssyncadd.s32 $0xFFFFEC00  }
0x5c: {  	[hbm4b:s1+s3] =	stream.linear.scatter [tilespmem:s18], [sflag:$0x5], $0x1400, $0x38;
	[tilespmem:$0x6400] =	vst v63  }
0x5d: {  	_ =	swait.ge [sflag:s0], $0x1400  }
0x5e: {  	s4 =	sshra.s32 s4, $0x2;
	[sflag:s0] =	ssyncset.done $0x0  }
0x5f: {  	s5 =	sadd.s32 $0xF0, s4;
	[sflag:s0] =	ssyncadd.s32 $0xFFFFEC00  }
0x60: {  	[tilespmem:s22], [sflag:$0x3] =	stream.indirect.gather [hbm4b:s2+s17], $0x80, s5, s17, $0xb8;
	[tilespmem:$0x6400] =	vst v63  }
0x61: {  	_ =	swait.ge [sflag:s23], $0x1400  }
0x62: {  	[sflag:s23] =	ssyncset.done $0x0  }
0x63: {  	s5 =	sadd.s32 $0x280, s1;
	[sflag:s23] =	ssyncadd.s32 $0xFFFFEC00  }
0x64: {  	[hbm4b:s5+s3] =	stream.linear.scatter [tilespmem:s19], [sflag:$0x6], $0x1400, $0x38;
	[tilespmem:$0x6400] =	vst v63  }
0x65: {  	_ =	swait.ge [sflag:s21], $0x1400  }
0x66: {  	[sflag:s21] =	ssyncset.done $0x0  }
0x67: {  	s5 =	sadd.s32 $0x118, s4;
	[sflag:s21] =	ssyncadd.s32 $0xFFFFEC00  }
0x68: {  	[tilespmem:s25], [sflag:$0x4] =	stream.indirect.gather [hbm4b:s2+s17], $0x80, s5, s17, $0xb8;
	[tilespmem:$0x6400] =	vst v63  }
0x69: {  	_ =	swait.ge [sflag:s26], $0x1400  }
0x6a: {  	[sflag:s26] =	ssyncset.done $0x0  }
0x6b: {  	s5 =	sadd.s32 $0x500, s1;
	[sflag:s26] =	ssyncadd.s32 $0xFFFFEC00  }
0x6c: {  	[hbm4b:s5+s3] =	stream.linear.scatter [tilespmem:s22], [sflag:$0x7], $0x1400, $0x38;
	[tilespmem:$0x6400] =	vst v63  }
0x6d: {  	_ =	swait.ge [sflag:s28], $0x1400  }
0x6e: {  	[sflag:s28] =	ssyncset.done $0x0  }
0x6f: {  	s5 =	sadd.s32 $0x140, s4;
	[sflag:s28] =	ssyncadd.s32 $0xFFFFEC00  }
0x70: {  	[tilespmem:s18], [sflag:$0x1] =	stream.indirect.gather [hbm4b:s2+s17], $0x80, s5, s17, $0xb8;
	[tilespmem:$0x6400] =	vst v63  }
0x71: {  	_ =	swait.ge [sflag:s30], $0x1400  }
0x72: {  	[sflag:s30] =	ssyncset.done $0x0  }
.Ltmp0:
0x73: {  	s5 =	sadd.s32 $0x780, s1;
	[sflag:s30] =	ssyncadd.s32 $0xFFFFEC00;
	(pc) =	sbr.rel @p0 .LBB2_2-.Ltmp0, $4  }
0x74: {  	[hbm4b:s5+s3] =	stream.linear.scatter [tilespmem:s25], [sflag:$0x8], $0x1400, $0x38;
	[tilespmem:$0x6400] =	vst v63  }
0x75: {  	_ =	swait.ge [sflag:s31], $0x1400  }
0x76: {  	[sflag:s31] =	ssyncset.done $0x0  }
0x77: {  	s4 =	sadd.s32 $0x168, s4;
	s1 =	sadd.s32 $0xA00, s1;
	[sflag:s31] =	ssyncadd.s32 $0xFFFFEC00  }
0x78: {  	[tilespmem:s19], [sflag:$0x2] =	stream.indirect.gather [hbm4b:s2+s17], $0x80, s4, s17, $0xb8;
	[tilespmem:$0x6400] =	vst v63  }
0x79: {  	_ =	swait.ge [sflag:s20], $0x1400  }
0x7a: {  	[sflag:s20] =	ssyncset.done $0x0  }
0x7b: {  	[sflag:s20] =	ssyncadd.s32 $0xFFFFEC00  }
0x7c: {  	[hbm4b:s9+s3] =	stream.linear.scatter [tilespmem:s18], [sflag:$0x5], $0x1400, $0x38;
	[tilespmem:$0x6400] =	vst v63  }
0x7d: {  	_ =	swait.ge [sflag:s0], $0x1400  }
0x7e: {  	[sflag:s0] =	ssyncset.done $0x0  }
0x7f: {  	s1 =	simm.s32 $0x1310;
	[sflag:s0] =	ssyncadd.s32 $0xFFFFEC00  }
0x80: {  	[tilespmem:s22], [sflag:$0x3] =	stream.indirect.gather [hbm4b:s2+s17], $0x80, s1, s17, $0xb8;
	[tilespmem:$0x6400] =	vst v63  }
0x81: {  	_ =	swait.ge [sflag:s23], $0x1400  }
0x82: {  	[sflag:s23] =	ssyncset.done $0x0  }
0x83: {  	[sflag:s23] =	ssyncadd.s32 $0xFFFFEC00  }
0x84: {  	[hbm4b:s10+s3] =	stream.linear.scatter [tilespmem:s19], [sflag:$0x6], $0x1400, $0x38;
	[tilespmem:$0x6400] =	vst v63  }
0x85: {  	_ =	swait.ge [sflag:s21], $0x1400  }
0x86: {  	[sflag:s21] =	ssyncset.done $0x0  }
0x87: {  	s5 =	simm.s32 $0x1338;
	[sflag:s21] =	ssyncadd.s32 $0xFFFFEC00  }
0x88: {  	[tilespmem:s25], [sflag:$0x4] =	stream.indirect.gather [hbm4b:s2+s17], $0x80, s5, s17, $0xb8;
	[tilespmem:$0x6400] =	vst v63  }
0x89: {  	_ =	swait.ge [sflag:s26], $0x1400  }
0x8a: {  	[sflag:s26] =	ssyncset.done $0x0  }
0x8b: {  	[sflag:s26] =	ssyncadd.s32 $0xFFFFEC00  }
0x8c: {  	[hbm4b:s11+s3] =	stream.linear.scatter [tilespmem:s22], [sflag:$0x7], $0x1400, $0x38;
	[tilespmem:$0x6400] =	vst v63  }
0x8d: {  	_ =	swait.ge [sflag:s28], $0x1400  }
0x8e: {  	[sflag:s28] =	ssyncset.done $0x0  }
0x8f: {  	s29 =	simm.s32 $0x1360;
	[sflag:s28] =	ssyncadd.s32 $0xFFFFEC00  }
0x90: {  	[tilespmem:s18], [sflag:$0x1] =	stream.indirect.gather [hbm4b:s2+s17], $0x80, s29, s17, $0xb8;
	[tilespmem:$0x6400] =	vst v63  }
0x91: {  	_ =	swait.ge [sflag:s30], $0x1400  }
0x92: {  	[sflag:s30] =	ssyncset.done $0x0  }
0x93: {  	[sflag:s30] =	ssyncadd.s32 $0xFFFFEC00  }
0x94: {  	[hbm4b:s12+s3] =	stream.linear.scatter [tilespmem:s25], [sflag:$0x8], $0x1400, $0x38;
	[tilespmem:$0x6400] =	vst v63  }
0x95: {  	_ =	swait.ge [sflag:s31], $0x1400  }
0x96: {  	[sflag:s31] =	ssyncset.done $0x0  }
0x97: {  	[sflag:s31] =	ssyncadd.s32 $0xFFFFEC00  }
0x98: {  	_ =	swait.ge [sflag:s20], $0x1400  }
0x99: {  	[sflag:s20] =	ssyncset.done $0x0  }
0x9a: {  	[sflag:s20] =	ssyncadd.s32 $0xFFFFEC00  }
0x9b: {  	[hbm4b:s13+s3] =	stream.linear.scatter [tilespmem:s18], [sflag:$0x5], $0x1400, $0x38;
	[tilespmem:$0x6400] =	vst v63  }
0x9c: {  	_ =	swait.ge [sflag:s0], $0x1400  }
0x9d: {  	[sflag:s0] =	ssyncset.done $0x0  }
0x9e: {  	s24 =	sadd.s32 $0x1, s24;
	[sflag:s0] =	ssyncadd.s32 $0xFFFFEC00  }
0x9f: {  	p0 =	sne.s32 s24, s14;
	_ =	swait.ge [sflag:s21], $0x1400  }
.Ltmp1:
0xa0: {  	[sflag:s21] =	ssyncset.done $0x0;
	(pc) =	sbr.rel @p0 .LBB2_1-.Ltmp1, $4  }
0xa1: {  	[sflag:s21] =	ssyncadd.s32 $0xFFFFEC00  }
0xa2: {  	_ =	swait.ge [sflag:s28], $0x1400  }
0xa3: {  	[sflag:s28] =	ssyncset.done $0x0  }
0xa4: {  	[sflag:s28] =	ssyncadd.s32 $0xFFFFEC00  }
0xa5: {  	_ =	sfence.sel $0x180000  }
0xa6: {  	[bflag:$0x0] =	sbarrier.arrive $0xFFFF  }
0xa7: {  	_ =	strace $0x90000047  }
0xa8: {  	s0 =	stileid.u32;
	[bflag:$0x2] =	sbarrier.arrive $0xFFFF  }
0xa9: {  	p0 =	sne.s32 s0, $0x0;
	s0 =	rddreg [dreg:$0x2]  }
0xaa: {  	s0 =	sadd.s32 @!p0 $0x100000, s0  }
0xab: {  	[sflag:s0] =	ssyncadd.tile.s32 @!p0 $0x1;
	_ =	shalt  }
.Lfunc_end2:
_tile_overlayer_lowered:
.L_overlay_start_2:
0xac: {  	(tag) =	ssettag $0x2  }
0xad: {  	s0 =	rddreg [dreg:$0x0];
	s2 =	stileid.u32  }
0xae: {  	s1 =	rddreg [dreg:$0x1];
	p0 =	sne.s32 s2, $0x0  }
0xaf: {  	s3 =	rddreg [dreg:$0x2];
	[bflag:$0x3] =	sbarrier.arrive $0xFFFF;
	s2 =	simm.s32 @!p0 $0x1C09  }
0xb0: {  	[timem:s3], [sflag:s2] =	dma.local @!p0 [hbm:s0], s1  }
0xb1: {  	s0 =	simm.s32 @!p0 $0x9  }
0xb2: {  	_ =	swait.ge @!p0 [sflag:s0], s1  }
0xb3: {  	s1 =	ssub.s32 @!p0 $0x0, s1;
	[sflag:s0] =	ssyncset.done @!p0 $0x0  }
0xb4: {  	[sflag:s0] =	ssyncadd.s32 @!p0 s1  }
0xb5: {  	[bflag:$0x3] =	sbarrier.arrive $0xFFFF  }
0xb6: {  	_ =	shalt  }

// kernel: kernel.14.cloned.1.call-start
scs
__scs_entry_jumppad:
0x0: {  	(pc) =	sbr.rel $0x88, $3  }
0x1: {  	(tag) =	ssettag $0x0;
	lr =	simm.s32 $0x1  }
0x2: {  	[smem:$0x3F9C] =	sst lr;
	_ =	strace $0xD0000000  }
0x3: {  	_ = 	snop  }
0x4: {  	_ = 	snop  }
0x5: {  	_ = 	snop  }
0x6: {  	_ = 	snop  }
0x7: {  	_ = 	snop  }
__scs_overlays_trampoline_lowered:
0x8: {  	[smem:$0x3FAB] =	sst s0  }
0x9: {  	[smem:$0x3FAC] =	sst s1  }
0xa: {  	[smem:$0x3FAD] =	sst s2  }
0xb: {  	[smem:$0x3FAE] =	sst s3  }
0xc: {  	[smem:$0x3FAF] =	sst s4  }
0xd: {  	[smem:$0x3FB0] =	sst s5  }
0xe: {  	[smem:$0x3FB1] =	sst s6  }
0xf: {  	[smem:$0x3FB2] =	sst s7  }
0x10: {  	[smem:$0x3FB3] =	sst s8  }
0x11: {  	[smem:$0x3FB4] =	sst s9;
	s0 =	simm.s32 @!p0 $0x0  }
0x12: {  	s1 =	sld [smem:$0x3F9A];
	s0 =	simm.s32 @p0 $0x1  }
0x13: {  	[smem:$0x3FB5] =	sst s0;
	s0 =	simm.s32 @!p1 $0x0  }
0x14: {  	s2 =	sld [smem:$0x3F99];
	s0 =	simm.s32 @p1 $0x1  }
0x15: {  	[smem:$0x3FB6] =	sst s0;
	s0 =	simm.s32 @!p2 $0x0  }
0x16: {  	s3 =	sld [smem:$0x3FDB];
	s0 =	simm.s32 @p2 $0x1  }
0x17: {  	s4 =	simm.s32 $0x1BF5;
	[smem:$0x3FB8] =	sst s0  }
0x18: {  	s0 =	sld [smem:$0x3F9B];
	_ =	swait.ge [sflag:s4], $0x0  }
0x19: {  	s7 =	sld [smem:$0x3F9C]  }
0x1a: {  	s8 =	sadd.s32 $0xFFFFE003, lr  }
0x1b: {  	s9 =	sadd.s32 $0xFFFFFEF7, lr;
	s5 =	simm.s32 $0xFFFFFFFF;
	p2 =	slt.u32 s8, $0xFFFFF086  }
0x1c: {  	p1 =	slt.u32 s9, $0xF7A;
	s5 =	simm.s32 @!p2 $0x0  }
0x1d: {  	s5 =	simm.s32 @p1 $0x1;
	p0 =	seq.s32 s7, s2  }
0x1e: {  	s7 =	smul.u32 @!p0 $0xF7A, s2;
	p2 =	seq.s32 @!p0 s5, $0x0  }
0x1f: {  	s9 =	smul.u32 $0xF7A, s1;
	s8 =	simm.s32 @!p0 $0x1BF5;
	p2 =	por !p2, p0  }
0x20: {  	[sflag:s8] =	ssyncset.s32 @!p0 $0xFFFFF086;
	s6 =	sadd.s32 @!p0 s3, s7;
	s7 =	simm.s32 @!p0 $0x108  }
0x21: {  	s3 =	sadd.s32 s3, s9;
	s6 =	sadd.s32 @!p0 $0x88, s6;
	s7 =	simm.s32 @p2 $0x1082  }
0x22: {  	[simem:s7], [sflag:s8] =	dma.local @!p0 [hbm:s6], $0xF7A  }
0x23: {  	s9 =	sor.u32 $0xD0000000, s2;
	s6 =	simm.s32 $0x108;
	_ =	swait.ge @!p0 [sflag:s8], $0x0  }
0x24: {  	s3 =	sadd.s32 $0x88, s3;
	s6 =	simm.s32 @!p1 $0x1082;
	[sflag:s4] =	ssyncset.s32 $0xFFFFF086  }
0x25: {  	[simem:s6], [sflag:s4] =	dma.local [hbm:s3], $0xF7A  }
0x26: {  	[smem:$0x3F9C] =	sst s1;
	(tag) =	ssettag s2;
	_ =	strace s9  }
0x27: {  	s1 =	sld [smem:$0x3FAC]  }
0x28: {  	s2 =	sld [smem:$0x3FAD]  }
0x29: {  	s4 =	sld [smem:$0x3FAF]  }
0x2a: {  	p0 =	seq.s32 s5, $0x0;
	s5 =	sld [smem:$0x3FB0]  }
0x2b: {  	s6 =	sld [smem:$0x3FB1]  }
0x2c: {  	s7 =	sld [smem:$0x3FB2]  }
0x2d: {  	s3 =	simm.s32 $0x108;
	s8 =	sld [smem:$0x3FB3]  }
0x2e: {  	s3 =	simm.s32 @!p0 $0x1082;
	s9 =	sld [smem:$0x3FB4]  }
0x2f: {  	lr =	sadd.s32 s0, s3;
	s0 =	sld [smem:$0x3FAB]  }
0x30: {  	s3 =	sld [smem:$0x3FAE]  }
0x31: {  	[smem:$0x3FB7] =	sst s10  }
0x32: {  	s10 =	sld [smem:$0x3FB5];
	_ =	sdelay $0x3  }
0x33: {  	p0 =	seq.s32 s10, $0x1;
	s10 =	sld [smem:$0x3FB7];
	_ =	sdelay $0x3  }
0x34: {  	[smem:$0x3FB7] =	sst s10  }
0x35: {  	s10 =	sld [smem:$0x3FB6];
	_ =	sdelay $0x3  }
0x36: {  	p1 =	seq.s32 s10, $0x1;
	s10 =	sld [smem:$0x3FB7];
	_ =	sdelay $0x3  }
0x37: {  	[smem:$0x3FB7] =	sst s10  }
0x38: {  	s10 =	sld [smem:$0x3FB8]  }
0x39: {  	_ = 	snop;
	(pc) =	sbr.ind lr, $3  }
0x3a: {  	_ = 	snop  }
0x3b: {  	_ = 	snop  }
0x3c: {  	p2 =	seq.s32 s10, $0x1;
	s10 =	sld [smem:$0x3FB7]  }
0x3d: {  	_ =	shalt  }
0x3e: {  	_ =	shalt  }
0x3f: {  	_ =	shalt  }
0x40: {  	_ =	shalt  }
0x41: {  	_ =	shalt  }
0x42: {  	_ =	shalt  }
0x43: {  	_ =	shalt  }
0x44: {  	_ =	shalt  }
0x45: {  	_ =	shalt  }
0x46: {  	_ =	shalt  }
0x47: {  	_ =	shalt  }
0x48: {  	_ =	shalt  }
0x49: {  	_ =	shalt  }
0x4a: {  	_ =	shalt  }
0x4b: {  	_ =	shalt  }
0x4c: {  	_ =	shalt  }
0x4d: {  	_ =	shalt  }
0x4e: {  	_ =	shalt  }
0x4f: {  	_ =	shalt  }
0x50: {  	_ =	shalt  }
0x51: {  	_ =	shalt  }
0x52: {  	_ =	shalt  }
0x53: {  	_ =	shalt  }
0x54: {  	_ =	shalt  }
0x55: {  	_ =	shalt  }
0x56: {  	_ =	shalt  }
0x57: {  	_ =	shalt  }
0x58: {  	_ =	shalt  }
0x59: {  	_ =	shalt  }
0x5a: {  	_ =	shalt  }
0x5b: {  	_ =	shalt  }
0x5c: {  	_ =	shalt  }
0x5d: {  	_ =	shalt  }
0x5e: {  	_ =	shalt  }
0x5f: {  	_ =	shalt  }
0x60: {  	_ =	shalt  }
0x61: {  	_ =	shalt  }
0x62: {  	_ =	shalt  }
0x63: {  	_ =	shalt  }
0x64: {  	_ =	shalt  }
0x65: {  	_ =	shalt  }
0x66: {  	_ =	shalt  }
0x67: {  	_ =	shalt  }
0x68: {  	_ =	shalt  }
0x69: {  	_ =	shalt  }
0x6a: {  	_ =	shalt  }
0x6b: {  	_ =	shalt  }
0x6c: {  	_ =	shalt  }
0x6d: {  	_ =	shalt  }
0x6e: {  	_ =	shalt  }
0x6f: {  	_ =	shalt  }
0x70: {  	_ =	shalt  }
0x71: {  	_ =	shalt  }
0x72: {  	_ =	shalt  }
0x73: {  	_ =	shalt  }
0x74: {  	_ =	shalt  }
0x75: {  	_ =	shalt  }
0x76: {  	_ =	shalt  }
0x77: {  	_ =	shalt  }
0x78: {  	_ =	shalt  }
0x79: {  	_ =	shalt  }
0x7a: {  	_ =	shalt  }
0x7b: {  	_ =	shalt  }
0x7c: {  	_ =	shalt  }
0x7d: {  	_ =	shalt  }
0x7e: {  	_ =	shalt  }
0x7f: {  	_ =	shalt  }
0x80: {  	_ =	shalt  }
0x81: {  	_ =	shalt  }
0x82: {  	_ =	shalt  }
0x83: {  	_ =	shalt  }
0x84: {  	_ =	shalt  }
0x85: {  	_ =	shalt  }
0x86: {  	_ =	shalt  }
0x87: {  	_ =	shalt  }
.Lfunc_end0:
.L_simem_size_0:
called_computation.1_lowered:
.L_overlay_start_0:
0x88: {  	s2 =	sld [smem:$0x3FD9]  }
0x89: {  	s3 =	sld [smem:$0x3FFE];
	_ =	sdelay $0x1  }
0x8a: {  	s1 =	srdreg.scid  }
0x8b: {  	s0 =	sand.u32 $0x1, s1  }
0x8c: {  	s17 =	sshll.u32 s0, $0xA;
	s2 =	sadd.s32 s3, s2  }
0x8d: {  	s2 =	sadd.s32 s2, s17  }
0x8e: {  	[smem:$0x3FC3] =	sst s2  }
0x8f: {  	_ = 	snop  }
0x90: {  	s18 =	sld [smem:$0x3FD0];
	(tm) =	ssettm $0x1  }
0x91: {  	s19 =	sld [smem:$0x3FFB];
	_ =	sdelay $0x3  }
0x92: {  	_ =	strace s19  }
0x93: {  	s2 =	sld [smem:$0x3FFC];
	_ =	sdelay $0x3  }
0x94: {  	_ =	strace s2  }
0x95: {  	s2 =	sld [smem:$0x3FFD];
	_ =	sdelay $0x3  }
0x96: {  	_ =	strace s2  }
0x97: {  	_ =	strace $0x8FFFFFFF  }
0x98: {  	s20 =	sld [smem:$0x3FDB];
	_ =	sdelay $0x1  }
0x99: {  	s4 =	simm.s32 $_scs_section_size  }
0x9a: {  	s5 =	simm.s32 $_size__tile_overlayer_lowered;
	s6 =	simm.s32 $_tile_overlayer_lowered  }
0x9b: {  	s7 =	simm.s32 $0x1BFF;
	s21 =	sshll.u32 s6, $0x1;
	s4 =	sadd.s32 s4, s20  }
0x9c: {  	s22 =	simm.s32 $0x0;
	s5 =	sshll.u32 s5, $0x1;
	s6 =	sadd.s32 s21, s4  }
0x9d: {  	[timem:s22], [sflag:s7] =	dma.local [hbm:s6], s5  }
0x9e: {  	_ =	swait.ge [sflag:s7], s5  }
0x9f: {  	s5 =	ssub.s32 $0x0, s5;
	[sflag:s7] =	ssyncset.done $0x0  }
0xa0: {  	[sflag:s7] =	ssyncadd.s32 s5;
	_ =	sdelay $0x1  }
0xa1: {  	s23 =	simm.s32 $0x1B8B  }
0xa2: {  	_ =	swait.ge [sflag:s23], $0x1  }
0xa3: {  	[sflag:s23] =	ssyncset.done $0x0  }
0xa4: {  	[sflag:s23] =	ssyncadd.s32 $0xFFFFFFFF  }
0xa5: {  	s5 =	sld [smem:$0x0]  }
0xa6: {  	s6 =	sand.u32 $0xFFFFFFFE, s1  }
0xa7: {  	p0 =	sne.s32 s1, s6  }
0xa8: {  	s6 =	sshll.u32 @p0 s6, $0xE  }
0xa9: {  	s6 =	sadd.s32 @p0 $0x11B8D, s6;
	s7 =	sshll.u32 @p0 s5, $0x11  }
0xaa: {  	s6 =	sor.u32 @p0 s7, s6  }
0xab: {  	[sflag:s6] =	ssyncadd.remote.s32 @p0 $0x1;
	_ =	sdelay $0x1  }
0xac: {  	s6 =	simm.s32 @p0 $0x1B8D  }
0xad: {  	_ =	swait.eq @p0 [sflag:s6], $0x1  }
0xae: {  	[sflag:s6] =	ssyncadd.s32 @p0 $0xFFFFFFFF  }
0xaf: {  	s7 =	sshll.u32 @!p0 s1, $0xE  }
0xb0: {  	s7 =	sor.u32 @!p0 $0x4000, s7;
	s6 =	simm.s32 @!p0 $0x1B8D  }
0xb1: {  	s5 =	sshll.u32 @!p0 s5, $0x11;
	s7 =	sadd.s32 @!p0 $0x11B8D, s7;
	_ =	swait.eq @!p0 [sflag:s6], $0x1  }
0xb2: {  	s5 =	sor.u32 @!p0 s5, s7;
	[sflag:s6] =	ssyncadd.s32 @!p0 $0xFFFFFFFF  }
0xb3: {  	s25 =	simm.s32 $0x1B8E;
	s24 =	sld [smem:$0x3FFE];
	[sflag:s5] =	ssyncadd.remote.s32 @!p0 $0x1  }
0xb4: {  	s26 =	simm.s32 $execute0_lowered;
	[smem:$0x3FD2] =	sst s25  }
0xb5: {  	s6 =	sshll.u32 s26, $0x1;
	_ =	strace $0x80000049;
	[dreg:$0x1] =	wrdreg $0xFFFFFFFF  }
0xb6: {  	s28 =	simm.s32 $_size_execute0_lowered;
	s4 =	sadd.s32 s4, s6;
	[dreg:$0x0] =	wrdreg $0x0  }
0xb7: {  	s6 =	sshll.u32 s28, $0x1;
	[dreg:$0x2] =	wrdreg s4  }
0xb8: {  	[dreg:$0x3] =	wrdreg s6  }
0xb9: {  	[dreg:$0x4] =	wrdreg $0xC0  }
0xba: {  	_ =	task [dreg:s22], $0x5FFFF  }
0xbb: {  	[dreg:$0x1] =	wrdreg $0xFFFFFFFF  }
0xbc: {  	[dreg:$0x0] =	wrdreg $0x60  }
0xbd: {  	[dreg:$0x2] =	wrdreg s24  }
0xbe: {  	[dreg:$0x3] =	wrdreg s18  }
0xbf: {  	[dreg:$0x4] =	wrdreg $0xA  }
0xc0: {  	_ =	task.clear_ibuf [dreg:s22], $0x5FFFF;
	_ =	strace $0x90000049  }
0xc1: {  	s29 =	simm.s32 $0xA;
	_ =	strace $0x8000004B  }
0xc2: {  	_ =	swait.ge [sflag:s29], $0x1  }
0xc3: {  	[sflag:s29] =	ssyncadd.s32 $0xFFFFFFFF  }
0xc4: {  	_ =	strace $0x9000004B  }
0xc5: {  	_ =	sfence  }
0xc6: {  	s30 =	sld [smem:$0x0];
	_ =	sdelay $0x2  }
0xc7: {  	s31 =	sshll.u32 s1, $0xD;
	s1 =	sshrl.u32 s1, $0x2  }
0xc8: {  	s4 =	sand.u32 $0x4000, s31;
	s1 =	sadd.s32 s1, s30  }
0xc9: {  	s0 =	sor.u32 s4, s0;
	s1 =	sshll.u32 s1, $0x11  }
0xca: {  	s0 =	sor.u32 s1, s0  }
0xcb: {  	s0 =	sadd.s32 $0x8F2B, s0  }
0xcc: {  	[sflag:s0] =	ssyncadd.remote.s32 $0x1  }
0xcd: {  	_ =	sfence.sel $0xFFFF  }
0xce: {  	[dreg:$0x0] =	wrdreg $0xFFFFFFFF;
	(pc) =	sbr.abs _section_cstart, $3  }
0xcf: {  	[dreg:$0x1] =	wrdreg $0xFFFFFFFF  }
0xd0: {  	_ =	task.clear_ibuf [dreg:s22], $0x2FFFF;
	_ =	strace $0x9FFFFFFF  }
0xd1: {  	(tm) =	ssettm $0x7FFFFFFF  }
tec
execute0_lowered:
.L_overlay_start_1:
0x0: {  	(tag) =	ssettag $0x1  }
0x1: {  	s0 =	rddreg [dreg:$0x0]  }
0x2: {  	s1 =	srdreg.scid;
	s9 =	stileid.u32  }
0x3: {  	s2 =	rddreg [dreg:$0x1];
	s3 =	simm.s32 $0x0;
	s16 =	simm.s32 $0x9  }
0x4: {  	s17 =	simm.s32 $0x28;
	s18 =	simm.s32 $0x1400;
	s19 =	simm.s32 $0x2800  }
0x5: {  	s20 =	simm.s32 $0x1;
	s22 =	simm.s32 $0x3C00;
	s23 =	simm.s32 $0x2  }
0x6: {  	s25 =	simm.s32 $0x5000;
	s28 =	simm.s32 $0x5;
	s30 =	simm.s32 $0x4  }
0x7: {  	s1 =	sand.u32 $0x1, s1;
	s4 =	sshll.u32 s9, $0x1;
	s12 =	smul.u32 $0x27100, s9  }
0x8: {  	s4 =	sor.u32 s1, s4;
	s6 =	ssub.s32 $0x2, s1;
	s1 =	smul.u32 $0x13880, s1  }
0x9: {  	s31 =	simm.s32 $0x6;
	s21 =	simm.s32 $0x8;
	s5 =	smul.u32 $0x1388, s4  }
0xa: {  	s24 =	simm.s32 $0x0;
	[smem:$0x7FF] =	sst s3;
	s7 =	smul.u32 $0x9C400, s4  }
0xb: {  	_ =	strace $0x8000004A;
	s8 =	sshrl.u32 s6, $0x1;
	s4 =	smul.u32 $0x13880, s4  }
0xc: {  	s14 =	ssub.s32 s6, s8;
	s5 =	sshrl.u32 s5, $0x3;
	s26 =	sshrl.u32 s7, $0x3  }
0xd: {  	s14 =	smax.u32 s14, $0x1;
	s5 =	sadd.s32 s5, s0;
	s0 =	sadd.s32 $0x2CBC00, s0  }
0xe: {  	s5 =	sadd.s32 $0x2C6C00, s5;
	s4 =	sadd.s32 s0, s4;
	s29 =	sadd.s32 s0, s26  }
0xf: {  	s0 =	sadd.s32 s12, s0;
	s26 =	simm.s32 $0x3;
	[dreg:$0x3] =	wrdreg s5  }
0x10: {  	[dreg:$0x4] =	wrdreg s4;
	s6 =	sadd.s32 $0x280, s29;
	s7 =	sadd.s32 $0x500, s29  }
0x11: {  	s8 =	sadd.s32 $0x780, s29;
	s9 =	sadd.s32 $0x12C00, s29;
	s10 =	sadd.s32 $0x12E80, s29  }
0x12: {  	s11 =	sadd.s32 $0x13100, s29;
	s12 =	sadd.s32 $0x13380, s29;
	s0 =	sadd.s32 s1, s0  }
0x13: {  	s13 =	sadd.s32 $0x13600, s29;
	s15 =	sadd.s32 $0xA00, s0;
	s0 =	simm.s32 $0x7  }
.LBB2_1:
0x14: {  	s1 =	rddreg [dreg:$0x3]  }
0x15: {  	[tilespmem:s3], [sflag:$0x9] =	stream.linear.gather [hbm4b:s1+s3], $0x1388, $0x38;
	[tilespmem:$0x6400] =	vst v63  }
0x16: {  	_ =	swait.ge [sflag:s16], $0x1388  }
0x17: {  	[sflag:s16] =	ssyncset.done $0x0  }
0x18: {  	[sflag:s16] =	ssyncadd.s32 $0xFFFFEC78  }
0x19: {  	[tilespmem:s18], [sflag:$0x1] =	stream.indirect.gather [hbm4b:s2+s17], $0x80, s3, s17, $0xb8;
	[tilespmem:$0x6400] =	vst v63  }
0x1a: {  	_ = 	snop  }
0x1b: {  	[tilespmem:s19], [sflag:$0x2] =	stream.indirect.gather [hbm4b:s2+s17], $0x80, s17, s17, $0xb8;
	[tilespmem:$0x6400] =	vst v63  }
0x1c: {  	_ =	swait.ge [sflag:s20], $0x1400  }
0x1d: {  	[sflag:s20] =	ssyncset.done $0x0  }
0x1e: {  	s5 =	rddreg [dreg:$0x4];
	[sflag:s20] =	ssyncadd.s32 $0xFFFFEC00  }
0x1f: {  	[hbm4b:s5+s3] =	stream.linear.scatter [tilespmem:s18], [sflag:$0x5], $0x1400, $0x38;
	[tilespmem:$0x6400] =	vst v63  }
0x20: {  	s4 =	simm.s32 $0x50  }
0x21: {  	[tilespmem:s22], [sflag:$0x3] =	stream.indirect.gather [hbm4b:s2+s17], $0x80, s4, s17, $0xb8;
	[tilespmem:$0x6400] =	vst v63  }
0x22: {  	_ =	swait.ge [sflag:s23], $0x1400  }
0x23: {  	[sflag:s23] =	ssyncset.done $0x0  }
0x24: {  	[sflag:s23] =	ssyncadd.s32 $0xFFFFEC00  }
0x25: {  	[hbm4b:s6+s3] =	stream.linear.scatter [tilespmem:s19], [sflag:$0x6], $0x1400, $0x38;
	[tilespmem:$0x6400] =	vst v63  }
0x26: {  	s5 =	simm.s32 $0x78  }
0x27: {  	[tilespmem:s25], [sflag:$0x4] =	stream.indirect.gather [hbm4b:s2+s17], $0x80, s5, s17, $0xb8;
	[tilespmem:$0x6400] =	vst v63  }
0x28: {  	_ =	swait.ge [sflag:s26], $0x1400  }
0x29: {  	[sflag:s26] =	ssyncset.done $0x0  }
0x2a: {  	[sflag:s26] =	ssyncadd.s32 $0xFFFFEC00  }
0x2b: {  	[hbm4b:s7+s3] =	stream.linear.scatter [tilespmem:s22], [sflag:$0x7], $0x1400, $0x38;
	[tilespmem:$0x6400] =	vst v63  }
0x2c: {  	_ =	swait.ge [sflag:s28], $0x1400  }
0x2d: {  	[sflag:s28] =	ssyncset.done $0x0  }
0x2e: {  	s4 =	simm.s32 $0xA0;
	[sflag:s28] =	ssyncadd.s32 $0xFFFFEC00  }
0x2f: {  	[tilespmem:s18], [sflag:$0x1] =	stream.indirect.gather [hbm4b:s2+s17], $0x80, s4, s17, $0xb8;
	[tilespmem:$0x6400] =	vst v63  }
0x30: {  	_ =	swait.ge [sflag:s30], $0x1400  }
0x31: {  	[sflag:s30] =	ssyncset.done $0x0  }
0x32: {  	[sflag:s30] =	ssyncadd.s32 $0xFFFFEC00  }
0x33: {  	[hbm4b:s8+s3] =	stream.linear.scatter [tilespmem:s25], [sflag:$0x8], $0x1400, $0x38;
	[tilespmem:$0x6400] =	vst v63  }
0x34: {  	_ =	swait.ge [sflag:s31], $0x1400  }
0x35: {  	[sflag:s31] =	ssyncset.done $0x0  }
0x36: {  	s5 =	simm.s32 $0xC8;
	[sflag:s31] =	ssyncadd.s32 $0xFFFFEC00  }
0x37: {  	[tilespmem:s19], [sflag:$0x2] =	stream.indirect.gather [hbm4b:s2+s17], $0x80, s5, s17, $0xb8;
	[tilespmem:$0x6400] =	vst v63  }
0x38: {  	_ =	swait.ge [sflag:s20], $0x1400  }
0x39: {  	[sflag:s20] =	ssyncset.done $0x0  }
0x3a: {  	[sflag:s20] =	ssyncadd.s32 $0xFFFFEC00  }
0x3b: {  	[hbm4b:s15+s3] =	stream.linear.scatter [tilespmem:s18], [sflag:$0x5], $0x1400, $0x38;
	[tilespmem:$0x6400] =	vst v63  }
0x3c: {  	_ =	swait.ge [sflag:s0], $0x1400  }
0x3d: {  	[sflag:s0] =	ssyncset.done $0x0  }
0x3e: {  	s4 =	simm.s32 $0xF0;
	[sflag:s0] =	ssyncadd.s32 $0xFFFFEC00  }
0x3f: {  	[tilespmem:s22], [sflag:$0x3] =	stream.indirect.gather [hbm4b:s2+s17], $0x80, s4, s17, $0xb8;
	[tilespmem:$0x6400] =	vst v63  }
0x40: {  	_ =	swait.ge [sflag:s23], $0x1400  }
0x41: {  	[sflag:s23] =	ssyncset.done $0x0  }
0x42: {  	s5 =	sadd.s32 $0x280, s15;
	[sflag:s23] =	ssyncadd.s32 $0xFFFFEC00  }
0x43: {  	[hbm4b:s5+s3] =	stream.linear.scatter [tilespmem:s19], [sflag:$0x6], $0x1400, $0x38;
	[tilespmem:$0x6400] =	vst v63  }
0x44: {  	_ =	swait.ge [sflag:s21], $0x1400  }
0x45: {  	[sflag:s21] =	ssyncset.done $0x0  }
0x46: {  	s4 =	simm.s32 $0x118;
	[sflag:s21] =	ssyncadd.s32 $0xFFFFEC00  }
0x47: {  	[tilespmem:s25], [sflag:$0x4] =	stream.indirect.gather [hbm4b:s2+s17], $0x80, s4, s17, $0xb8;
	[tilespmem:$0x6400] =	vst v63  }
0x48: {  	_ =	swait.ge [sflag:s26], $0x1400  }
0x49: {  	[sflag:s26] =	ssyncset.done $0x0  }
0x4a: {  	s5 =	sadd.s32 $0x500, s15;
	[sflag:s26] =	ssyncadd.s32 $0xFFFFEC00  }
0x4b: {  	[hbm4b:s5+s3] =	stream.linear.scatter [tilespmem:s22], [sflag:$0x7], $0x1400, $0x38;
	[tilespmem:$0x6400] =	vst v63  }
0x4c: {  	_ =	swait.ge [sflag:s28], $0x1400  }
0x4d: {  	[sflag:s28] =	ssyncset.done $0x0  }
0x4e: {  	s4 =	simm.s32 $0x140;
	[sflag:s28] =	ssyncadd.s32 $0xFFFFEC00  }
0x4f: {  	[tilespmem:s18], [sflag:$0x1] =	stream.indirect.gather [hbm4b:s2+s17], $0x80, s4, s17, $0xb8;
	[tilespmem:$0x6400] =	vst v63  }
0x50: {  	_ =	swait.ge [sflag:s30], $0x1400  }
0x51: {  	[sflag:s30] =	ssyncset.done $0x0  }
0x52: {  	s5 =	sadd.s32 $0x780, s15;
	[sflag:s30] =	ssyncadd.s32 $0xFFFFEC00  }
0x53: {  	[hbm4b:s5+s3] =	stream.linear.scatter [tilespmem:s25], [sflag:$0x8], $0x1400, $0x38;
	[tilespmem:$0x6400] =	vst v63  }
0x54: {  	_ =	swait.ge [sflag:s31], $0x1400  }
0x55: {  	s29 =	simm.s32 $0x280;
	[sflag:s31] =	ssyncset.done $0x0  }
0x56: {  	s1 =	sadd.s32 $0xA00, s15;
	s4 =	simm.s32 $0x168;
	[sflag:s31] =	ssyncadd.s32 $0xFFFFEC00  }
.LBB2_2:
0x57: {  	[tilespmem:s19], [sflag:$0x2] =	stream.indirect.gather [hbm4b:s2+s17], $0x80, s4, s17, $0xb8;
	[tilespmem:$0x6400] =	vst v63  }
0x58: {  	s4 =	smov.u32 s29  }
0x59: {  	p0 =	sne.s32 s29, $0x4600;
	s29 =	sadd.s32 $0x280, s29;
	_ =	swait.ge [sflag:s20], $0x1400  }
0x5a: {  	[sflag:s20] =	ssyncset.done $0x0  }
0x5b: {  	[sflag:s20] =	ssyncadd.s32 $0xFFFFEC00  }
0x5c: {  	[hbm4b:s1+s3] =	stream.linear.scatter [tilespmem:s18], [sflag:$0x5], $0x1400, $0x38;
	[tilespmem:$0x6400] =	vst v63  }
0x5d: {  	_ =	swait.ge [sflag:s0], $0x1400  }
0x5e: {  	s4 =	sshra.s32 s4, $0x2;
	[sflag:s0] =	ssyncset.done $0x0  }
0x5f: {  	s5 =	sadd.s32 $0xF0, s4;
	[sflag:s0] =	ssyncadd.s32 $0xFFFFEC00  }
0x60: {  	[tilespmem:s22], [sflag:$0x3] =	stream.indirect.gather [hbm4b:s2+s17], $0x80, s5, s17, $0xb8;
	[tilespmem:$0x6400] =	vst v63  }
0x61: {  	_ =	swait.ge [sflag:s23], $0x1400  }
0x62: {  	[sflag:s23] =	ssyncset.done $0x0  }
0x63: {  	s5 =	sadd.s32 $0x280, s1;
	[sflag:s23] =	ssyncadd.s32 $0xFFFFEC00  }
0x64: {  	[hbm4b:s5+s3] =	stream.linear.scatter [tilespmem:s19], [sflag:$0x6], $0x1400, $0x38;
	[tilespmem:$0x6400] =	vst v63  }
0x65: {  	_ =	swait.ge [sflag:s21], $0x1400  }
0x66: {  	[sflag:s21] =	ssyncset.done $0x0  }
0x67: {  	s5 =	sadd.s32 $0x118, s4;
	[sflag:s21] =	ssyncadd.s32 $0xFFFFEC00  }
0x68: {  	[tilespmem:s25], [sflag:$0x4] =	stream.indirect.gather [hbm4b:s2+s17], $0x80, s5, s17, $0xb8;
	[tilespmem:$0x6400] =	vst v63  }
0x69: {  	_ =	swait.ge [sflag:s26], $0x1400  }
0x6a: {  	[sflag:s26] =	ssyncset.done $0x0  }
0x6b: {  	s5 =	sadd.s32 $0x500, s1;
	[sflag:s26] =	ssyncadd.s32 $0xFFFFEC00  }
0x6c: {  	[hbm4b:s5+s3] =	stream.linear.scatter [tilespmem:s22], [sflag:$0x7], $0x1400, $0x38;
	[tilespmem:$0x6400] =	vst v63  }
0x6d: {  	_ =	swait.ge [sflag:s28], $0x1400  }
0x6e: {  	[sflag:s28] =	ssyncset.done $0x0  }
0x6f: {  	s5 =	sadd.s32 $0x140, s4;
	[sflag:s28] =	ssyncadd.s32 $0xFFFFEC00  }
0x70: {  	[tilespmem:s18], [sflag:$0x1] =	stream.indirect.gather [hbm4b:s2+s17], $0x80, s5, s17, $0xb8;
	[tilespmem:$0x6400] =	vst v63  }
0x71: {  	_ =	swait.ge [sflag:s30], $0x1400  }
0x72: {  	[sflag:s30] =	ssyncset.done $0x0  }
.Ltmp0:
0x73: {  	s5 =	sadd.s32 $0x780, s1;
	[sflag:s30] =	ssyncadd.s32 $0xFFFFEC00;
	(pc) =	sbr.rel @p0 .LBB2_2-.Ltmp0, $4  }
0x74: {  	[hbm4b:s5+s3] =	stream.linear.scatter [tilespmem:s25], [sflag:$0x8], $0x1400, $0x38;
	[tilespmem:$0x6400] =	vst v63  }
0x75: {  	_ =	swait.ge [sflag:s31], $0x1400  }
0x76: {  	[sflag:s31] =	ssyncset.done $0x0  }
0x77: {  	s4 =	sadd.s32 $0x168, s4;
	s1 =	sadd.s32 $0xA00, s1;
	[sflag:s31] =	ssyncadd.s32 $0xFFFFEC00  }
0x78: {  	[tilespmem:s19], [sflag:$0x2] =	stream.indirect.gather [hbm4b:s2+s17], $0x80, s4, s17, $0xb8;
	[tilespmem:$0x6400] =	vst v63  }
0x79: {  	_ =	swait.ge [sflag:s20], $0x1400  }
0x7a: {  	[sflag:s20] =	ssyncset.done $0x0  }
0x7b: {  	[sflag:s20] =	ssyncadd.s32 $0xFFFFEC00  }
0x7c: {  	[hbm4b:s9+s3] =	stream.linear.scatter [tilespmem:s18], [sflag:$0x5], $0x1400, $0x38;
	[tilespmem:$0x6400] =	vst v63  }
0x7d: {  	_ =	swait.ge [sflag:s0], $0x1400  }
0x7e: {  	[sflag:s0] =	ssyncset.done $0x0  }
0x7f: {  	s1 =	simm.s32 $0x1310;
	[sflag:s0] =	ssyncadd.s32 $0xFFFFEC00  }
0x80: {  	[tilespmem:s22], [sflag:$0x3] =	stream.indirect.gather [hbm4b:s2+s17], $0x80, s1, s17, $0xb8;
	[tilespmem:$0x6400] =	vst v63  }
0x81: {  	_ =	swait.ge [sflag:s23], $0x1400  }
0x82: {  	[sflag:s23] =	ssyncset.done $0x0  }
0x83: {  	[sflag:s23] =	ssyncadd.s32 $0xFFFFEC00  }
0x84: {  	[hbm4b:s10+s3] =	stream.linear.scatter [tilespmem:s19], [sflag:$0x6], $0x1400, $0x38;
	[tilespmem:$0x6400] =	vst v63  }
0x85: {  	_ =	swait.ge [sflag:s21], $0x1400  }
0x86: {  	[sflag:s21] =	ssyncset.done $0x0  }
0x87: {  	s5 =	simm.s32 $0x1338;
	[sflag:s21] =	ssyncadd.s32 $0xFFFFEC00  }
0x88: {  	[tilespmem:s25], [sflag:$0x4] =	stream.indirect.gather [hbm4b:s2+s17], $0x80, s5, s17, $0xb8;
	[tilespmem:$0x6400] =	vst v63  }
0x89: {  	_ =	swait.ge [sflag:s26], $0x1400  }
0x8a: {  	[sflag:s26] =	ssyncset.done $0x0  }
0x8b: {  	[sflag:s26] =	ssyncadd.s32 $0xFFFFEC00  }
0x8c: {  	[hbm4b:s11+s3] =	stream.linear.scatter [tilespmem:s22], [sflag:$0x7], $0x1400, $0x38;
	[tilespmem:$0x6400] =	vst v63  }
0x8d: {  	_ =	swait.ge [sflag:s28], $0x1400  }
0x8e: {  	[sflag:s28] =	ssyncset.done $0x0  }
0x8f: {  	s29 =	simm.s32 $0x1360;
	[sflag:s28] =	ssyncadd.s32 $0xFFFFEC00  }
0x90: {  	[tilespmem:s18], [sflag:$0x1] =	stream.indirect.gather [hbm4b:s2+s17], $0x80, s29, s17, $0xb8;
	[tilespmem:$0x6400] =	vst v63  }
0x91: {  	_ =	swait.ge [sflag:s30], $0x1400  }
0x92: {  	[sflag:s30] =	ssyncset.done $0x0  }
0x93: {  	[sflag:s30] =	ssyncadd.s32 $0xFFFFEC00  }
0x94: {  	[hbm4b:s12+s3] =	stream.linear.scatter [tilespmem:s25], [sflag:$0x8], $0x1400, $0x38;
	[tilespmem:$0x6400] =	vst v63  }
0x95: {  	_ =	swait.ge [sflag:s31], $0x1400  }
0x96: {  	[sflag:s31] =	ssyncset.done $0x0  }
0x97: {  	[sflag:s31] =	ssyncadd.s32 $0xFFFFEC00  }
0x98: {  	_ =	swait.ge [sflag:s20], $0x1400  }
0x99: {  	[sflag:s20] =	ssyncset.done $0x0  }
0x9a: {  	[sflag:s20] =	ssyncadd.s32 $0xFFFFEC00  }
0x9b: {  	[hbm4b:s13+s3] =	stream.linear.scatter [tilespmem:s18], [sflag:$0x5], $0x1400, $0x38;
	[tilespmem:$0x6400] =	vst v63  }
0x9c: {  	_ =	swait.ge [sflag:s0], $0x1400  }
0x9d: {  	[sflag:s0] =	ssyncset.done $0x0  }
0x9e: {  	s24 =	sadd.s32 $0x1, s24;
	[sflag:s0] =	ssyncadd.s32 $0xFFFFEC00  }
0x9f: {  	p0 =	sne.s32 s24, s14;
	_ =	swait.ge [sflag:s21], $0x1400  }
.Ltmp1:
0xa0: {  	[sflag:s21] =	ssyncset.done $0x0;
	(pc) =	sbr.rel @p0 .LBB2_1-.Ltmp1, $4  }
0xa1: {  	[sflag:s21] =	ssyncadd.s32 $0xFFFFEC00  }
0xa2: {  	_ =	swait.ge [sflag:s28], $0x1400  }
0xa3: {  	[sflag:s28] =	ssyncset.done $0x0  }
0xa4: {  	[sflag:s28] =	ssyncadd.s32 $0xFFFFEC00  }
0xa5: {  	_ =	sfence.sel $0x180000  }
0xa6: {  	[bflag:$0x0] =	sbarrier.arrive $0xFFFF  }
0xa7: {  	_ =	strace $0x9000004A  }
0xa8: {  	s0 =	stileid.u32;
	[bflag:$0x2] =	sbarrier.arrive $0xFFFF  }
0xa9: {  	p0 =	sne.s32 s0, $0x0;
	s0 =	rddreg [dreg:$0x2]  }
0xaa: {  	s0 =	sadd.s32 @!p0 $0x100000, s0  }
0xab: {  	[sflag:s0] =	ssyncadd.tile.s32 @!p0 $0x1;
	_ =	shalt  }
.Lfunc_end2:
_tile_overlayer_lowered:
.L_overlay_start_2:
0xac: {  	(tag) =	ssettag $0x2  }
0xad: {  	s0 =	rddreg [dreg:$0x0];
	s2 =	stileid.u32  }
0xae: {  	s1 =	rddreg [dreg:$0x1];
	p0 =	sne.s32 s2, $0x0  }
0xaf: {  	s3 =	rddreg [dreg:$0x2];
	[bflag:$0x3] =	sbarrier.arrive $0xFFFF;
	s2 =	simm.s32 @!p0 $0x1C09  }
0xb0: {  	[timem:s3], [sflag:s2] =	dma.local @!p0 [hbm:s0], s1  }
0xb1: {  	s0 =	simm.s32 @!p0 $0x9  }
0xb2: {  	_ =	swait.ge @!p0 [sflag:s0], s1  }
0xb3: {  	s1 =	ssub.s32 @!p0 $0x0, s1;
	[sflag:s0] =	ssyncset.done @!p0 $0x0  }
0xb4: {  	[sflag:s0] =	ssyncadd.s32 @!p0 s1  }
0xb5: {  	[bflag:$0x3] =	sbarrier.arrive $0xFFFF  }
0xb6: {  	_ =	shalt  }

</sc_bundles>
